<compile_context>
chip_gen: v7x
topology: tpu7x:2x2x1
jax: 0.10.2.dev20260603
libtpu: 0.0.44.dev20260713+nightly
codegen_flags: <defaults>
</compile_context>

<pallas_src>
import functools

import jax
import jax.numpy as jnp
from jax import lax
from jax.experimental import pallas as pl
from jax.experimental.pallas import tpu as pltpu
from jax.experimental.pallas import tpu_sc as plsc

N_CAT = 26
VOCAB = 100000
EMB = 16
BATCH = 16384
NUM = 13
OUT_DIM = N_CAT * EMB + NUM

NC, NS = 2, 16
NW = NC * NS
ROWS_W = BATCH // NW
SUB = 128
NSUB = ROWS_W // SUB


@functools.partial(
    pl.kernel,
    out_type=jax.ShapeDtypeStruct((BATCH, OUT_DIM), jnp.float32),
    mesh=plsc.VectorSubcoreMesh(core_axis_name="c", subcore_axis_name="s"),
    compiler_params=pltpu.CompilerParams(use_tc_tiling_on_sc=False),
    scratch_types=[
        pltpu.VMEM((N_CAT, SUB), jnp.int32),
        pltpu.VMEM((N_CAT, SUB, EMB), jnp.float32),
        pltpu.VMEM((SUB, NUM), jnp.float32),
        pltpu.SemaphoreType.DMA,
    ],
)
def _emb_kernel(table_hbm, idx_hbm, num_hbm, out_hbm, idx_v, emb_v, num_v, sem):
    wid = lax.axis_index("s") * NC + lax.axis_index("c")

    def body(j):
        base = wid * ROWS_W + j * SUB
        pltpu.sync_copy(idx_hbm.at[:, pl.ds(base, SUB)], idx_v)
        gathers = [
            pltpu.async_copy(table_hbm.at[idx_v.at[i]], emb_v.at[i], sem)
            for i in range(N_CAT)
        ]
        pltpu.sync_copy(num_hbm.at[pl.ds(base, SUB)], num_v)
        pltpu.sync_copy(
            num_v, out_hbm.at[pl.ds(base, SUB), pl.ds(N_CAT * EMB, NUM)]
        )
        for c in gathers:
            c.wait()
        stores = [
            pltpu.async_copy(
                emb_v.at[i],
                out_hbm.at[pl.ds(base, SUB), pl.ds(i * EMB, EMB)],
                sem,
            )
            for i in range(N_CAT)
        ]
        for c in stores:
            c.wait()

    pl.loop(0, NSUB)(body)


def kernel(x, tables):
    cat = x[:, :N_CAT].astype(jnp.int32)
    idx = cat.T + jnp.arange(N_CAT, dtype=jnp.int32)[:, None] * VOCAB
    num = x[:, N_CAT:]
    flat_tables = tables.reshape(N_CAT * VOCAB, EMB)
    return _emb_kernel(flat_tables, idx, num)

# --- scband reference (transcript-rebuilt; emitter-appended) ---
"""Pipeline reference for scband-mixed-embedding-25933012533477 (READ-ONLY COPY).

The authoritative reference and input builder live on the scoring server;
editing this copy changes nothing except your own understanding.
"""

import jax, jax.numpy as jnp
import numpy as np

N_CAT = 26
VOCAB = 100000
EMB = 16
INPUT_DIM = 39
BATCH = 16384


def setup_inputs(seed: int = 0) -> dict:
    key = jax.random.key(seed)
    k1, k2 = jax.random.split(key)
    # x holds categorical ids (as floats) in columns 0..25 and dense values in columns 26..38.
    # randint fill keeps the first 26 columns valid indices in [0, VOCAB).
    x = jax.random.randint(k1, (BATCH, INPUT_DIM), 0, VOCAB).astype(jnp.float32)
    # 26 embedding tables, each [VOCAB, EMB]; embedding_dim = min(embedding_size=16, cardinality=100000) = 16.
    tables = jax.random.normal(k2, (N_CAT, VOCAB, EMB), dtype=jnp.float32) * 0.01
    return {"x": x, "tables": tables}


def reference(x, tables):
    # catx = x[:, categorical_idx].int()
    cat = x[:, :N_CAT].astype(jnp.int32)
    # numx = x[:, numerical_idx]
    num = x[:, N_CAT:]
    # hstack of per-feature embedding lookups (embeddings[i](catx[:, i]))
    embedded = jnp.concatenate([jnp.take(tables[i], cat[:, i], axis=0) for i in range(N_CAT)], axis=1)
    # view(-1, output_dim - n_num) is a no-op reshape here
    embedded = embedded.reshape(-1, N_CAT * EMB)
    return jnp.concatenate([embedded, num], axis=1)

if __name__ == "__main__":
    import jax
    _d = setup_inputs()
    print(jax.jit(kernel)(*tuple(_d.values())))

</pallas_src>

<mosaic_0001>
#map = affine_map<(d0, d1) -> (0, 0)>
module attributes {stable_mosaic.version = 14 : i64} {
  func.func @_emb_kernel(%arg0: i32, %arg1: i32, %arg2: memref<2600000x16xf32, #tpu.memory_space<hbm>>, %arg3: memref<26x16384xi32, #tpu.memory_space<hbm>>, %arg4: memref<16384x13xf32, #tpu.memory_space<hbm>>, %arg5: memref<16384x429xf32, #tpu.memory_space<hbm>>, %arg6: memref<26x128xi32, #tpu.memory_space<vmem>>, %arg7: memref<26x128x16xf32, #tpu.memory_space<vmem>>, %arg8: memref<128x13xf32, #tpu.memory_space<vmem>>, %arg9: memref<!tpu.dma_semaphore, #tpu.memory_space<semaphore_mem>>) attributes {dimension_semantics = [#tpu.dimension_semantics<core_parallel>, #tpu.dimension_semantics<subcore_parallel>], iteration_bounds = array<i64: 2, 16>, scalar_prefetch = 0 : i64, scratch_operands = 4 : i64, tpu.core_type = #tpu.core_type<sc_vector_subcore>, window_params = [{transform_indices = #map}, {transform_indices = #map}, {transform_indices = #map}, {transform_indices = #map}]} {
    %mul3A = arith.constant 2 : i32
    %mul3A_0 = arith.muli %arg1, %mul3A : i32
    %add3A = arith.addi %mul3A_0, %arg0 : i32
    %scan3A = arith.constant 0 : i32
    %scan3A_1 = arith.constant 4 : i32
    %scan3A_2 = arith.addi %scan3A, %scan3A_1 : i32
    %scan3A_3 = arith.constant 1 : i32
    scf.for %scan3A_5 = %scan3A to %scan3A_2 step %scan3A_3  : i32 {
      %mul3A_6 = arith.constant 1 : i32
      %mul3A_7 = arith.muli %scan3A_5, %mul3A_6 : i32
      %add3A_8 = arith.constant 0 : i32
      %add3A_9 = arith.addi %add3A_8, %mul3A_7 : i32
      %mul3A_10 = arith.constant 512 : i32
      %mul3A_11 = arith.muli %add3A, %mul3A_10 : i32
      %mul3A_12 = arith.constant 128 : i32
      %mul3A_13 = arith.muli %add3A_9, %mul3A_12 : i32
      %add3A_14 = arith.addi %mul3A_11, %mul3A_13 : i32
      "tpu.region"() ({
        %run_scoped3A = tpu.sem_alloc : memref<!tpu.dma_semaphore, #tpu.memory_space<semaphore_mem>>
        %dma_start3A_1313 = arith.constant 0 : i32
        %dma_start3A_1314 = tpu.memref_slice %arg3[%dma_start3A_1313, %add3A_14] : memref<26x16384xi32, #tpu.memory_space<hbm>> -> memref<26x128xi32, #tpu.memory_space<hbm>>
        %dma_start3A_1315 = arith.constant 0 : i32
        %dma_start3A_1316 = tpu.memref_slice %arg3[%dma_start3A_1315, %add3A_14] : memref<26x16384xi32, #tpu.memory_space<hbm>> -> memref<26x128xi32, #tpu.memory_space<hbm>>
        tpu.enqueue_dma source(%dma_start3A_1316 : memref<26x128xi32, #tpu.memory_space<hbm>>) target(%arg6 : memref<26x128xi32, #tpu.memory_space<vmem>>) target_semaphore(%run_scoped3A : memref<!tpu.dma_semaphore, #tpu.memory_space<semaphore_mem>>)
        %dma_wait3A_1317 = arith.constant 0 : i32
        %dma_wait3A_1318 = tpu.memref_slice %arg3[%dma_wait3A_1317, %add3A_14] : memref<26x16384xi32, #tpu.memory_space<hbm>> -> memref<26x128xi32, #tpu.memory_space<hbm>>
        %dma_wait3A_1319 = arith.constant 0 : i32
        %dma_wait3A_1320 = tpu.memref_slice %arg3[%dma_wait3A_1319, %add3A_14] : memref<26x16384xi32, #tpu.memory_space<hbm>> -> memref<26x128xi32, #tpu.memory_space<hbm>>
        tpu.wait_dma2 semaphore(%run_scoped3A : memref<!tpu.dma_semaphore, #tpu.memory_space<semaphore_mem>>) src(%dma_wait3A_1320 : memref<26x128xi32, #tpu.memory_space<hbm>>) dst(%arg6 : memref<26x128xi32, #tpu.memory_space<vmem>>)
        tpu.yield
      }) : () -> ()
      %dma_start3A = arith.constant 0 : i32
      %dma_start3A_15 = arith.constant 0 : i32
      %dma_start3A_16 = arith.constant 0 : i32
      %dma_start3A_17 = arith.constant 0 : i32
      %dma_start3A_18 = tpu.memref_slice %arg7[%dma_start3A_15, %dma_start3A_16, %dma_start3A_17] : memref<26x128x16xf32, #tpu.memory_space<vmem>> -> memref<1x128x16xf32, #tpu.memory_space<vmem>>
      %dma_start3A_19 = tpu.memref_squeeze %dma_start3A_18 : memref<1x128x16xf32, #tpu.memory_space<vmem>> -> memref<128x16xf32, #tpu.memory_space<vmem>>
      %dma_start3A_20 = arith.constant 0 : i32
      %dma_start3A_21 = tpu.memref_slice %arg6[%dma_start3A, %dma_start3A_20] : memref<26x128xi32, #tpu.memory_space<vmem>> -> memref<1x128xi32, #tpu.memory_space<vmem>>
      %dma_start3A_22 = tpu.memref_squeeze %dma_start3A_21 : memref<1x128xi32, #tpu.memory_space<vmem>> -> memref<128xi32, #tpu.memory_space<vmem>>
      %dma_start3A_23 = arith.constant 0 : i32
      %dma_start3A_24 = arith.constant 0 : i32
      %dma_start3A_25 = tpu.memref_slice %arg2[%dma_start3A_23, %dma_start3A_24] : memref<2600000x16xf32, #tpu.memory_space<hbm>> -> memref<2600000x16xf32, #tpu.memory_space<hbm>>
      tpu.enqueue_indirect_dma source(%dma_start3A_25 : memref<2600000x16xf32, #tpu.memory_space<hbm>>) target(%dma_start3A_19 : memref<128x16xf32, #tpu.memory_space<vmem>>) offsets(%dma_start3A_22 : memref<128xi32, #tpu.memory_space<vmem>>) semaphore(%arg9 : memref<!tpu.dma_semaphore, #tpu.memory_space<semaphore_mem>>)
      %dma_start3A_26 = arith.constant 1 : i32
      %dma_start3A_27 = arith.constant 1 : i32
      %dma_start3A_28 = arith.constant 0 : i32
      %dma_start3A_29 = arith.constant 0 : i32
      %dma_start3A_30 = tpu.memref_slice %arg7[%dma_start3A_27, %dma_start3A_28, %dma_start3A_29] : memref<26x128x16xf32, #tpu.memory_space<vmem>> -> memref<1x128x16xf32, #tpu.memory_space<vmem>>
      %dma_start3A_31 = tpu.memref_squeeze %dma_start3A_30 : memref<1x128x16xf32, #tpu.memory_space<vmem>> -> memref<128x16xf32, #tpu.memory_space<vmem>>
      %dma_start3A_32 = arith.constant 0 : i32
      %dma_start3A_33 = tpu.memref_slice %arg6[%dma_start3A_26, %dma_start3A_32] : memref<26x128xi32, #tpu.memory_space<vmem>> -> memref<1x128xi32, #tpu.memory_space<vmem>>
      %dma_start3A_34 = tpu.memref_squeeze %dma_start3A_33 : memref<1x128xi32, #tpu.memory_space<vmem>> -> memref<128xi32, #tpu.memory_space<vmem>>
      %dma_start3A_35 = arith.constant 0 : i32
      %dma_start3A_36 = arith.constant 0 : i32
      %dma_start3A_37 = tpu.memref_slice %arg2[%dma_start3A_35, %dma_start3A_36] : memref<2600000x16xf32, #tpu.memory_space<hbm>> -> memref<2600000x16xf32, #tpu.memory_space<hbm>>
      tpu.enqueue_indirect_dma source(%dma_start3A_37 : memref<2600000x16xf32, #tpu.memory_space<hbm>>) target(%dma_start3A_31 : memref<128x16xf32, #tpu.memory_space<vmem>>) offsets(%dma_start3A_34 : memref<128xi32, #tpu.memory_space<vmem>>) semaphore(%arg9 : memref<!tpu.dma_semaphore, #tpu.memory_space<semaphore_mem>>)
      %dma_start3A_38 = arith.constant 2 : i32
      %dma_start3A_39 = arith.constant 2 : i32
      %dma_start3A_40 = arith.constant 0 : i32
      %dma_start3A_41 = arith.constant 0 : i32
      %dma_start3A_42 = tpu.memref_slice %arg7[%dma_start3A_39, %dma_start3A_40, %dma_start3A_41] : memref<26x128x16xf32, #tpu.memory_space<vmem>> -> memref<1x128x16xf32, #tpu.memory_space<vmem>>
      %dma_start3A_43 = tpu.memref_squeeze %dma_start3A_42 : memref<1x128x16xf32, #tpu.memory_space<vmem>> -> memref<128x16xf32, #tpu.memory_space<vmem>>
      %dma_start3A_44 = arith.constant 0 : i32
      %dma_start3A_45 = tpu.memref_slice %arg6[%dma_start3A_38, %dma_start3A_44] : memref<26x128xi32, #tpu.memory_space<vmem>> -> memref<1x128xi32, #tpu.memory_space<vmem>>
      %dma_start3A_46 = tpu.memref_squeeze %dma_start3A_45 : memref<1x128xi32, #tpu.memory_space<vmem>> -> memref<128xi32, #tpu.memory_space<vmem>>
      %dma_start3A_47 = arith.constant 0 : i32
      %dma_start3A_48 = arith.constant 0 : i32
      %dma_start3A_49 = tpu.memref_slice %arg2[%dma_start3A_47, %dma_start3A_48] : memref<2600000x16xf32, #tpu.memory_space<hbm>> -> memref<2600000x16xf32, #tpu.memory_space<hbm>>
      tpu.enqueue_indirect_dma source(%dma_start3A_49 : memref<2600000x16xf32, #tpu.memory_space<hbm>>) target(%dma_start3A_43 : memref<128x16xf32, #tpu.memory_space<vmem>>) offsets(%dma_start3A_46 : memref<128xi32, #tpu.memory_space<vmem>>) semaphore(%arg9 : memref<!tpu.dma_semaphore, #tpu.memory_space<semaphore_mem>>)
      %dma_start3A_50 = arith.constant 3 : i32
      %dma_start3A_51 = arith.constant 3 : i32
      %dma_start3A_52 = arith.constant 0 : i32
      %dma_start3A_53 = arith.constant 0 : i32
      %dma_start3A_54 = tpu.memref_slice %arg7[%dma_start3A_51, %dma_start3A_52, %dma_start3A_53] : memref<26x128x16xf32, #tpu.memory_space<vmem>> -> memref<1x128x16xf32, #tpu.memory_space<vmem>>
      %dma_start3A_55 = tpu.memref_squeeze %dma_start3A_54 : memref<1x128x16xf32, #tpu.memory_space<vmem>> -> memref<128x16xf32, #tpu.memory_space<vmem>>
      %dma_start3A_56 = arith.constant 0 : i32
      %dma_start3A_57 = tpu.memref_slice %arg6[%dma_start3A_50, %dma_start3A_56] : memref<26x128xi32, #tpu.memory_space<vmem>> -> memref<1x128xi32, #tpu.memory_space<vmem>>
      %dma_start3A_58 = tpu.memref_squeeze %dma_start3A_57 : memref<1x128xi32, #tpu.memory_space<vmem>> -> memref<128xi32, #tpu.memory_space<vmem>>
      %dma_start3A_59 = arith.constant 0 : i32
      %dma_start3A_60 = arith.constant 0 : i32
      %dma_start3A_61 = tpu.memref_slice %arg2[%dma_start3A_59, %dma_start3A_60] : memref<2600000x16xf32, #tpu.memory_space<hbm>> -> memref<2600000x16xf32, #tpu.memory_space<hbm>>
      tpu.enqueue_indirect_dma source(%dma_start3A_61 : memref<2600000x16xf32, #tpu.memory_space<hbm>>) target(%dma_start3A_55 : memref<128x16xf32, #tpu.memory_space<vmem>>) offsets(%dma_start3A_58 : memref<128xi32, #tpu.memory_space<vmem>>) semaphore(%arg9 : memref<!tpu.dma_semaphore, #tpu.memory_space<semaphore_mem>>)
      %dma_start3A_62 = arith.constant 4 : i32
      %dma_start3A_63 = arith.constant 4 : i32
      %dma_start3A_64 = arith.constant 0 : i32
      %dma_start3A_65 = arith.constant 0 : i32
      %dma_start3A_66 = tpu.memref_slice %arg7[%dma_start3A_63, %dma_start3A_64, %dma_start3A_65] : memref<26x128x16xf32, #tpu.memory_space<vmem>> -> memref<1x128x16xf32, #tpu.memory_space<vmem>>
      %dma_start3A_67 = tpu.memref_squeeze %dma_start3A_66 : memref<1x128x16xf32, #tpu.memory_space<vmem>> -> memref<128x16xf32, #tpu.memory_space<vmem>>
      %dma_start3A_68 = arith.constant 0 : i32
      %dma_start3A_69 = tpu.memref_slice %arg6[%dma_start3A_62, %dma_start3A_68] : memref<26x128xi32, #tpu.memory_space<vmem>> -> memref<1x128xi32, #tpu.memory_space<vmem>>
      %dma_start3A_70 = tpu.memref_squeeze %dma_start3A_69 : memref<1x128xi32, #tpu.memory_space<vmem>> -> memref<128xi32, #tpu.memory_space<vmem>>
      %dma_start3A_71 = arith.constant 0 : i32
      %dma_start3A_72 = arith.constant 0 : i32
      %dma_start3A_73 = tpu.memref_slice %arg2[%dma_start3A_71, %dma_start3A_72] : memref<2600000x16xf32, #tpu.memory_space<hbm>> -> memref<2600000x16xf32, #tpu.memory_space<hbm>>
      tpu.enqueue_indirect_dma source(%dma_start3A_73 : memref<2600000x16xf32, #tpu.memory_space<hbm>>) target(%dma_start3A_67 : memref<128x16xf32, #tpu.memory_space<vmem>>) offsets(%dma_start3A_70 : memref<128xi32, #tpu.memory_space<vmem>>) semaphore(%arg9 : memref<!tpu.dma_semaphore, #tpu.memory_space<semaphore_mem>>)
      %dma_start3A_74 = arith.constant 5 : i32
      %dma_start3A_75 = arith.constant 5 : i32
      %dma_start3A_76 = arith.constant 0 : i32
      %dma_start3A_77 = arith.constant 0 : i32
      %dma_start3A_78 = tpu.memref_slice %arg7[%dma_start3A_75, %dma_start3A_76, %dma_start3A_77] : memref<26x128x16xf32, #tpu.memory_space<vmem>> -> memref<1x128x16xf32, #tpu.memory_space<vmem>>
      %dma_start3A_79 = tpu.memref_squeeze %dma_start3A_78 : memref<1x128x16xf32, #tpu.memory_space<vmem>> -> memref<128x16xf32, #tpu.memory_space<vmem>>
      %dma_start3A_80 = arith.constant 0 : i32
      %dma_start3A_81 = tpu.memref_slice %arg6[%dma_start3A_74, %dma_start3A_80] : memref<26x128xi32, #tpu.memory_space<vmem>> -> memref<1x128xi32, #tpu.memory_space<vmem>>
      %dma_start3A_82 = tpu.memref_squeeze %dma_start3A_81 : memref<1x128xi32, #tpu.memory_space<vmem>> -> memref<128xi32, #tpu.memory_space<vmem>>
      %dma_start3A_83 = arith.constant 0 : i32
      %dma_start3A_84 = arith.constant 0 : i32
      %dma_start3A_85 = tpu.memref_slice %arg2[%dma_start3A_83, %dma_start3A_84] : memref<2600000x16xf32, #tpu.memory_space<hbm>> -> memref<2600000x16xf32, #tpu.memory_space<hbm>>
      tpu.enqueue_indirect_dma source(%dma_start3A_85 : memref<2600000x16xf32, #tpu.memory_space<hbm>>) target(%dma_start3A_79 : memref<128x16xf32, #tpu.memory_space<vmem>>) offsets(%dma_start3A_82 : memref<128xi32, #tpu.memory_space<vmem>>) semaphore(%arg9 : memref<!tpu.dma_semaphore, #tpu.memory_space<semaphore_mem>>)
      %dma_start3A_86 = arith.constant 6 : i32
      %dma_start3A_87 = arith.constant 6 : i32
      %dma_start3A_88 = arith.constant 0 : i32
      %dma_start3A_89 = arith.constant 0 : i32
      %dma_start3A_90 = tpu.memref_slice %arg7[%dma_start3A_87, %dma_start3A_88, %dma_start3A_89] : memref<26x128x16xf32, #tpu.memory_space<vmem>> -> memref<1x128x16xf32, #tpu.memory_space<vmem>>
      %dma_start3A_91 = tpu.memref_squeeze %dma_start3A_90 : memref<1x128x16xf32, #tpu.memory_space<vmem>> -> memref<128x16xf32, #tpu.memory_space<vmem>>
      %dma_start3A_92 = arith.constant 0 : i32
      %dma_start3A_93 = tpu.memref_slice %arg6[%dma_start3A_86, %dma_start3A_92] : memref<26x128xi32, #tpu.memory_space<vmem>> -> memref<1x128xi32, #tpu.memory_space<vmem>>
      %dma_start3A_94 = tpu.memref_squeeze %dma_start3A_93 : memref<1x128xi32, #tpu.memory_space<vmem>> -> memref<128xi32, #tpu.memory_space<vmem>>
      %dma_start3A_95 = arith.constant 0 : i32
      %dma_start3A_96 = arith.constant 0 : i32
      %dma_start3A_97 = tpu.memref_slice %arg2[%dma_start3A_95, %dma_start3A_96] : memref<2600000x16xf32, #tpu.memory_space<hbm>> -> memref<2600000x16xf32, #tpu.memory_space<hbm>>
      tpu.enqueue_indirect_dma source(%dma_start3A_97 : memref<2600000x16xf32, #tpu.memory_space<hbm>>) target(%dma_start3A_91 : memref<128x16xf32, #tpu.memory_space<vmem>>) offsets(%dma_start3A_94 : memref<128xi32, #tpu.memory_space<vmem>>) semaphore(%arg9 : memref<!tpu.dma_semaphore, #tpu.memory_space<semaphore_mem>>)
      %dma_start3A_98 = arith.constant 7 : i32
      %dma_start3A_99 = arith.constant 7 : i32
      %dma_start3A_100 = arith.constant 0 : i32
      %dma_start3A_101 = arith.constant 0 : i32
      %dma_start3A_102 = tpu.memref_slice %arg7[%dma_start3A_99, %dma_start3A_100, %dma_start3A_101] : memref<26x128x16xf32, #tpu.memory_space<vmem>> -> memref<1x128x16xf32, #tpu.memory_space<vmem>>
      %dma_start3A_103 = tpu.memref_squeeze %dma_start3A_102 : memref<1x128x16xf32, #tpu.memory_space<vmem>> -> memref<128x16xf32, #tpu.memory_space<vmem>>
      %dma_start3A_104 = arith.constant 0 : i32
      %dma_start3A_105 = tpu.memref_slice %arg6[%dma_start3A_98, %dma_start3A_104] : memref<26x128xi32, #tpu.memory_space<vmem>> -> memref<1x128xi32, #tpu.memory_space<vmem>>
      %dma_start3A_106 = tpu.memref_squeeze %dma_start3A_105 : memref<1x128xi32, #tpu.memory_space<vmem>> -> memref<128xi32, #tpu.memory_space<vmem>>
      %dma_start3A_107 = arith.constant 0 : i32
      %dma_start3A_108 = arith.constant 0 : i32
      %dma_start3A_109 = tpu.memref_slice %arg2[%dma_start3A_107, %dma_start3A_108] : memref<2600000x16xf32, #tpu.memory_space<hbm>> -> memref<2600000x16xf32, #tpu.memory_space<hbm>>
      tpu.enqueue_indirect_dma source(%dma_start3A_109 : memref<2600000x16xf32, #tpu.memory_space<hbm>>) target(%dma_start3A_103 : memref<128x16xf32, #tpu.memory_space<vmem>>) offsets(%dma_start3A_106 : memref<128xi32, #tpu.memory_space<vmem>>) semaphore(%arg9 : memref<!tpu.dma_semaphore, #tpu.memory_space<semaphore_mem>>)
      %dma_start3A_110 = arith.constant 8 : i32
      %dma_start3A_111 = arith.constant 8 : i32
      %dma_start3A_112 = arith.constant 0 : i32
      %dma_start3A_113 = arith.constant 0 : i32
      %dma_start3A_114 = tpu.memref_slice %arg7[%dma_start3A_111, %dma_start3A_112, %dma_start3A_113] : memref<26x128x16xf32, #tpu.memory_space<vmem>> -> memref<1x128x16xf32, #tpu.memory_space<vmem>>
      %dma_start3A_115 = tpu.memref_squeeze %dma_start3A_114 : memref<1x128x16xf32, #tpu.memory_space<vmem>> -> memref<128x16xf32, #tpu.memory_space<vmem>>
      %dma_start3A_116 = arith.constant 0 : i32
      %dma_start3A_117 = tpu.memref_slice %arg6[%dma_start3A_110, %dma_start3A_116] : memref<26x128xi32, #tpu.memory_space<vmem>> -> memref<1x128xi32, #tpu.memory_space<vmem>>
      %dma_start3A_118 = tpu.memref_squeeze %dma_start3A_117 : memref<1x128xi32, #tpu.memory_space<vmem>> -> memref<128xi32, #tpu.memory_space<vmem>>
      %dma_start3A_119 = arith.constant 0 : i32
      %dma_start3A_120 = arith.constant 0 : i32
      %dma_start3A_121 = tpu.memref_slice %arg2[%dma_start3A_119, %dma_start3A_120] : memref<2600000x16xf32, #tpu.memory_space<hbm>> -> memref<2600000x16xf32, #tpu.memory_space<hbm>>
      tpu.enqueue_indirect_dma source(%dma_start3A_121 : memref<2600000x16xf32, #tpu.memory_space<hbm>>) target(%dma_start3A_115 : memref<128x16xf32, #tpu.memory_space<vmem>>) offsets(%dma_start3A_118 : memref<128xi32, #tpu.memory_space<vmem>>) semaphore(%arg9 : memref<!tpu.dma_semaphore, #tpu.memory_space<semaphore_mem>>)
      %dma_start3A_122 = arith.constant 9 : i32
      %dma_start3A_123 = arith.constant 9 : i32
      %dma_start3A_124 = arith.constant 0 : i32
      %dma_start3A_125 = arith.constant 0 : i32
      %dma_start3A_126 = tpu.memref_slice %arg7[%dma_start3A_123, %dma_start3A_124, %dma_start3A_125] : memref<26x128x16xf32, #tpu.memory_space<vmem>> -> memref<1x128x16xf32, #tpu.memory_space<vmem>>
      %dma_start3A_127 = tpu.memref_squeeze %dma_start3A_126 : memref<1x128x16xf32, #tpu.memory_space<vmem>> -> memref<128x16xf32, #tpu.memory_space<vmem>>
      %dma_start3A_128 = arith.constant 0 : i32
      %dma_start3A_129 = tpu.memref_slice %arg6[%dma_start3A_122, %dma_start3A_128] : memref<26x128xi32, #tpu.memory_space<vmem>> -> memref<1x128xi32, #tpu.memory_space<vmem>>
      %dma_start3A_130 = tpu.memref_squeeze %dma_start3A_129 : memref<1x128xi32, #tpu.memory_space<vmem>> -> memref<128xi32, #tpu.memory_space<vmem>>
      %dma_start3A_131 = arith.constant 0 : i32
      %dma_start3A_132 = arith.constant 0 : i32
      %dma_start3A_133 = tpu.memref_slice %arg2[%dma_start3A_131, %dma_start3A_132] : memref<2600000x16xf32, #tpu.memory_space<hbm>> -> memref<2600000x16xf32, #tpu.memory_space<hbm>>
      tpu.enqueue_indirect_dma source(%dma_start3A_133 : memref<2600000x16xf32, #tpu.memory_space<hbm>>) target(%dma_start3A_127 : memref<128x16xf32, #tpu.memory_space<vmem>>) offsets(%dma_start3A_130 : memref<128xi32, #tpu.memory_space<vmem>>) semaphore(%arg9 : memref<!tpu.dma_semaphore, #tpu.memory_space<semaphore_mem>>)
      %dma_start3A_134 = arith.constant 10 : i32
      %dma_start3A_135 = arith.constant 10 : i32
      %dma_start3A_136 = arith.constant 0 : i32
      %dma_start3A_137 = arith.constant 0 : i32
      %dma_start3A_138 = tpu.memref_slice %arg7[%dma_start3A_135, %dma_start3A_136, %dma_start3A_137] : memref<26x128x16xf32, #tpu.memory_space<vmem>> -> memref<1x128x16xf32, #tpu.memory_space<vmem>>
      %dma_start3A_139 = tpu.memref_squeeze %dma_start3A_138 : memref<1x128x16xf32, #tpu.memory_space<vmem>> -> memref<128x16xf32, #tpu.memory_space<vmem>>
      %dma_start3A_140 = arith.constant 0 : i32
      %dma_start3A_141 = tpu.memref_slice %arg6[%dma_start3A_134, %dma_start3A_140] : memref<26x128xi32, #tpu.memory_space<vmem>> -> memref<1x128xi32, #tpu.memory_space<vmem>>
      %dma_start3A_142 = tpu.memref_squeeze %dma_start3A_141 : memref<1x128xi32, #tpu.memory_space<vmem>> -> memref<128xi32, #tpu.memory_space<vmem>>
      %dma_start3A_143 = arith.constant 0 : i32
      %dma_start3A_144 = arith.constant 0 : i32
      %dma_start3A_145 = tpu.memref_slice %arg2[%dma_start3A_143, %dma_start3A_144] : memref<2600000x16xf32, #tpu.memory_space<hbm>> -> memref<2600000x16xf32, #tpu.memory_space<hbm>>
      tpu.enqueue_indirect_dma source(%dma_start3A_145 : memref<2600000x16xf32, #tpu.memory_space<hbm>>) target(%dma_start3A_139 : memref<128x16xf32, #tpu.memory_space<vmem>>) offsets(%dma_start3A_142 : memref<128xi32, #tpu.memory_space<vmem>>) semaphore(%arg9 : memref<!tpu.dma_semaphore, #tpu.memory_space<semaphore_mem>>)
      %dma_start3A_146 = arith.constant 11 : i32
      %dma_start3A_147 = arith.constant 11 : i32
      %dma_start3A_148 = arith.constant 0 : i32
      %dma_start3A_149 = arith.constant 0 : i32
      %dma_start3A_150 = tpu.memref_slice %arg7[%dma_start3A_147, %dma_start3A_148, %dma_start3A_149] : memref<26x128x16xf32, #tpu.memory_space<vmem>> -> memref<1x128x16xf32, #tpu.memory_space<vmem>>
      %dma_start3A_151 = tpu.memref_squeeze %dma_start3A_150 : memref<1x128x16xf32, #tpu.memory_space<vmem>> -> memref<128x16xf32, #tpu.memory_space<vmem>>
      %dma_start3A_152 = arith.constant 0 : i32
      %dma_start3A_153 = tpu.memref_slice %arg6[%dma_start3A_146, %dma_start3A_152] : memref<26x128xi32, #tpu.memory_space<vmem>> -> memref<1x128xi32, #tpu.memory_space<vmem>>
      %dma_start3A_154 = tpu.memref_squeeze %dma_start3A_153 : memref<1x128xi32, #tpu.memory_space<vmem>> -> memref<128xi32, #tpu.memory_space<vmem>>
      %dma_start3A_155 = arith.constant 0 : i32
      %dma_start3A_156 = arith.constant 0 : i32
      %dma_start3A_157 = tpu.memref_slice %arg2[%dma_start3A_155, %dma_start3A_156] : memref<2600000x16xf32, #tpu.memory_space<hbm>> -> memref<2600000x16xf32, #tpu.memory_space<hbm>>
      tpu.enqueue_indirect_dma source(%dma_start3A_157 : memref<2600000x16xf32, #tpu.memory_space<hbm>>) target(%dma_start3A_151 : memref<128x16xf32, #tpu.memory_space<vmem>>) offsets(%dma_start3A_154 : memref<128xi32, #tpu.memory_space<vmem>>) semaphore(%arg9 : memref<!tpu.dma_semaphore, #tpu.memory_space<semaphore_mem>>)
      %dma_start3A_158 = arith.constant 12 : i32
      %dma_start3A_159 = arith.constant 12 : i32
      %dma_start3A_160 = arith.constant 0 : i32
      %dma_start3A_161 = arith.constant 0 : i32
      %dma_start3A_162 = tpu.memref_slice %arg7[%dma_start3A_159, %dma_start3A_160, %dma_start3A_161] : memref<26x128x16xf32, #tpu.memory_space<vmem>> -> memref<1x128x16xf32, #tpu.memory_space<vmem>>
      %dma_start3A_163 = tpu.memref_squeeze %dma_start3A_162 : memref<1x128x16xf32, #tpu.memory_space<vmem>> -> memref<128x16xf32, #tpu.memory_space<vmem>>
      %dma_start3A_164 = arith.constant 0 : i32
      %dma_start3A_165 = tpu.memref_slice %arg6[%dma_start3A_158, %dma_start3A_164] : memref<26x128xi32, #tpu.memory_space<vmem>> -> memref<1x128xi32, #tpu.memory_space<vmem>>
      %dma_start3A_166 = tpu.memref_squeeze %dma_start3A_165 : memref<1x128xi32, #tpu.memory_space<vmem>> -> memref<128xi32, #tpu.memory_space<vmem>>
      %dma_start3A_167 = arith.constant 0 : i32
      %dma_start3A_168 = arith.constant 0 : i32
      %dma_start3A_169 = tpu.memref_slice %arg2[%dma_start3A_167, %dma_start3A_168] : memref<2600000x16xf32, #tpu.memory_space<hbm>> -> memref<2600000x16xf32, #tpu.memory_space<hbm>>
      tpu.enqueue_indirect_dma source(%dma_start3A_169 : memref<2600000x16xf32, #tpu.memory_space<hbm>>) target(%dma_start3A_163 : memref<128x16xf32, #tpu.memory_space<vmem>>) offsets(%dma_start3A_166 : memref<128xi32, #tpu.memory_space<vmem>>) semaphore(%arg9 : memref<!tpu.dma_semaphore, #tpu.memory_space<semaphore_mem>>)
      %dma_start3A_170 = arith.constant 13 : i32
      %dma_start3A_171 = arith.constant 13 : i32
      %dma_start3A_172 = arith.constant 0 : i32
      %dma_start3A_173 = arith.constant 0 : i32
      %dma_start3A_174 = tpu.memref_slice %arg7[%dma_start3A_171, %dma_start3A_172, %dma_start3A_173] : memref<26x128x16xf32, #tpu.memory_space<vmem>> -> memref<1x128x16xf32, #tpu.memory_space<vmem>>
      %dma_start3A_175 = tpu.memref_squeeze %dma_start3A_174 : memref<1x128x16xf32, #tpu.memory_space<vmem>> -> memref<128x16xf32, #tpu.memory_space<vmem>>
      %dma_start3A_176 = arith.constant 0 : i32
      %dma_start3A_177 = tpu.memref_slice %arg6[%dma_start3A_170, %dma_start3A_176] : memref<26x128xi32, #tpu.memory_space<vmem>> -> memref<1x128xi32, #tpu.memory_space<vmem>>
      %dma_start3A_178 = tpu.memref_squeeze %dma_start3A_177 : memref<1x128xi32, #tpu.memory_space<vmem>> -> memref<128xi32, #tpu.memory_space<vmem>>
      %dma_start3A_179 = arith.constant 0 : i32
      %dma_start3A_180 = arith.constant 0 : i32
      %dma_start3A_181 = tpu.memref_slice %arg2[%dma_start3A_179, %dma_start3A_180] : memref<2600000x16xf32, #tpu.memory_space<hbm>> -> memref<2600000x16xf32, #tpu.memory_space<hbm>>
      tpu.enqueue_indirect_dma source(%dma_start3A_181 : memref<2600000x16xf32, #tpu.memory_space<hbm>>) target(%dma_start3A_175 : memref<128x16xf32, #tpu.memory_space<vmem>>) offsets(%dma_start3A_178 : memref<128xi32, #tpu.memory_space<vmem>>) semaphore(%arg9 : memref<!tpu.dma_semaphore, #tpu.memory_space<semaphore_mem>>)
      %dma_start3A_182 = arith.constant 14 : i32
      %dma_start3A_183 = arith.constant 14 : i32
      %dma_start3A_184 = arith.constant 0 : i32
      %dma_start3A_185 = arith.constant 0 : i32
      %dma_start3A_186 = tpu.memref_slice %arg7[%dma_start3A_183, %dma_start3A_184, %dma_start3A_185] : memref<26x128x16xf32, #tpu.memory_space<vmem>> -> memref<1x128x16xf32, #tpu.memory_space<vmem>>
      %dma_start3A_187 = tpu.memref_squeeze %dma_start3A_186 : memref<1x128x16xf32, #tpu.memory_space<vmem>> -> memref<128x16xf32, #tpu.memory_space<vmem>>
      %dma_start3A_188 = arith.constant 0 : i32
      %dma_start3A_189 = tpu.memref_slice %arg6[%dma_start3A_182, %dma_start3A_188] : memref<26x128xi32, #tpu.memory_space<vmem>> -> memref<1x128xi32, #tpu.memory_space<vmem>>
      %dma_start3A_190 = tpu.memref_squeeze %dma_start3A_189 : memref<1x128xi32, #tpu.memory_space<vmem>> -> memref<128xi32, #tpu.memory_space<vmem>>
      %dma_start3A_191 = arith.constant 0 : i32
      %dma_start3A_192 = arith.constant 0 : i32
      %dma_start3A_193 = tpu.memref_slice %arg2[%dma_start3A_191, %dma_start3A_192] : memref<2600000x16xf32, #tpu.memory_space<hbm>> -> memref<2600000x16xf32, #tpu.memory_space<hbm>>
      tpu.enqueue_indirect_dma source(%dma_start3A_193 : memref<2600000x16xf32, #tpu.memory_space<hbm>>) target(%dma_start3A_187 : memref<128x16xf32, #tpu.memory_space<vmem>>) offsets(%dma_start3A_190 : memref<128xi32, #tpu.memory_space<vmem>>) semaphore(%arg9 : memref<!tpu.dma_semaphore, #tpu.memory_space<semaphore_mem>>)
      %dma_start3A_194 = arith.constant 15 : i32
      %dma_start3A_195 = arith.constant 15 : i32
      %dma_start3A_196 = arith.constant 0 : i32
      %dma_start3A_197 = arith.constant 0 : i32
      %dma_start3A_198 = tpu.memref_slice %arg7[%dma_start3A_195, %dma_start3A_196, %dma_start3A_197] : memref<26x128x16xf32, #tpu.memory_space<vmem>> -> memref<1x128x16xf32, #tpu.memory_space<vmem>>
      %dma_start3A_199 = tpu.memref_squeeze %dma_start3A_198 : memref<1x128x16xf32, #tpu.memory_space<vmem>> -> memref<128x16xf32, #tpu.memory_space<vmem>>
      %dma_start3A_200 = arith.constant 0 : i32
      %dma_start3A_201 = tpu.memref_slice %arg6[%dma_start3A_194, %dma_start3A_200] : memref<26x128xi32, #tpu.memory_space<vmem>> -> memref<1x128xi32, #tpu.memory_space<vmem>>
      %dma_start3A_202 = tpu.memref_squeeze %dma_start3A_201 : memref<1x128xi32, #tpu.memory_space<vmem>> -> memref<128xi32, #tpu.memory_space<vmem>>
      %dma_start3A_203 = arith.constant 0 : i32
      %dma_start3A_204 = arith.constant 0 : i32
      %dma_start3A_205 = tpu.memref_slice %arg2[%dma_start3A_203, %dma_start3A_204] : memref<2600000x16xf32, #tpu.memory_space<hbm>> -> memref<2600000x16xf32, #tpu.memory_space<hbm>>
      tpu.enqueue_indirect_dma source(%dma_start3A_205 : memref<2600000x16xf32, #tpu.memory_space<hbm>>) target(%dma_start3A_199 : memref<128x16xf32, #tpu.memory_space<vmem>>) offsets(%dma_start3A_202 : memref<128xi32, #tpu.memory_space<vmem>>) semaphore(%arg9 : memref<!tpu.dma_semaphore, #tpu.memory_space<semaphore_mem>>)
      %dma_start3A_206 = arith.constant 16 : i32
      %dma_start3A_207 = arith.constant 16 : i32
      %dma_start3A_208 = arith.constant 0 : i32
      %dma_start3A_209 = arith.constant 0 : i32
      %dma_start3A_210 = tpu.memref_slice %arg7[%dma_start3A_207, %dma_start3A_208, %dma_start3A_209] : memref<26x128x16xf32, #tpu.memory_space<vmem>> -> memref<1x128x16xf32, #tpu.memory_space<vmem>>
      %dma_start3A_211 = tpu.memref_squeeze %dma_start3A_210 : memref<1x128x16xf32, #tpu.memory_space<vmem>> -> memref<128x16xf32, #tpu.memory_space<vmem>>
      %dma_start3A_212 = arith.constant 0 : i32
      %dma_start3A_213 = tpu.memref_slice %arg6[%dma_start3A_206, %dma_start3A_212] : memref<26x128xi32, #tpu.memory_space<vmem>> -> memref<1x128xi32, #tpu.memory_space<vmem>>
      %dma_start3A_214 = tpu.memref_squeeze %dma_start3A_213 : memref<1x128xi32, #tpu.memory_space<vmem>> -> memref<128xi32, #tpu.memory_space<vmem>>
      %dma_start3A_215 = arith.constant 0 : i32
      %dma_start3A_216 = arith.constant 0 : i32
      %dma_start3A_217 = tpu.memref_slice %arg2[%dma_start3A_215, %dma_start3A_216] : memref<2600000x16xf32, #tpu.memory_space<hbm>> -> memref<2600000x16xf32, #tpu.memory_space<hbm>>
      tpu.enqueue_indirect_dma source(%dma_start3A_217 : memref<2600000x16xf32, #tpu.memory_space<hbm>>) target(%dma_start3A_211 : memref<128x16xf32, #tpu.memory_space<vmem>>) offsets(%dma_start3A_214 : memref<128xi32, #tpu.memory_space<vmem>>) semaphore(%arg9 : memref<!tpu.dma_semaphore, #tpu.memory_space<semaphore_mem>>)
      %dma_start3A_218 = arith.constant 17 : i32
      %dma_start3A_219 = arith.constant 17 : i32
      %dma_start3A_220 = arith.constant 0 : i32
      %dma_start3A_221 = arith.constant 0 : i32
      %dma_start3A_222 = tpu.memref_slice %arg7[%dma_start3A_219, %dma_start3A_220, %dma_start3A_221] : memref<26x128x16xf32, #tpu.memory_space<vmem>> -> memref<1x128x16xf32, #tpu.memory_space<vmem>>
      %dma_start3A_223 = tpu.memref_squeeze %dma_start3A_222 : memref<1x128x16xf32, #tpu.memory_space<vmem>> -> memref<128x16xf32, #tpu.memory_space<vmem>>
      %dma_start3A_224 = arith.constant 0 : i32
      %dma_start3A_225 = tpu.memref_slice %arg6[%dma_start3A_218, %dma_start3A_224] : memref<26x128xi32, #tpu.memory_space<vmem>> -> memref<1x128xi32, #tpu.memory_space<vmem>>
      %dma_start3A_226 = tpu.memref_squeeze %dma_start3A_225 : memref<1x128xi32, #tpu.memory_space<vmem>> -> memref<128xi32, #tpu.memory_space<vmem>>
      %dma_start3A_227 = arith.constant 0 : i32
      %dma_start3A_228 = arith.constant 0 : i32
      %dma_start3A_229 = tpu.memref_slice %arg2[%dma_start3A_227, %dma_start3A_228] : memref<2600000x16xf32, #tpu.memory_space<hbm>> -> memref<2600000x16xf32, #tpu.memory_space<hbm>>
      tpu.enqueue_indirect_dma source(%dma_start3A_229 : memref<2600000x16xf32, #tpu.memory_space<hbm>>) target(%dma_start3A_223 : memref<128x16xf32, #tpu.memory_space<vmem>>) offsets(%dma_start3A_226 : memref<128xi32, #tpu.memory_space<vmem>>) semaphore(%arg9 : memref<!tpu.dma_semaphore, #tpu.memory_space<semaphore_mem>>)
      %dma_start3A_230 = arith.constant 18 : i32
      %dma_start3A_231 = arith.constant 18 : i32
      %dma_start3A_232 = arith.constant 0 : i32
      %dma_start3A_233 = arith.constant 0 : i32
      %dma_start3A_234 = tpu.memref_slice %arg7[%dma_start3A_231, %dma_start3A_232, %dma_start3A_233] : memref<26x128x16xf32, #tpu.memory_space<vmem>> -> memref<1x128x16xf32, #tpu.memory_space<vmem>>
      %dma_start3A_235 = tpu.memref_squeeze %dma_start3A_234 : memref<1x128x16xf32, #tpu.memory_space<vmem>> -> memref<128x16xf32, #tpu.memory_space<vmem>>
      %dma_start3A_236 = arith.constant 0 : i32
      %dma_start3A_237 = tpu.memref_slice %arg6[%dma_start3A_230, %dma_start3A_236] : memref<26x128xi32, #tpu.memory_space<vmem>> -> memref<1x128xi32, #tpu.memory_space<vmem>>
      %dma_start3A_238 = tpu.memref_squeeze %dma_start3A_237 : memref<1x128xi32, #tpu.memory_space<vmem>> -> memref<128xi32, #tpu.memory_space<vmem>>
      %dma_start3A_239 = arith.constant 0 : i32
      %dma_start3A_240 = arith.constant 0 : i32
      %dma_start3A_241 = tpu.memref_slice %arg2[%dma_start3A_239, %dma_start3A_240] : memref<2600000x16xf32, #tpu.memory_space<hbm>> -> memref<2600000x16xf32, #tpu.memory_space<hbm>>
      tpu.enqueue_indirect_dma source(%dma_start3A_241 : memref<2600000x16xf32, #tpu.memory_space<hbm>>) target(%dma_start3A_235 : memref<128x16xf32, #tpu.memory_space<vmem>>) offsets(%dma_start3A_238 : memref<128xi32, #tpu.memory_space<vmem>>) semaphore(%arg9 : memref<!tpu.dma_semaphore, #tpu.memory_space<semaphore_mem>>)
      %dma_start3A_242 = arith.constant 19 : i32
      %dma_start3A_243 = arith.constant 19 : i32
      %dma_start3A_244 = arith.constant 0 : i32
      %dma_start3A_245 = arith.constant 0 : i32
      %dma_start3A_246 = tpu.memref_slice %arg7[%dma_start3A_243, %dma_start3A_244, %dma_start3A_245] : memref<26x128x16xf32, #tpu.memory_space<vmem>> -> memref<1x128x16xf32, #tpu.memory_space<vmem>>
      %dma_start3A_247 = tpu.memref_squeeze %dma_start3A_246 : memref<1x128x16xf32, #tpu.memory_space<vmem>> -> memref<128x16xf32, #tpu.memory_space<vmem>>
      %dma_start3A_248 = arith.constant 0 : i32
      %dma_start3A_249 = tpu.memref_slice %arg6[%dma_start3A_242, %dma_start3A_248] : memref<26x128xi32, #tpu.memory_space<vmem>> -> memref<1x128xi32, #tpu.memory_space<vmem>>
      %dma_start3A_250 = tpu.memref_squeeze %dma_start3A_249 : memref<1x128xi32, #tpu.memory_space<vmem>> -> memref<128xi32, #tpu.memory_space<vmem>>
      %dma_start3A_251 = arith.constant 0 : i32
      %dma_start3A_252 = arith.constant 0 : i32
      %dma_start3A_253 = tpu.memref_slice %arg2[%dma_start3A_251, %dma_start3A_252] : memref<2600000x16xf32, #tpu.memory_space<hbm>> -> memref<2600000x16xf32, #tpu.memory_space<hbm>>
      tpu.enqueue_indirect_dma source(%dma_start3A_253 : memref<2600000x16xf32, #tpu.memory_space<hbm>>) target(%dma_start3A_247 : memref<128x16xf32, #tpu.memory_space<vmem>>) offsets(%dma_start3A_250 : memref<128xi32, #tpu.memory_space<vmem>>) semaphore(%arg9 : memref<!tpu.dma_semaphore, #tpu.memory_space<semaphore_mem>>)
      %dma_start3A_254 = arith.constant 20 : i32
      %dma_start3A_255 = arith.constant 20 : i32
      %dma_start3A_256 = arith.constant 0 : i32
      %dma_start3A_257 = arith.constant 0 : i32
      %dma_start3A_258 = tpu.memref_slice %arg7[%dma_start3A_255, %dma_start3A_256, %dma_start3A_257] : memref<26x128x16xf32, #tpu.memory_space<vmem>> -> memref<1x128x16xf32, #tpu.memory_space<vmem>>
      %dma_start3A_259 = tpu.memref_squeeze %dma_start3A_258 : memref<1x128x16xf32, #tpu.memory_space<vmem>> -> memref<128x16xf32, #tpu.memory_space<vmem>>
      %dma_start3A_260 = arith.constant 0 : i32
      %dma_start3A_261 = tpu.memref_slice %arg6[%dma_start3A_254, %dma_start3A_260] : memref<26x128xi32, #tpu.memory_space<vmem>> -> memref<1x128xi32, #tpu.memory_space<vmem>>
      %dma_start3A_262 = tpu.memref_squeeze %dma_start3A_261 : memref<1x128xi32, #tpu.memory_space<vmem>> -> memref<128xi32, #tpu.memory_space<vmem>>
      %dma_start3A_263 = arith.constant 0 : i32
      %dma_start3A_264 = arith.constant 0 : i32
      %dma_start3A_265 = tpu.memref_slice %arg2[%dma_start3A_263, %dma_start3A_264] : memref<2600000x16xf32, #tpu.memory_space<hbm>> -> memref<2600000x16xf32, #tpu.memory_space<hbm>>
      tpu.enqueue_indirect_dma source(%dma_start3A_265 : memref<2600000x16xf32, #tpu.memory_space<hbm>>) target(%dma_start3A_259 : memref<128x16xf32, #tpu.memory_space<vmem>>) offsets(%dma_start3A_262 : memref<128xi32, #tpu.memory_space<vmem>>) semaphore(%arg9 : memref<!tpu.dma_semaphore, #tpu.memory_space<semaphore_mem>>)
      %dma_start3A_266 = arith.constant 21 : i32
      %dma_start3A_267 = arith.constant 21 : i32
      %dma_start3A_268 = arith.constant 0 : i32
      %dma_start3A_269 = arith.constant 0 : i32
      %dma_start3A_270 = tpu.memref_slice %arg7[%dma_start3A_267, %dma_start3A_268, %dma_start3A_269] : memref<26x128x16xf32, #tpu.memory_space<vmem>> -> memref<1x128x16xf32, #tpu.memory_space<vmem>>
      %dma_start3A_271 = tpu.memref_squeeze %dma_start3A_270 : memref<1x128x16xf32, #tpu.memory_space<vmem>> -> memref<128x16xf32, #tpu.memory_space<vmem>>
      %dma_start3A_272 = arith.constant 0 : i32
      %dma_start3A_273 = tpu.memref_slice %arg6[%dma_start3A_266, %dma_start3A_272] : memref<26x128xi32, #tpu.memory_space<vmem>> -> memref<1x128xi32, #tpu.memory_space<vmem>>
      %dma_start3A_274 = tpu.memref_squeeze %dma_start3A_273 : memref<1x128xi32, #tpu.memory_space<vmem>> -> memref<128xi32, #tpu.memory_space<vmem>>
      %dma_start3A_275 = arith.constant 0 : i32
      %dma_start3A_276 = arith.constant 0 : i32
      %dma_start3A_277 = tpu.memref_slice %arg2[%dma_start3A_275, %dma_start3A_276] : memref<2600000x16xf32, #tpu.memory_space<hbm>> -> memref<2600000x16xf32, #tpu.memory_space<hbm>>
      tpu.enqueue_indirect_dma source(%dma_start3A_277 : memref<2600000x16xf32, #tpu.memory_space<hbm>>) target(%dma_start3A_271 : memref<128x16xf32, #tpu.memory_space<vmem>>) offsets(%dma_start3A_274 : memref<128xi32, #tpu.memory_space<vmem>>) semaphore(%arg9 : memref<!tpu.dma_semaphore, #tpu.memory_space<semaphore_mem>>)
      %dma_start3A_278 = arith.constant 22 : i32
      %dma_start3A_279 = arith.constant 22 : i32
      %dma_start3A_280 = arith.constant 0 : i32
      %dma_start3A_281 = arith.constant 0 : i32
      %dma_start3A_282 = tpu.memref_slice %arg7[%dma_start3A_279, %dma_start3A_280, %dma_start3A_281] : memref<26x128x16xf32, #tpu.memory_space<vmem>> -> memref<1x128x16xf32, #tpu.memory_space<vmem>>
      %dma_start3A_283 = tpu.memref_squeeze %dma_start3A_282 : memref<1x128x16xf32, #tpu.memory_space<vmem>> -> memref<128x16xf32, #tpu.memory_space<vmem>>
      %dma_start3A_284 = arith.constant 0 : i32
      %dma_start3A_285 = tpu.memref_slice %arg6[%dma_start3A_278, %dma_start3A_284] : memref<26x128xi32, #tpu.memory_space<vmem>> -> memref<1x128xi32, #tpu.memory_space<vmem>>
      %dma_start3A_286 = tpu.memref_squeeze %dma_start3A_285 : memref<1x128xi32, #tpu.memory_space<vmem>> -> memref<128xi32, #tpu.memory_space<vmem>>
      %dma_start3A_287 = arith.constant 0 : i32
      %dma_start3A_288 = arith.constant 0 : i32
      %dma_start3A_289 = tpu.memref_slice %arg2[%dma_start3A_287, %dma_start3A_288] : memref<2600000x16xf32, #tpu.memory_space<hbm>> -> memref<2600000x16xf32, #tpu.memory_space<hbm>>
      tpu.enqueue_indirect_dma source(%dma_start3A_289 : memref<2600000x16xf32, #tpu.memory_space<hbm>>) target(%dma_start3A_283 : memref<128x16xf32, #tpu.memory_space<vmem>>) offsets(%dma_start3A_286 : memref<128xi32, #tpu.memory_space<vmem>>) semaphore(%arg9 : memref<!tpu.dma_semaphore, #tpu.memory_space<semaphore_mem>>)
      %dma_start3A_290 = arith.constant 23 : i32
      %dma_start3A_291 = arith.constant 23 : i32
      %dma_start3A_292 = arith.constant 0 : i32
      %dma_start3A_293 = arith.constant 0 : i32
      %dma_start3A_294 = tpu.memref_slice %arg7[%dma_start3A_291, %dma_start3A_292, %dma_start3A_293] : memref<26x128x16xf32, #tpu.memory_space<vmem>> -> memref<1x128x16xf32, #tpu.memory_space<vmem>>
      %dma_start3A_295 = tpu.memref_squeeze %dma_start3A_294 : memref<1x128x16xf32, #tpu.memory_space<vmem>> -> memref<128x16xf32, #tpu.memory_space<vmem>>
      %dma_start3A_296 = arith.constant 0 : i32
      %dma_start3A_297 = tpu.memref_slice %arg6[%dma_start3A_290, %dma_start3A_296] : memref<26x128xi32, #tpu.memory_space<vmem>> -> memref<1x128xi32, #tpu.memory_space<vmem>>
      %dma_start3A_298 = tpu.memref_squeeze %dma_start3A_297 : memref<1x128xi32, #tpu.memory_space<vmem>> -> memref<128xi32, #tpu.memory_space<vmem>>
      %dma_start3A_299 = arith.constant 0 : i32
      %dma_start3A_300 = arith.constant 0 : i32
      %dma_start3A_301 = tpu.memref_slice %arg2[%dma_start3A_299, %dma_start3A_300] : memref<2600000x16xf32, #tpu.memory_space<hbm>> -> memref<2600000x16xf32, #tpu.memory_space<hbm>>
      tpu.enqueue_indirect_dma source(%dma_start3A_301 : memref<2600000x16xf32, #tpu.memory_space<hbm>>) target(%dma_start3A_295 : memref<128x16xf32, #tpu.memory_space<vmem>>) offsets(%dma_start3A_298 : memref<128xi32, #tpu.memory_space<vmem>>) semaphore(%arg9 : memref<!tpu.dma_semaphore, #tpu.memory_space<semaphore_mem>>)
      %dma_start3A_302 = arith.constant 24 : i32
      %dma_start3A_303 = arith.constant 24 : i32
      %dma_start3A_304 = arith.constant 0 : i32
      %dma_start3A_305 = arith.constant 0 : i32
      %dma_start3A_306 = tpu.memref_slice %arg7[%dma_start3A_303, %dma_start3A_304, %dma_start3A_305] : memref<26x128x16xf32, #tpu.memory_space<vmem>> -> memref<1x128x16xf32, #tpu.memory_space<vmem>>
      %dma_start3A_307 = tpu.memref_squeeze %dma_start3A_306 : memref<1x128x16xf32, #tpu.memory_space<vmem>> -> memref<128x16xf32, #tpu.memory_space<vmem>>
      %dma_start3A_308 = arith.constant 0 : i32
      %dma_start3A_309 = tpu.memref_slice %arg6[%dma_start3A_302, %dma_start3A_308] : memref<26x128xi32, #tpu.memory_space<vmem>> -> memref<1x128xi32, #tpu.memory_space<vmem>>
      %dma_start3A_310 = tpu.memref_squeeze %dma_start3A_309 : memref<1x128xi32, #tpu.memory_space<vmem>> -> memref<128xi32, #tpu.memory_space<vmem>>
      %dma_start3A_311 = arith.constant 0 : i32
      %dma_start3A_312 = arith.constant 0 : i32
      %dma_start3A_313 = tpu.memref_slice %arg2[%dma_start3A_311, %dma_start3A_312] : memref<2600000x16xf32, #tpu.memory_space<hbm>> -> memref<2600000x16xf32, #tpu.memory_space<hbm>>
      tpu.enqueue_indirect_dma source(%dma_start3A_313 : memref<2600000x16xf32, #tpu.memory_space<hbm>>) target(%dma_start3A_307 : memref<128x16xf32, #tpu.memory_space<vmem>>) offsets(%dma_start3A_310 : memref<128xi32, #tpu.memory_space<vmem>>) semaphore(%arg9 : memref<!tpu.dma_semaphore, #tpu.memory_space<semaphore_mem>>)
      %dma_start3A_314 = arith.constant 25 : i32
      %dma_start3A_315 = arith.constant 25 : i32
      %dma_start3A_316 = arith.constant 0 : i32
      %dma_start3A_317 = arith.constant 0 : i32
      %dma_start3A_318 = tpu.memref_slice %arg7[%dma_start3A_315, %dma_start3A_316, %dma_start3A_317] : memref<26x128x16xf32, #tpu.memory_space<vmem>> -> memref<1x128x16xf32, #tpu.memory_space<vmem>>
      %dma_start3A_319 = tpu.memref_squeeze %dma_start3A_318 : memref<1x128x16xf32, #tpu.memory_space<vmem>> -> memref<128x16xf32, #tpu.memory_space<vmem>>
      %dma_start3A_320 = arith.constant 0 : i32
      %dma_start3A_321 = tpu.memref_slice %arg6[%dma_start3A_314, %dma_start3A_320] : memref<26x128xi32, #tpu.memory_space<vmem>> -> memref<1x128xi32, #tpu.memory_space<vmem>>
      %dma_start3A_322 = tpu.memref_squeeze %dma_start3A_321 : memref<1x128xi32, #tpu.memory_space<vmem>> -> memref<128xi32, #tpu.memory_space<vmem>>
      %dma_start3A_323 = arith.constant 0 : i32
      %dma_start3A_324 = arith.constant 0 : i32
      %dma_start3A_325 = tpu.memref_slice %arg2[%dma_start3A_323, %dma_start3A_324] : memref<2600000x16xf32, #tpu.memory_space<hbm>> -> memref<2600000x16xf32, #tpu.memory_space<hbm>>
      tpu.enqueue_indirect_dma source(%dma_start3A_325 : memref<2600000x16xf32, #tpu.memory_space<hbm>>) target(%dma_start3A_319 : memref<128x16xf32, #tpu.memory_space<vmem>>) offsets(%dma_start3A_322 : memref<128xi32, #tpu.memory_space<vmem>>) semaphore(%arg9 : memref<!tpu.dma_semaphore, #tpu.memory_space<semaphore_mem>>)
      "tpu.region"() ({
        %run_scoped3A = tpu.sem_alloc : memref<!tpu.dma_semaphore, #tpu.memory_space<semaphore_mem>>
        %dma_start3A_1313 = arith.constant 0 : i32
        %dma_start3A_1314 = tpu.memref_slice %arg4[%add3A_14, %dma_start3A_1313] : memref<16384x13xf32, #tpu.memory_space<hbm>> -> memref<128x13xf32, #tpu.memory_space<hbm>>
        %dma_start3A_1315 = arith.constant 0 : i32
        %dma_start3A_1316 = tpu.memref_slice %arg4[%add3A_14, %dma_start3A_1315] : memref<16384x13xf32, #tpu.memory_space<hbm>> -> memref<128x13xf32, #tpu.memory_space<hbm>>
        tpu.enqueue_dma source(%dma_start3A_1316 : memref<128x13xf32, #tpu.memory_space<hbm>>) target(%arg8 : memref<128x13xf32, #tpu.memory_space<vmem>>) target_semaphore(%run_scoped3A : memref<!tpu.dma_semaphore, #tpu.memory_space<semaphore_mem>>)
        %dma_wait3A_1317 = arith.constant 0 : i32
        %dma_wait3A_1318 = tpu.memref_slice %arg4[%add3A_14, %dma_wait3A_1317] : memref<16384x13xf32, #tpu.memory_space<hbm>> -> memref<128x13xf32, #tpu.memory_space<hbm>>
        %dma_wait3A_1319 = arith.constant 0 : i32
        %dma_wait3A_1320 = tpu.memref_slice %arg4[%add3A_14, %dma_wait3A_1319] : memref<16384x13xf32, #tpu.memory_space<hbm>> -> memref<128x13xf32, #tpu.memory_space<hbm>>
        tpu.wait_dma2 semaphore(%run_scoped3A : memref<!tpu.dma_semaphore, #tpu.memory_space<semaphore_mem>>) src(%dma_wait3A_1320 : memref<128x13xf32, #tpu.memory_space<hbm>>) dst(%arg8 : memref<128x13xf32, #tpu.memory_space<vmem>>)
        tpu.yield
      }) : () -> ()
      "tpu.region"() ({
        %run_scoped3A = tpu.sem_alloc : memref<!tpu.dma_semaphore, #tpu.memory_space<semaphore_mem>>
        %dma_start3A_1313 = arith.constant 416 : i32
        %dma_start3A_1314 = tpu.memref_slice %arg5[%add3A_14, %dma_start3A_1313] : memref<16384x429xf32, #tpu.memory_space<hbm>> -> memref<128x13xf32, #tpu.memory_space<hbm>>
        %dma_start3A_1315 = arith.constant 416 : i32
        %dma_start3A_1316 = tpu.memref_slice %arg5[%add3A_14, %dma_start3A_1315] : memref<16384x429xf32, #tpu.memory_space<hbm>> -> memref<128x13xf32, #tpu.memory_space<hbm>>
        tpu.enqueue_dma source(%arg8 : memref<128x13xf32, #tpu.memory_space<vmem>>) target(%dma_start3A_1316 : memref<128x13xf32, #tpu.memory_space<hbm>>) target_semaphore(%run_scoped3A : memref<!tpu.dma_semaphore, #tpu.memory_space<semaphore_mem>>)
        %dma_wait3A_1317 = arith.constant 416 : i32
        %dma_wait3A_1318 = tpu.memref_slice %arg5[%add3A_14, %dma_wait3A_1317] : memref<16384x429xf32, #tpu.memory_space<hbm>> -> memref<128x13xf32, #tpu.memory_space<hbm>>
        %dma_wait3A_1319 = arith.constant 416 : i32
        %dma_wait3A_1320 = tpu.memref_slice %arg5[%add3A_14, %dma_wait3A_1319] : memref<16384x429xf32, #tpu.memory_space<hbm>> -> memref<128x13xf32, #tpu.memory_space<hbm>>
        tpu.wait_dma2 semaphore(%run_scoped3A : memref<!tpu.dma_semaphore, #tpu.memory_space<semaphore_mem>>) src(%arg8 : memref<128x13xf32, #tpu.memory_space<vmem>>) dst(%dma_wait3A_1320 : memref<128x13xf32, #tpu.memory_space<hbm>>)
        tpu.yield
      }) : () -> ()
      %dma_wait3A = arith.constant 0 : i32
      %dma_wait3A_326 = arith.constant 0 : i32
      %dma_wait3A_327 = arith.constant 0 : i32
      %dma_wait3A_328 = arith.constant 0 : i32
      %dma_wait3A_329 = tpu.memref_slice %arg7[%dma_wait3A_326, %dma_wait3A_327, %dma_wait3A_328] : memref<26x128x16xf32, #tpu.memory_space<vmem>> -> memref<1x128x16xf32, #tpu.memory_space<vmem>>
      %dma_wait3A_330 = tpu.memref_squeeze %dma_wait3A_329 : memref<1x128x16xf32, #tpu.memory_space<vmem>> -> memref<128x16xf32, #tpu.memory_space<vmem>>
      %dma_wait3A_331 = arith.constant 0 : i32
      %dma_wait3A_332 = tpu.memref_slice %arg6[%dma_wait3A, %dma_wait3A_331] : memref<26x128xi32, #tpu.memory_space<vmem>> -> memref<1x128xi32, #tpu.memory_space<vmem>>
      %dma_wait3A_333 = tpu.memref_squeeze %dma_wait3A_332 : memref<1x128xi32, #tpu.memory_space<vmem>> -> memref<128xi32, #tpu.memory_space<vmem>>
      %dma_wait3A_334 = arith.constant 0 : i32
      %dma_wait3A_335 = arith.constant 0 : i32
      %dma_wait3A_336 = tpu.memref_slice %arg2[%dma_wait3A_334, %dma_wait3A_335] : memref<2600000x16xf32, #tpu.memory_space<hbm>> -> memref<2600000x16xf32, #tpu.memory_space<hbm>>
      tpu.wait_indirect_dma semaphore(%arg9 : memref<!tpu.dma_semaphore, #tpu.memory_space<semaphore_mem>>) src(%dma_wait3A_336 : memref<2600000x16xf32, #tpu.memory_space<hbm>>) dst(%dma_wait3A_330 : memref<128x16xf32, #tpu.memory_space<vmem>>)
      %dma_wait3A_337 = arith.constant 1 : i32
      %dma_wait3A_338 = arith.constant 1 : i32
      %dma_wait3A_339 = arith.constant 0 : i32
      %dma_wait3A_340 = arith.constant 0 : i32
      %dma_wait3A_341 = tpu.memref_slice %arg7[%dma_wait3A_338, %dma_wait3A_339, %dma_wait3A_340] : memref<26x128x16xf32, #tpu.memory_space<vmem>> -> memref<1x128x16xf32, #tpu.memory_space<vmem>>
      %dma_wait3A_342 = tpu.memref_squeeze %dma_wait3A_341 : memref<1x128x16xf32, #tpu.memory_space<vmem>> -> memref<128x16xf32, #tpu.memory_space<vmem>>
      %dma_wait3A_343 = arith.constant 0 : i32
      %dma_wait3A_344 = tpu.memref_slice %arg6[%dma_wait3A_337, %dma_wait3A_343] : memref<26x128xi32, #tpu.memory_space<vmem>> -> memref<1x128xi32, #tpu.memory_space<vmem>>
      %dma_wait3A_345 = tpu.memref_squeeze %dma_wait3A_344 : memref<1x128xi32, #tpu.memory_space<vmem>> -> memref<128xi32, #tpu.memory_space<vmem>>
      %dma_wait3A_346 = arith.constant 0 : i32
      %dma_wait3A_347 = arith.constant 0 : i32
      %dma_wait3A_348 = tpu.memref_slice %arg2[%dma_wait3A_346, %dma_wait3A_347] : memref<2600000x16xf32, #tpu.memory_space<hbm>> -> memref<2600000x16xf32, #tpu.memory_space<hbm>>
      tpu.wait_indirect_dma semaphore(%arg9 : memref<!tpu.dma_semaphore, #tpu.memory_space<semaphore_mem>>) src(%dma_wait3A_348 : memref<2600000x16xf32, #tpu.memory_space<hbm>>) dst(%dma_wait3A_342 : memref<128x16xf32, #tpu.memory_space<vmem>>)
      %dma_wait3A_349 = arith.constant 2 : i32
      %dma_wait3A_350 = arith.constant 2 : i32
      %dma_wait3A_351 = arith.constant 0 : i32
      %dma_wait3A_352 = arith.constant 0 : i32
      %dma_wait3A_353 = tpu.memref_slice %arg7[%dma_wait3A_350, %dma_wait3A_351, %dma_wait3A_352] : memref<26x128x16xf32, #tpu.memory_space<vmem>> -> memref<1x128x16xf32, #tpu.memory_space<vmem>>
      %dma_wait3A_354 = tpu.memref_squeeze %dma_wait3A_353 : memref<1x128x16xf32, #tpu.memory_space<vmem>> -> memref<128x16xf32, #tpu.memory_space<vmem>>
      %dma_wait3A_355 = arith.constant 0 : i32
      %dma_wait3A_356 = tpu.memref_slice %arg6[%dma_wait3A_349, %dma_wait3A_355] : memref<26x128xi32, #tpu.memory_space<vmem>> -> memref<1x128xi32, #tpu.memory_space<vmem>>
      %dma_wait3A_357 = tpu.memref_squeeze %dma_wait3A_356 : memref<1x128xi32, #tpu.memory_space<vmem>> -> memref<128xi32, #tpu.memory_space<vmem>>
      %dma_wait3A_358 = arith.constant 0 : i32
      %dma_wait3A_359 = arith.constant 0 : i32
      %dma_wait3A_360 = tpu.memref_slice %arg2[%dma_wait3A_358, %dma_wait3A_359] : memref<2600000x16xf32, #tpu.memory_space<hbm>> -> memref<2600000x16xf32, #tpu.memory_space<hbm>>
      tpu.wait_indirect_dma semaphore(%arg9 : memref<!tpu.dma_semaphore, #tpu.memory_space<semaphore_mem>>) src(%dma_wait3A_360 : memref<2600000x16xf32, #tpu.memory_space<hbm>>) dst(%dma_wait3A_354 : memref<128x16xf32, #tpu.memory_space<vmem>>)
      %dma_wait3A_361 = arith.constant 3 : i32
      %dma_wait3A_362 = arith.constant 3 : i32
      %dma_wait3A_363 = arith.constant 0 : i32
      %dma_wait3A_364 = arith.constant 0 : i32
      %dma_wait3A_365 = tpu.memref_slice %arg7[%dma_wait3A_362, %dma_wait3A_363, %dma_wait3A_364] : memref<26x128x16xf32, #tpu.memory_space<vmem>> -> memref<1x128x16xf32, #tpu.memory_space<vmem>>
      %dma_wait3A_366 = tpu.memref_squeeze %dma_wait3A_365 : memref<1x128x16xf32, #tpu.memory_space<vmem>> -> memref<128x16xf32, #tpu.memory_space<vmem>>
      %dma_wait3A_367 = arith.constant 0 : i32
      %dma_wait3A_368 = tpu.memref_slice %arg6[%dma_wait3A_361, %dma_wait3A_367] : memref<26x128xi32, #tpu.memory_space<vmem>> -> memref<1x128xi32, #tpu.memory_space<vmem>>
      %dma_wait3A_369 = tpu.memref_squeeze %dma_wait3A_368 : memref<1x128xi32, #tpu.memory_space<vmem>> -> memref<128xi32, #tpu.memory_space<vmem>>
      %dma_wait3A_370 = arith.constant 0 : i32
      %dma_wait3A_371 = arith.constant 0 : i32
      %dma_wait3A_372 = tpu.memref_slice %arg2[%dma_wait3A_370, %dma_wait3A_371] : memref<2600000x16xf32, #tpu.memory_space<hbm>> -> memref<2600000x16xf32, #tpu.memory_space<hbm>>
      tpu.wait_indirect_dma semaphore(%arg9 : memref<!tpu.dma_semaphore, #tpu.memory_space<semaphore_mem>>) src(%dma_wait3A_372 : memref<2600000x16xf32, #tpu.memory_space<hbm>>) dst(%dma_wait3A_366 : memref<128x16xf32, #tpu.memory_space<vmem>>)
      %dma_wait3A_373 = arith.constant 4 : i32
      %dma_wait3A_374 = arith.constant 4 : i32
      %dma_wait3A_375 = arith.constant 0 : i32
      %dma_wait3A_376 = arith.constant 0 : i32
      %dma_wait3A_377 = tpu.memref_slice %arg7[%dma_wait3A_374, %dma_wait3A_375, %dma_wait3A_376] : memref<26x128x16xf32, #tpu.memory_space<vmem>> -> memref<1x128x16xf32, #tpu.memory_space<vmem>>
      %dma_wait3A_378 = tpu.memref_squeeze %dma_wait3A_377 : memref<1x128x16xf32, #tpu.memory_space<vmem>> -> memref<128x16xf32, #tpu.memory_space<vmem>>
      %dma_wait3A_379 = arith.constant 0 : i32
      %dma_wait3A_380 = tpu.memref_slice %arg6[%dma_wait3A_373, %dma_wait3A_379] : memref<26x128xi32, #tpu.memory_space<vmem>> -> memref<1x128xi32, #tpu.memory_space<vmem>>
      %dma_wait3A_381 = tpu.memref_squeeze %dma_wait3A_380 : memref<1x128xi32, #tpu.memory_space<vmem>> -> memref<128xi32, #tpu.memory_space<vmem>>
      %dma_wait3A_382 = arith.constant 0 : i32
      %dma_wait3A_383 = arith.constant 0 : i32
      %dma_wait3A_384 = tpu.memref_slice %arg2[%dma_wait3A_382, %dma_wait3A_383] : memref<2600000x16xf32, #tpu.memory_space<hbm>> -> memref<2600000x16xf32, #tpu.memory_space<hbm>>
      tpu.wait_indirect_dma semaphore(%arg9 : memref<!tpu.dma_semaphore, #tpu.memory_space<semaphore_mem>>) src(%dma_wait3A_384 : memref<2600000x16xf32, #tpu.memory_space<hbm>>) dst(%dma_wait3A_378 : memref<128x16xf32, #tpu.memory_space<vmem>>)
      %dma_wait3A_385 = arith.constant 5 : i32
      %dma_wait3A_386 = arith.constant 5 : i32
      %dma_wait3A_387 = arith.constant 0 : i32
      %dma_wait3A_388 = arith.constant 0 : i32
      %dma_wait3A_389 = tpu.memref_slice %arg7[%dma_wait3A_386, %dma_wait3A_387, %dma_wait3A_388] : memref<26x128x16xf32, #tpu.memory_space<vmem>> -> memref<1x128x16xf32, #tpu.memory_space<vmem>>
      %dma_wait3A_390 = tpu.memref_squeeze %dma_wait3A_389 : memref<1x128x16xf32, #tpu.memory_space<vmem>> -> memref<128x16xf32, #tpu.memory_space<vmem>>
      %dma_wait3A_391 = arith.constant 0 : i32
      %dma_wait3A_392 = tpu.memref_slice %arg6[%dma_wait3A_385, %dma_wait3A_391] : memref<26x128xi32, #tpu.memory_space<vmem>> -> memref<1x128xi32, #tpu.memory_space<vmem>>
      %dma_wait3A_393 = tpu.memref_squeeze %dma_wait3A_392 : memref<1x128xi32, #tpu.memory_space<vmem>> -> memref<128xi32, #tpu.memory_space<vmem>>
      %dma_wait3A_394 = arith.constant 0 : i32
      %dma_wait3A_395 = arith.constant 0 : i32
      %dma_wait3A_396 = tpu.memref_slice %arg2[%dma_wait3A_394, %dma_wait3A_395] : memref<2600000x16xf32, #tpu.memory_space<hbm>> -> memref<2600000x16xf32, #tpu.memory_space<hbm>>
      tpu.wait_indirect_dma semaphore(%arg9 : memref<!tpu.dma_semaphore, #tpu.memory_space<semaphore_mem>>) src(%dma_wait3A_396 : memref<2600000x16xf32, #tpu.memory_space<hbm>>) dst(%dma_wait3A_390 : memref<128x16xf32, #tpu.memory_space<vmem>>)
      %dma_wait3A_397 = arith.constant 6 : i32
      %dma_wait3A_398 = arith.constant 6 : i32
      %dma_wait3A_399 = arith.constant 0 : i32
      %dma_wait3A_400 = arith.constant 0 : i32
      %dma_wait3A_401 = tpu.memref_slice %arg7[%dma_wait3A_398, %dma_wait3A_399, %dma_wait3A_400] : memref<26x128x16xf32, #tpu.memory_space<vmem>> -> memref<1x128x16xf32, #tpu.memory_space<vmem>>
      %dma_wait3A_402 = tpu.memref_squeeze %dma_wait3A_401 : memref<1x128x16xf32, #tpu.memory_space<vmem>> -> memref<128x16xf32, #tpu.memory_space<vmem>>
      %dma_wait3A_403 = arith.constant 0 : i32
      %dma_wait3A_404 = tpu.memref_slice %arg6[%dma_wait3A_397, %dma_wait3A_403] : memref<26x128xi32, #tpu.memory_space<vmem>> -> memref<1x128xi32, #tpu.memory_space<vmem>>
      %dma_wait3A_405 = tpu.memref_squeeze %dma_wait3A_404 : memref<1x128xi32, #tpu.memory_space<vmem>> -> memref<128xi32, #tpu.memory_space<vmem>>
      %dma_wait3A_406 = arith.constant 0 : i32
      %dma_wait3A_407 = arith.constant 0 : i32
      %dma_wait3A_408 = tpu.memref_slice %arg2[%dma_wait3A_406, %dma_wait3A_407] : memref<2600000x16xf32, #tpu.memory_space<hbm>> -> memref<2600000x16xf32, #tpu.memory_space<hbm>>
      tpu.wait_indirect_dma semaphore(%arg9 : memref<!tpu.dma_semaphore, #tpu.memory_space<semaphore_mem>>) src(%dma_wait3A_408 : memref<2600000x16xf32, #tpu.memory_space<hbm>>) dst(%dma_wait3A_402 : memref<128x16xf32, #tpu.memory_space<vmem>>)
      %dma_wait3A_409 = arith.constant 7 : i32
      %dma_wait3A_410 = arith.constant 7 : i32
      %dma_wait3A_411 = arith.constant 0 : i32
      %dma_wait3A_412 = arith.constant 0 : i32
      %dma_wait3A_413 = tpu.memref_slice %arg7[%dma_wait3A_410, %dma_wait3A_411, %dma_wait3A_412] : memref<26x128x16xf32, #tpu.memory_space<vmem>> -> memref<1x128x16xf32, #tpu.memory_space<vmem>>
      %dma_wait3A_414 = tpu.memref_squeeze %dma_wait3A_413 : memref<1x128x16xf32, #tpu.memory_space<vmem>> -> memref<128x16xf32, #tpu.memory_space<vmem>>
      %dma_wait3A_415 = arith.constant 0 : i32
      %dma_wait3A_416 = tpu.memref_slice %arg6[%dma_wait3A_409, %dma_wait3A_415] : memref<26x128xi32, #tpu.memory_space<vmem>> -> memref<1x128xi32, #tpu.memory_space<vmem>>
      %dma_wait3A_417 = tpu.memref_squeeze %dma_wait3A_416 : memref<1x128xi32, #tpu.memory_space<vmem>> -> memref<128xi32, #tpu.memory_space<vmem>>
      %dma_wait3A_418 = arith.constant 0 : i32
      %dma_wait3A_419 = arith.constant 0 : i32
      %dma_wait3A_420 = tpu.memref_slice %arg2[%dma_wait3A_418, %dma_wait3A_419] : memref<2600000x16xf32, #tpu.memory_space<hbm>> -> memref<2600000x16xf32, #tpu.memory_space<hbm>>
      tpu.wait_indirect_dma semaphore(%arg9 : memref<!tpu.dma_semaphore, #tpu.memory_space<semaphore_mem>>) src(%dma_wait3A_420 : memref<2600000x16xf32, #tpu.memory_space<hbm>>) dst(%dma_wait3A_414 : memref<128x16xf32, #tpu.memory_space<vmem>>)
      %dma_wait3A_421 = arith.constant 8 : i32
      %dma_wait3A_422 = arith.constant 8 : i32
      %dma_wait3A_423 = arith.constant 0 : i32
      %dma_wait3A_424 = arith.constant 0 : i32
      %dma_wait3A_425 = tpu.memref_slice %arg7[%dma_wait3A_422, %dma_wait3A_423, %dma_wait3A_424] : memref<26x128x16xf32, #tpu.memory_space<vmem>> -> memref<1x128x16xf32, #tpu.memory_space<vmem>>
      %dma_wait3A_426 = tpu.memref_squeeze %dma_wait3A_425 : memref<1x128x16xf32, #tpu.memory_space<vmem>> -> memref<128x16xf32, #tpu.memory_space<vmem>>
      %dma_wait3A_427 = arith.constant 0 : i32
      %dma_wait3A_428 = tpu.memref_slice %arg6[%dma_wait3A_421, %dma_wait3A_427] : memref<26x128xi32, #tpu.memory_space<vmem>> -> memref<1x128xi32, #tpu.memory_space<vmem>>
      %dma_wait3A_429 = tpu.memref_squeeze %dma_wait3A_428 : memref<1x128xi32, #tpu.memory_space<vmem>> -> memref<128xi32, #tpu.memory_space<vmem>>
      %dma_wait3A_430 = arith.constant 0 : i32
      %dma_wait3A_431 = arith.constant 0 : i32
      %dma_wait3A_432 = tpu.memref_slice %arg2[%dma_wait3A_430, %dma_wait3A_431] : memref<2600000x16xf32, #tpu.memory_space<hbm>> -> memref<2600000x16xf32, #tpu.memory_space<hbm>>
      tpu.wait_indirect_dma semaphore(%arg9 : memref<!tpu.dma_semaphore, #tpu.memory_space<semaphore_mem>>) src(%dma_wait3A_432 : memref<2600000x16xf32, #tpu.memory_space<hbm>>) dst(%dma_wait3A_426 : memref<128x16xf32, #tpu.memory_space<vmem>>)
      %dma_wait3A_433 = arith.constant 9 : i32
      %dma_wait3A_434 = arith.constant 9 : i32
      %dma_wait3A_435 = arith.constant 0 : i32
      %dma_wait3A_436 = arith.constant 0 : i32
      %dma_wait3A_437 = tpu.memref_slice %arg7[%dma_wait3A_434, %dma_wait3A_435, %dma_wait3A_436] : memref<26x128x16xf32, #tpu.memory_space<vmem>> -> memref<1x128x16xf32, #tpu.memory_space<vmem>>
      %dma_wait3A_438 = tpu.memref_squeeze %dma_wait3A_437 : memref<1x128x16xf32, #tpu.memory_space<vmem>> -> memref<128x16xf32, #tpu.memory_space<vmem>>
      %dma_wait3A_439 = arith.constant 0 : i32
      %dma_wait3A_440 = tpu.memref_slice %arg6[%dma_wait3A_433, %dma_wait3A_439] : memref<26x128xi32, #tpu.memory_space<vmem>> -> memref<1x128xi32, #tpu.memory_space<vmem>>
      %dma_wait3A_441 = tpu.memref_squeeze %dma_wait3A_440 : memref<1x128xi32, #tpu.memory_space<vmem>> -> memref<128xi32, #tpu.memory_space<vmem>>
      %dma_wait3A_442 = arith.constant 0 : i32
      %dma_wait3A_443 = arith.constant 0 : i32
      %dma_wait3A_444 = tpu.memref_slice %arg2[%dma_wait3A_442, %dma_wait3A_443] : memref<2600000x16xf32, #tpu.memory_space<hbm>> -> memref<2600000x16xf32, #tpu.memory_space<hbm>>
      tpu.wait_indirect_dma semaphore(%arg9 : memref<!tpu.dma_semaphore, #tpu.memory_space<semaphore_mem>>) src(%dma_wait3A_444 : memref<2600000x16xf32, #tpu.memory_space<hbm>>) dst(%dma_wait3A_438 : memref<128x16xf32, #tpu.memory_space<vmem>>)
      %dma_wait3A_445 = arith.constant 10 : i32
      %dma_wait3A_446 = arith.constant 10 : i32
      %dma_wait3A_447 = arith.constant 0 : i32
      %dma_wait3A_448 = arith.constant 0 : i32
      %dma_wait3A_449 = tpu.memref_slice %arg7[%dma_wait3A_446, %dma_wait3A_447, %dma_wait3A_448] : memref<26x128x16xf32, #tpu.memory_space<vmem>> -> memref<1x128x16xf32, #tpu.memory_space<vmem>>
      %dma_wait3A_450 = tpu.memref_squeeze %dma_wait3A_449 : memref<1x128x16xf32, #tpu.memory_space<vmem>> -> memref<128x16xf32, #tpu.memory_space<vmem>>
      %dma_wait3A_451 = arith.constant 0 : i32
      %dma_wait3A_452 = tpu.memref_slice %arg6[%dma_wait3A_445, %dma_wait3A_451] : memref<26x128xi32, #tpu.memory_space<vmem>> -> memref<1x128xi32, #tpu.memory_space<vmem>>
      %dma_wait3A_453 = tpu.memref_squeeze %dma_wait3A_452 : memref<1x128xi32, #tpu.memory_space<vmem>> -> memref<128xi32, #tpu.memory_space<vmem>>
      %dma_wait3A_454 = arith.constant 0 : i32
      %dma_wait3A_455 = arith.constant 0 : i32
      %dma_wait3A_456 = tpu.memref_slice %arg2[%dma_wait3A_454, %dma_wait3A_455] : memref<2600000x16xf32, #tpu.memory_space<hbm>> -> memref<2600000x16xf32, #tpu.memory_space<hbm>>
      tpu.wait_indirect_dma semaphore(%arg9 : memref<!tpu.dma_semaphore, #tpu.memory_space<semaphore_mem>>) src(%dma_wait3A_456 : memref<2600000x16xf32, #tpu.memory_space<hbm>>) dst(%dma_wait3A_450 : memref<128x16xf32, #tpu.memory_space<vmem>>)
      %dma_wait3A_457 = arith.constant 11 : i32
      %dma_wait3A_458 = arith.constant 11 : i32
      %dma_wait3A_459 = arith.constant 0 : i32
      %dma_wait3A_460 = arith.constant 0 : i32
      %dma_wait3A_461 = tpu.memref_slice %arg7[%dma_wait3A_458, %dma_wait3A_459, %dma_wait3A_460] : memref<26x128x16xf32, #tpu.memory_space<vmem>> -> memref<1x128x16xf32, #tpu.memory_space<vmem>>
      %dma_wait3A_462 = tpu.memref_squeeze %dma_wait3A_461 : memref<1x128x16xf32, #tpu.memory_space<vmem>> -> memref<128x16xf32, #tpu.memory_space<vmem>>
      %dma_wait3A_463 = arith.constant 0 : i32
      %dma_wait3A_464 = tpu.memref_slice %arg6[%dma_wait3A_457, %dma_wait3A_463] : memref<26x128xi32, #tpu.memory_space<vmem>> -> memref<1x128xi32, #tpu.memory_space<vmem>>
      %dma_wait3A_465 = tpu.memref_squeeze %dma_wait3A_464 : memref<1x128xi32, #tpu.memory_space<vmem>> -> memref<128xi32, #tpu.memory_space<vmem>>
      %dma_wait3A_466 = arith.constant 0 : i32
      %dma_wait3A_467 = arith.constant 0 : i32
      %dma_wait3A_468 = tpu.memref_slice %arg2[%dma_wait3A_466, %dma_wait3A_467] : memref<2600000x16xf32, #tpu.memory_space<hbm>> -> memref<2600000x16xf32, #tpu.memory_space<hbm>>
      tpu.wait_indirect_dma semaphore(%arg9 : memref<!tpu.dma_semaphore, #tpu.memory_space<semaphore_mem>>) src(%dma_wait3A_468 : memref<2600000x16xf32, #tpu.memory_space<hbm>>) dst(%dma_wait3A_462 : memref<128x16xf32, #tpu.memory_space<vmem>>)
      %dma_wait3A_469 = arith.constant 12 : i32
      %dma_wait3A_470 = arith.constant 12 : i32
      %dma_wait3A_471 = arith.constant 0 : i32
      %dma_wait3A_472 = arith.constant 0 : i32
      %dma_wait3A_473 = tpu.memref_slice %arg7[%dma_wait3A_470, %dma_wait3A_471, %dma_wait3A_472] : memref<26x128x16xf32, #tpu.memory_space<vmem>> -> memref<1x128x16xf32, #tpu.memory_space<vmem>>
      %dma_wait3A_474 = tpu.memref_squeeze %dma_wait3A_473 : memref<1x128x16xf32, #tpu.memory_space<vmem>> -> memref<128x16xf32, #tpu.memory_space<vmem>>
      %dma_wait3A_475 = arith.constant 0 : i32
      %dma_wait3A_476 = tpu.memref_slice %arg6[%dma_wait3A_469, %dma_wait3A_475] : memref<26x128xi32, #tpu.memory_space<vmem>> -> memref<1x128xi32, #tpu.memory_space<vmem>>
      %dma_wait3A_477 = tpu.memref_squeeze %dma_wait3A_476 : memref<1x128xi32, #tpu.memory_space<vmem>> -> memref<128xi32, #tpu.memory_space<vmem>>
      %dma_wait3A_478 = arith.constant 0 : i32
      %dma_wait3A_479 = arith.constant 0 : i32
      %dma_wait3A_480 = tpu.memref_slice %arg2[%dma_wait3A_478, %dma_wait3A_479] : memref<2600000x16xf32, #tpu.memory_space<hbm>> -> memref<2600000x16xf32, #tpu.memory_space<hbm>>
      tpu.wait_indirect_dma semaphore(%arg9 : memref<!tpu.dma_semaphore, #tpu.memory_space<semaphore_mem>>) src(%dma_wait3A_480 : memref<2600000x16xf32, #tpu.memory_space<hbm>>) dst(%dma_wait3A_474 : memref<128x16xf32, #tpu.memory_space<vmem>>)
      %dma_wait3A_481 = arith.constant 13 : i32
      %dma_wait3A_482 = arith.constant 13 : i32
      %dma_wait3A_483 = arith.constant 0 : i32
      %dma_wait3A_484 = arith.constant 0 : i32
      %dma_wait3A_485 = tpu.memref_slice %arg7[%dma_wait3A_482, %dma_wait3A_483, %dma_wait3A_484] : memref<26x128x16xf32, #tpu.memory_space<vmem>> -> memref<1x128x16xf32, #tpu.memory_space<vmem>>
      %dma_wait3A_486 = tpu.memref_squeeze %dma_wait3A_485 : memref<1x128x16xf32, #tpu.memory_space<vmem>> -> memref<128x16xf32, #tpu.memory_space<vmem>>
      %dma_wait3A_487 = arith.constant 0 : i32
      %dma_wait3A_488 = tpu.memref_slice %arg6[%dma_wait3A_481, %dma_wait3A_487] : memref<26x128xi32, #tpu.memory_space<vmem>> -> memref<1x128xi32, #tpu.memory_space<vmem>>
      %dma_wait3A_489 = tpu.memref_squeeze %dma_wait3A_488 : memref<1x128xi32, #tpu.memory_space<vmem>> -> memref<128xi32, #tpu.memory_space<vmem>>
      %dma_wait3A_490 = arith.constant 0 : i32
      %dma_wait3A_491 = arith.constant 0 : i32
      %dma_wait3A_492 = tpu.memref_slice %arg2[%dma_wait3A_490, %dma_wait3A_491] : memref<2600000x16xf32, #tpu.memory_space<hbm>> -> memref<2600000x16xf32, #tpu.memory_space<hbm>>
      tpu.wait_indirect_dma semaphore(%arg9 : memref<!tpu.dma_semaphore, #tpu.memory_space<semaphore_mem>>) src(%dma_wait3A_492 : memref<2600000x16xf32, #tpu.memory_space<hbm>>) dst(%dma_wait3A_486 : memref<128x16xf32, #tpu.memory_space<vmem>>)
      %dma_wait3A_493 = arith.constant 14 : i32
      %dma_wait3A_494 = arith.constant 14 : i32
      %dma_wait3A_495 = arith.constant 0 : i32
      %dma_wait3A_496 = arith.constant 0 : i32
      %dma_wait3A_497 = tpu.memref_slice %arg7[%dma_wait3A_494, %dma_wait3A_495, %dma_wait3A_496] : memref<26x128x16xf32, #tpu.memory_space<vmem>> -> memref<1x128x16xf32, #tpu.memory_space<vmem>>
      %dma_wait3A_498 = tpu.memref_squeeze %dma_wait3A_497 : memref<1x128x16xf32, #tpu.memory_space<vmem>> -> memref<128x16xf32, #tpu.memory_space<vmem>>
      %dma_wait3A_499 = arith.constant 0 : i32
      %dma_wait3A_500 = tpu.memref_slice %arg6[%dma_wait3A_493, %dma_wait3A_499] : memref<26x128xi32, #tpu.memory_space<vmem>> -> memref<1x128xi32, #tpu.memory_space<vmem>>
      %dma_wait3A_501 = tpu.memref_squeeze %dma_wait3A_500 : memref<1x128xi32, #tpu.memory_space<vmem>> -> memref<128xi32, #tpu.memory_space<vmem>>
      %dma_wait3A_502 = arith.constant 0 : i32
      %dma_wait3A_503 = arith.constant 0 : i32
      %dma_wait3A_504 = tpu.memref_slice %arg2[%dma_wait3A_502, %dma_wait3A_503] : memref<2600000x16xf32, #tpu.memory_space<hbm>> -> memref<2600000x16xf32, #tpu.memory_space<hbm>>
      tpu.wait_indirect_dma semaphore(%arg9 : memref<!tpu.dma_semaphore, #tpu.memory_space<semaphore_mem>>) src(%dma_wait3A_504 : memref<2600000x16xf32, #tpu.memory_space<hbm>>) dst(%dma_wait3A_498 : memref<128x16xf32, #tpu.memory_space<vmem>>)
      %dma_wait3A_505 = arith.constant 15 : i32
      %dma_wait3A_506 = arith.constant 15 : i32
      %dma_wait3A_507 = arith.constant 0 : i32
      %dma_wait3A_508 = arith.constant 0 : i32
      %dma_wait3A_509 = tpu.memref_slice %arg7[%dma_wait3A_506, %dma_wait3A_507, %dma_wait3A_508] : memref<26x128x16xf32, #tpu.memory_space<vmem>> -> memref<1x128x16xf32, #tpu.memory_space<vmem>>
      %dma_wait3A_510 = tpu.memref_squeeze %dma_wait3A_509 : memref<1x128x16xf32, #tpu.memory_space<vmem>> -> memref<128x16xf32, #tpu.memory_space<vmem>>
      %dma_wait3A_511 = arith.constant 0 : i32
      %dma_wait3A_512 = tpu.memref_slice %arg6[%dma_wait3A_505, %dma_wait3A_511] : memref<26x128xi32, #tpu.memory_space<vmem>> -> memref<1x128xi32, #tpu.memory_space<vmem>>
      %dma_wait3A_513 = tpu.memref_squeeze %dma_wait3A_512 : memref<1x128xi32, #tpu.memory_space<vmem>> -> memref<128xi32, #tpu.memory_space<vmem>>
      %dma_wait3A_514 = arith.constant 0 : i32
      %dma_wait3A_515 = arith.constant 0 : i32
      %dma_wait3A_516 = tpu.memref_slice %arg2[%dma_wait3A_514, %dma_wait3A_515] : memref<2600000x16xf32, #tpu.memory_space<hbm>> -> memref<2600000x16xf32, #tpu.memory_space<hbm>>
      tpu.wait_indirect_dma semaphore(%arg9 : memref<!tpu.dma_semaphore, #tpu.memory_space<semaphore_mem>>) src(%dma_wait3A_516 : memref<2600000x16xf32, #tpu.memory_space<hbm>>) dst(%dma_wait3A_510 : memref<128x16xf32, #tpu.memory_space<vmem>>)
      %dma_wait3A_517 = arith.constant 16 : i32
      %dma_wait3A_518 = arith.constant 16 : i32
      %dma_wait3A_519 = arith.constant 0 : i32
      %dma_wait3A_520 = arith.constant 0 : i32
      %dma_wait3A_521 = tpu.memref_slice %arg7[%dma_wait3A_518, %dma_wait3A_519, %dma_wait3A_520] : memref<26x128x16xf32, #tpu.memory_space<vmem>> -> memref<1x128x16xf32, #tpu.memory_space<vmem>>
      %dma_wait3A_522 = tpu.memref_squeeze %dma_wait3A_521 : memref<1x128x16xf32, #tpu.memory_space<vmem>> -> memref<128x16xf32, #tpu.memory_space<vmem>>
      %dma_wait3A_523 = arith.constant 0 : i32
      %dma_wait3A_524 = tpu.memref_slice %arg6[%dma_wait3A_517, %dma_wait3A_523] : memref<26x128xi32, #tpu.memory_space<vmem>> -> memref<1x128xi32, #tpu.memory_space<vmem>>
      %dma_wait3A_525 = tpu.memref_squeeze %dma_wait3A_524 : memref<1x128xi32, #tpu.memory_space<vmem>> -> memref<128xi32, #tpu.memory_space<vmem>>
      %dma_wait3A_526 = arith.constant 0 : i32
      %dma_wait3A_527 = arith.constant 0 : i32
      %dma_wait3A_528 = tpu.memref_slice %arg2[%dma_wait3A_526, %dma_wait3A_527] : memref<2600000x16xf32, #tpu.memory_space<hbm>> -> memref<2600000x16xf32, #tpu.memory_space<hbm>>
      tpu.wait_indirect_dma semaphore(%arg9 : memref<!tpu.dma_semaphore, #tpu.memory_space<semaphore_mem>>) src(%dma_wait3A_528 : memref<2600000x16xf32, #tpu.memory_space<hbm>>) dst(%dma_wait3A_522 : memref<128x16xf32, #tpu.memory_space<vmem>>)
      %dma_wait3A_529 = arith.constant 17 : i32
      %dma_wait3A_530 = arith.constant 17 : i32
      %dma_wait3A_531 = arith.constant 0 : i32
      %dma_wait3A_532 = arith.constant 0 : i32
      %dma_wait3A_533 = tpu.memref_slice %arg7[%dma_wait3A_530, %dma_wait3A_531, %dma_wait3A_532] : memref<26x128x16xf32, #tpu.memory_space<vmem>> -> memref<1x128x16xf32, #tpu.memory_space<vmem>>
      %dma_wait3A_534 = tpu.memref_squeeze %dma_wait3A_533 : memref<1x128x16xf32, #tpu.memory_space<vmem>> -> memref<128x16xf32, #tpu.memory_space<vmem>>
      %dma_wait3A_535 = arith.constant 0 : i32
      %dma_wait3A_536 = tpu.memref_slice %arg6[%dma_wait3A_529, %dma_wait3A_535] : memref<26x128xi32, #tpu.memory_space<vmem>> -> memref<1x128xi32, #tpu.memory_space<vmem>>
      %dma_wait3A_537 = tpu.memref_squeeze %dma_wait3A_536 : memref<1x128xi32, #tpu.memory_space<vmem>> -> memref<128xi32, #tpu.memory_space<vmem>>
      %dma_wait3A_538 = arith.constant 0 : i32
      %dma_wait3A_539 = arith.constant 0 : i32
      %dma_wait3A_540 = tpu.memref_slice %arg2[%dma_wait3A_538, %dma_wait3A_539] : memref<2600000x16xf32, #tpu.memory_space<hbm>> -> memref<2600000x16xf32, #tpu.memory_space<hbm>>
      tpu.wait_indirect_dma semaphore(%arg9 : memref<!tpu.dma_semaphore, #tpu.memory_space<semaphore_mem>>) src(%dma_wait3A_540 : memref<2600000x16xf32, #tpu.memory_space<hbm>>) dst(%dma_wait3A_534 : memref<128x16xf32, #tpu.memory_space<vmem>>)
      %dma_wait3A_541 = arith.constant 18 : i32
      %dma_wait3A_542 = arith.constant 18 : i32
      %dma_wait3A_543 = arith.constant 0 : i32
      %dma_wait3A_544 = arith.constant 0 : i32
      %dma_wait3A_545 = tpu.memref_slice %arg7[%dma_wait3A_542, %dma_wait3A_543, %dma_wait3A_544] : memref<26x128x16xf32, #tpu.memory_space<vmem>> -> memref<1x128x16xf32, #tpu.memory_space<vmem>>
      %dma_wait3A_546 = tpu.memref_squeeze %dma_wait3A_545 : memref<1x128x16xf32, #tpu.memory_space<vmem>> -> memref<128x16xf32, #tpu.memory_space<vmem>>
      %dma_wait3A_547 = arith.constant 0 : i32
      %dma_wait3A_548 = tpu.memref_slice %arg6[%dma_wait3A_541, %dma_wait3A_547] : memref<26x128xi32, #tpu.memory_space<vmem>> -> memref<1x128xi32, #tpu.memory_space<vmem>>
      %dma_wait3A_549 = tpu.memref_squeeze %dma_wait3A_548 : memref<1x128xi32, #tpu.memory_space<vmem>> -> memref<128xi32, #tpu.memory_space<vmem>>
      %dma_wait3A_550 = arith.constant 0 : i32
      %dma_wait3A_551 = arith.constant 0 : i32
      %dma_wait3A_552 = tpu.memref_slice %arg2[%dma_wait3A_550, %dma_wait3A_551] : memref<2600000x16xf32, #tpu.memory_space<hbm>> -> memref<2600000x16xf32, #tpu.memory_space<hbm>>
      tpu.wait_indirect_dma semaphore(%arg9 : memref<!tpu.dma_semaphore, #tpu.memory_space<semaphore_mem>>) src(%dma_wait3A_552 : memref<2600000x16xf32, #tpu.memory_space<hbm>>) dst(%dma_wait3A_546 : memref<128x16xf32, #tpu.memory_space<vmem>>)
      %dma_wait3A_553 = arith.constant 19 : i32
      %dma_wait3A_554 = arith.constant 19 : i32
      %dma_wait3A_555 = arith.constant 0 : i32
      %dma_wait3A_556 = arith.constant 0 : i32
      %dma_wait3A_557 = tpu.memref_slice %arg7[%dma_wait3A_554, %dma_wait3A_555, %dma_wait3A_556] : memref<26x128x16xf32, #tpu.memory_space<vmem>> -> memref<1x128x16xf32, #tpu.memory_space<vmem>>
      %dma_wait3A_558 = tpu.memref_squeeze %dma_wait3A_557 : memref<1x128x16xf32, #tpu.memory_space<vmem>> -> memref<128x16xf32, #tpu.memory_space<vmem>>
      %dma_wait3A_559 = arith.constant 0 : i32
      %dma_wait3A_560 = tpu.memref_slice %arg6[%dma_wait3A_553, %dma_wait3A_559] : memref<26x128xi32, #tpu.memory_space<vmem>> -> memref<1x128xi32, #tpu.memory_space<vmem>>
      %dma_wait3A_561 = tpu.memref_squeeze %dma_wait3A_560 : memref<1x128xi32, #tpu.memory_space<vmem>> -> memref<128xi32, #tpu.memory_space<vmem>>
      %dma_wait3A_562 = arith.constant 0 : i32
      %dma_wait3A_563 = arith.constant 0 : i32
      %dma_wait3A_564 = tpu.memref_slice %arg2[%dma_wait3A_562, %dma_wait3A_563] : memref<2600000x16xf32, #tpu.memory_space<hbm>> -> memref<2600000x16xf32, #tpu.memory_space<hbm>>
      tpu.wait_indirect_dma semaphore(%arg9 : memref<!tpu.dma_semaphore, #tpu.memory_space<semaphore_mem>>) src(%dma_wait3A_564 : memref<2600000x16xf32, #tpu.memory_space<hbm>>) dst(%dma_wait3A_558 : memref<128x16xf32, #tpu.memory_space<vmem>>)
      %dma_wait3A_565 = arith.constant 20 : i32
      %dma_wait3A_566 = arith.constant 20 : i32
      %dma_wait3A_567 = arith.constant 0 : i32
      %dma_wait3A_568 = arith.constant 0 : i32
      %dma_wait3A_569 = tpu.memref_slice %arg7[%dma_wait3A_566, %dma_wait3A_567, %dma_wait3A_568] : memref<26x128x16xf32, #tpu.memory_space<vmem>> -> memref<1x128x16xf32, #tpu.memory_space<vmem>>
      %dma_wait3A_570 = tpu.memref_squeeze %dma_wait3A_569 : memref<1x128x16xf32, #tpu.memory_space<vmem>> -> memref<128x16xf32, #tpu.memory_space<vmem>>
      %dma_wait3A_571 = arith.constant 0 : i32
      %dma_wait3A_572 = tpu.memref_slice %arg6[%dma_wait3A_565, %dma_wait3A_571] : memref<26x128xi32, #tpu.memory_space<vmem>> -> memref<1x128xi32, #tpu.memory_space<vmem>>
      %dma_wait3A_573 = tpu.memref_squeeze %dma_wait3A_572 : memref<1x128xi32, #tpu.memory_space<vmem>> -> memref<128xi32, #tpu.memory_space<vmem>>
      %dma_wait3A_574 = arith.constant 0 : i32
      %dma_wait3A_575 = arith.constant 0 : i32
      %dma_wait3A_576 = tpu.memref_slice %arg2[%dma_wait3A_574, %dma_wait3A_575] : memref<2600000x16xf32, #tpu.memory_space<hbm>> -> memref<2600000x16xf32, #tpu.memory_space<hbm>>
      tpu.wait_indirect_dma semaphore(%arg9 : memref<!tpu.dma_semaphore, #tpu.memory_space<semaphore_mem>>) src(%dma_wait3A_576 : memref<2600000x16xf32, #tpu.memory_space<hbm>>) dst(%dma_wait3A_570 : memref<128x16xf32, #tpu.memory_space<vmem>>)
      %dma_wait3A_577 = arith.constant 21 : i32
      %dma_wait3A_578 = arith.constant 21 : i32
      %dma_wait3A_579 = arith.constant 0 : i32
      %dma_wait3A_580 = arith.constant 0 : i32
      %dma_wait3A_581 = tpu.memref_slice %arg7[%dma_wait3A_578, %dma_wait3A_579, %dma_wait3A_580] : memref<26x128x16xf32, #tpu.memory_space<vmem>> -> memref<1x128x16xf32, #tpu.memory_space<vmem>>
      %dma_wait3A_582 = tpu.memref_squeeze %dma_wait3A_581 : memref<1x128x16xf32, #tpu.memory_space<vmem>> -> memref<128x16xf32, #tpu.memory_space<vmem>>
      %dma_wait3A_583 = arith.constant 0 : i32
      %dma_wait3A_584 = tpu.memref_slice %arg6[%dma_wait3A_577, %dma_wait3A_583] : memref<26x128xi32, #tpu.memory_space<vmem>> -> memref<1x128xi32, #tpu.memory_space<vmem>>
      %dma_wait3A_585 = tpu.memref_squeeze %dma_wait3A_584 : memref<1x128xi32, #tpu.memory_space<vmem>> -> memref<128xi32, #tpu.memory_space<vmem>>
      %dma_wait3A_586 = arith.constant 0 : i32
      %dma_wait3A_587 = arith.constant 0 : i32
      %dma_wait3A_588 = tpu.memref_slice %arg2[%dma_wait3A_586, %dma_wait3A_587] : memref<2600000x16xf32, #tpu.memory_space<hbm>> -> memref<2600000x16xf32, #tpu.memory_space<hbm>>
      tpu.wait_indirect_dma semaphore(%arg9 : memref<!tpu.dma_semaphore, #tpu.memory_space<semaphore_mem>>) src(%dma_wait3A_588 : memref<2600000x16xf32, #tpu.memory_space<hbm>>) dst(%dma_wait3A_582 : memref<128x16xf32, #tpu.memory_space<vmem>>)
      %dma_wait3A_589 = arith.constant 22 : i32
      %dma_wait3A_590 = arith.constant 22 : i32
      %dma_wait3A_591 = arith.constant 0 : i32
      %dma_wait3A_592 = arith.constant 0 : i32
      %dma_wait3A_593 = tpu.memref_slice %arg7[%dma_wait3A_590, %dma_wait3A_591, %dma_wait3A_592] : memref<26x128x16xf32, #tpu.memory_space<vmem>> -> memref<1x128x16xf32, #tpu.memory_space<vmem>>
      %dma_wait3A_594 = tpu.memref_squeeze %dma_wait3A_593 : memref<1x128x16xf32, #tpu.memory_space<vmem>> -> memref<128x16xf32, #tpu.memory_space<vmem>>
      %dma_wait3A_595 = arith.constant 0 : i32
      %dma_wait3A_596 = tpu.memref_slice %arg6[%dma_wait3A_589, %dma_wait3A_595] : memref<26x128xi32, #tpu.memory_space<vmem>> -> memref<1x128xi32, #tpu.memory_space<vmem>>
      %dma_wait3A_597 = tpu.memref_squeeze %dma_wait3A_596 : memref<1x128xi32, #tpu.memory_space<vmem>> -> memref<128xi32, #tpu.memory_space<vmem>>
      %dma_wait3A_598 = arith.constant 0 : i32
      %dma_wait3A_599 = arith.constant 0 : i32
      %dma_wait3A_600 = tpu.memref_slice %arg2[%dma_wait3A_598, %dma_wait3A_599] : memref<2600000x16xf32, #tpu.memory_space<hbm>> -> memref<2600000x16xf32, #tpu.memory_space<hbm>>
      tpu.wait_indirect_dma semaphore(%arg9 : memref<!tpu.dma_semaphore, #tpu.memory_space<semaphore_mem>>) src(%dma_wait3A_600 : memref<2600000x16xf32, #tpu.memory_space<hbm>>) dst(%dma_wait3A_594 : memref<128x16xf32, #tpu.memory_space<vmem>>)
      %dma_wait3A_601 = arith.constant 23 : i32
      %dma_wait3A_602 = arith.constant 23 : i32
      %dma_wait3A_603 = arith.constant 0 : i32
      %dma_wait3A_604 = arith.constant 0 : i32
      %dma_wait3A_605 = tpu.memref_slice %arg7[%dma_wait3A_602, %dma_wait3A_603, %dma_wait3A_604] : memref<26x128x16xf32, #tpu.memory_space<vmem>> -> memref<1x128x16xf32, #tpu.memory_space<vmem>>
      %dma_wait3A_606 = tpu.memref_squeeze %dma_wait3A_605 : memref<1x128x16xf32, #tpu.memory_space<vmem>> -> memref<128x16xf32, #tpu.memory_space<vmem>>
      %dma_wait3A_607 = arith.constant 0 : i32
      %dma_wait3A_608 = tpu.memref_slice %arg6[%dma_wait3A_601, %dma_wait3A_607] : memref<26x128xi32, #tpu.memory_space<vmem>> -> memref<1x128xi32, #tpu.memory_space<vmem>>
      %dma_wait3A_609 = tpu.memref_squeeze %dma_wait3A_608 : memref<1x128xi32, #tpu.memory_space<vmem>> -> memref<128xi32, #tpu.memory_space<vmem>>
      %dma_wait3A_610 = arith.constant 0 : i32
      %dma_wait3A_611 = arith.constant 0 : i32
      %dma_wait3A_612 = tpu.memref_slice %arg2[%dma_wait3A_610, %dma_wait3A_611] : memref<2600000x16xf32, #tpu.memory_space<hbm>> -> memref<2600000x16xf32, #tpu.memory_space<hbm>>
      tpu.wait_indirect_dma semaphore(%arg9 : memref<!tpu.dma_semaphore, #tpu.memory_space<semaphore_mem>>) src(%dma_wait3A_612 : memref<2600000x16xf32, #tpu.memory_space<hbm>>) dst(%dma_wait3A_606 : memref<128x16xf32, #tpu.memory_space<vmem>>)
      %dma_wait3A_613 = arith.constant 24 : i32
      %dma_wait3A_614 = arith.constant 24 : i32
      %dma_wait3A_615 = arith.constant 0 : i32
      %dma_wait3A_616 = arith.constant 0 : i32
      %dma_wait3A_617 = tpu.memref_slice %arg7[%dma_wait3A_614, %dma_wait3A_615, %dma_wait3A_616] : memref<26x128x16xf32, #tpu.memory_space<vmem>> -> memref<1x128x16xf32, #tpu.memory_space<vmem>>
      %dma_wait3A_618 = tpu.memref_squeeze %dma_wait3A_617 : memref<1x128x16xf32, #tpu.memory_space<vmem>> -> memref<128x16xf32, #tpu.memory_space<vmem>>
      %dma_wait3A_619 = arith.constant 0 : i32
      %dma_wait3A_620 = tpu.memref_slice %arg6[%dma_wait3A_613, %dma_wait3A_619] : memref<26x128xi32, #tpu.memory_space<vmem>> -> memref<1x128xi32, #tpu.memory_space<vmem>>
      %dma_wait3A_621 = tpu.memref_squeeze %dma_wait3A_620 : memref<1x128xi32, #tpu.memory_space<vmem>> -> memref<128xi32, #tpu.memory_space<vmem>>
      %dma_wait3A_622 = arith.constant 0 : i32
      %dma_wait3A_623 = arith.constant 0 : i32
      %dma_wait3A_624 = tpu.memref_slice %arg2[%dma_wait3A_622, %dma_wait3A_623] : memref<2600000x16xf32, #tpu.memory_space<hbm>> -> memref<2600000x16xf32, #tpu.memory_space<hbm>>
      tpu.wait_indirect_dma semaphore(%arg9 : memref<!tpu.dma_semaphore, #tpu.memory_space<semaphore_mem>>) src(%dma_wait3A_624 : memref<2600000x16xf32, #tpu.memory_space<hbm>>) dst(%dma_wait3A_618 : memref<128x16xf32, #tpu.memory_space<vmem>>)
      %dma_wait3A_625 = arith.constant 25 : i32
      %dma_wait3A_626 = arith.constant 25 : i32
      %dma_wait3A_627 = arith.constant 0 : i32
      %dma_wait3A_628 = arith.constant 0 : i32
      %dma_wait3A_629 = tpu.memref_slice %arg7[%dma_wait3A_626, %dma_wait3A_627, %dma_wait3A_628] : memref<26x128x16xf32, #tpu.memory_space<vmem>> -> memref<1x128x16xf32, #tpu.memory_space<vmem>>
      %dma_wait3A_630 = tpu.memref_squeeze %dma_wait3A_629 : memref<1x128x16xf32, #tpu.memory_space<vmem>> -> memref<128x16xf32, #tpu.memory_space<vmem>>
      %dma_wait3A_631 = arith.constant 0 : i32
      %dma_wait3A_632 = tpu.memref_slice %arg6[%dma_wait3A_625, %dma_wait3A_631] : memref<26x128xi32, #tpu.memory_space<vmem>> -> memref<1x128xi32, #tpu.memory_space<vmem>>
      %dma_wait3A_633 = tpu.memref_squeeze %dma_wait3A_632 : memref<1x128xi32, #tpu.memory_space<vmem>> -> memref<128xi32, #tpu.memory_space<vmem>>
      %dma_wait3A_634 = arith.constant 0 : i32
      %dma_wait3A_635 = arith.constant 0 : i32
      %dma_wait3A_636 = tpu.memref_slice %arg2[%dma_wait3A_634, %dma_wait3A_635] : memref<2600000x16xf32, #tpu.memory_space<hbm>> -> memref<2600000x16xf32, #tpu.memory_space<hbm>>
      tpu.wait_indirect_dma semaphore(%arg9 : memref<!tpu.dma_semaphore, #tpu.memory_space<semaphore_mem>>) src(%dma_wait3A_636 : memref<2600000x16xf32, #tpu.memory_space<hbm>>) dst(%dma_wait3A_630 : memref<128x16xf32, #tpu.memory_space<vmem>>)
      %dma_start3A_637 = arith.constant 0 : i32
      %dma_start3A_638 = arith.constant 0 : i32
      %dma_start3A_639 = arith.constant 0 : i32
      %dma_start3A_640 = tpu.memref_slice %arg7[%dma_start3A_637, %dma_start3A_638, %dma_start3A_639] : memref<26x128x16xf32, #tpu.memory_space<vmem>> -> memref<1x128x16xf32, #tpu.memory_space<vmem>>
      %dma_start3A_641 = tpu.memref_squeeze %dma_start3A_640 : memref<1x128x16xf32, #tpu.memory_space<vmem>> -> memref<128x16xf32, #tpu.memory_space<vmem>>
      %dma_start3A_642 = arith.constant 0 : i32
      %dma_start3A_643 = tpu.memref_slice %arg5[%add3A_14, %dma_start3A_642] : memref<16384x429xf32, #tpu.memory_space<hbm>> -> memref<128x16xf32, #tpu.memory_space<hbm>>
      %dma_start3A_644 = arith.constant 0 : i32
      %dma_start3A_645 = tpu.memref_slice %arg5[%add3A_14, %dma_start3A_644] : memref<16384x429xf32, #tpu.memory_space<hbm>> -> memref<128x16xf32, #tpu.memory_space<hbm>>
      %dma_start3A_646 = arith.constant 0 : i32
      %dma_start3A_647 = arith.constant 0 : i32
      %dma_start3A_648 = tpu.memref_slice %arg7[%dma_start3A_637, %dma_start3A_646, %dma_start3A_647] : memref<26x128x16xf32, #tpu.memory_space<vmem>> -> memref<1x128x16xf32, #tpu.memory_space<vmem>>
      %dma_start3A_649 = tpu.memref_squeeze %dma_start3A_648 : memref<1x128x16xf32, #tpu.memory_space<vmem>> -> memref<128x16xf32, #tpu.memory_space<vmem>>
      tpu.enqueue_dma source(%dma_start3A_649 : memref<128x16xf32, #tpu.memory_space<vmem>>) target(%dma_start3A_645 : memref<128x16xf32, #tpu.memory_space<hbm>>) target_semaphore(%arg9 : memref<!tpu.dma_semaphore, #tpu.memory_space<semaphore_mem>>)
      %dma_start3A_650 = arith.constant 1 : i32
      %dma_start3A_651 = arith.constant 0 : i32
      %dma_start3A_652 = arith.constant 0 : i32
      %dma_start3A_653 = tpu.memref_slice %arg7[%dma_start3A_650, %dma_start3A_651, %dma_start3A_652] : memref<26x128x16xf32, #tpu.memory_space<vmem>> -> memref<1x128x16xf32, #tpu.memory_space<vmem>>
      %dma_start3A_654 = tpu.memref_squeeze %dma_start3A_653 : memref<1x128x16xf32, #tpu.memory_space<vmem>> -> memref<128x16xf32, #tpu.memory_space<vmem>>
      %dma_start3A_655 = arith.constant 16 : i32
      %dma_start3A_656 = tpu.memref_slice %arg5[%add3A_14, %dma_start3A_655] : memref<16384x429xf32, #tpu.memory_space<hbm>> -> memref<128x16xf32, #tpu.memory_space<hbm>>
      %dma_start3A_657 = arith.constant 16 : i32
      %dma_start3A_658 = tpu.memref_slice %arg5[%add3A_14, %dma_start3A_657] : memref<16384x429xf32, #tpu.memory_space<hbm>> -> memref<128x16xf32, #tpu.memory_space<hbm>>
      %dma_start3A_659 = arith.constant 0 : i32
      %dma_start3A_660 = arith.constant 0 : i32
      %dma_start3A_661 = tpu.memref_slice %arg7[%dma_start3A_650, %dma_start3A_659, %dma_start3A_660] : memref<26x128x16xf32, #tpu.memory_space<vmem>> -> memref<1x128x16xf32, #tpu.memory_space<vmem>>
      %dma_start3A_662 = tpu.memref_squeeze %dma_start3A_661 : memref<1x128x16xf32, #tpu.memory_space<vmem>> -> memref<128x16xf32, #tpu.memory_space<vmem>>
      tpu.enqueue_dma source(%dma_start3A_662 : memref<128x16xf32, #tpu.memory_space<vmem>>) target(%dma_start3A_658 : memref<128x16xf32, #tpu.memory_space<hbm>>) target_semaphore(%arg9 : memref<!tpu.dma_semaphore, #tpu.memory_space<semaphore_mem>>)
      %dma_start3A_663 = arith.constant 2 : i32
      %dma_start3A_664 = arith.constant 0 : i32
      %dma_start3A_665 = arith.constant 0 : i32
      %dma_start3A_666 = tpu.memref_slice %arg7[%dma_start3A_663, %dma_start3A_664, %dma_start3A_665] : memref<26x128x16xf32, #tpu.memory_space<vmem>> -> memref<1x128x16xf32, #tpu.memory_space<vmem>>
      %dma_start3A_667 = tpu.memref_squeeze %dma_start3A_666 : memref<1x128x16xf32, #tpu.memory_space<vmem>> -> memref<128x16xf32, #tpu.memory_space<vmem>>
      %dma_start3A_668 = arith.constant 32 : i32
      %dma_start3A_669 = tpu.memref_slice %arg5[%add3A_14, %dma_start3A_668] : memref<16384x429xf32, #tpu.memory_space<hbm>> -> memref<128x16xf32, #tpu.memory_space<hbm>>
      %dma_start3A_670 = arith.constant 32 : i32
      %dma_start3A_671 = tpu.memref_slice %arg5[%add3A_14, %dma_start3A_670] : memref<16384x429xf32, #tpu.memory_space<hbm>> -> memref<128x16xf32, #tpu.memory_space<hbm>>
      %dma_start3A_672 = arith.constant 0 : i32
      %dma_start3A_673 = arith.constant 0 : i32
      %dma_start3A_674 = tpu.memref_slice %arg7[%dma_start3A_663, %dma_start3A_672, %dma_start3A_673] : memref<26x128x16xf32, #tpu.memory_space<vmem>> -> memref<1x128x16xf32, #tpu.memory_space<vmem>>
      %dma_start3A_675 = tpu.memref_squeeze %dma_start3A_674 : memref<1x128x16xf32, #tpu.memory_space<vmem>> -> memref<128x16xf32, #tpu.memory_space<vmem>>
      tpu.enqueue_dma source(%dma_start3A_675 : memref<128x16xf32, #tpu.memory_space<vmem>>) target(%dma_start3A_671 : memref<128x16xf32, #tpu.memory_space<hbm>>) target_semaphore(%arg9 : memref<!tpu.dma_semaphore, #tpu.memory_space<semaphore_mem>>)
      %dma_start3A_676 = arith.constant 3 : i32
      %dma_start3A_677 = arith.constant 0 : i32
      %dma_start3A_678 = arith.constant 0 : i32
      %dma_start3A_679 = tpu.memref_slice %arg7[%dma_start3A_676, %dma_start3A_677, %dma_start3A_678] : memref<26x128x16xf32, #tpu.memory_space<vmem>> -> memref<1x128x16xf32, #tpu.memory_space<vmem>>
      %dma_start3A_680 = tpu.memref_squeeze %dma_start3A_679 : memref<1x128x16xf32, #tpu.memory_space<vmem>> -> memref<128x16xf32, #tpu.memory_space<vmem>>
      %dma_start3A_681 = arith.constant 48 : i32
      %dma_start3A_682 = tpu.memref_slice %arg5[%add3A_14, %dma_start3A_681] : memref<16384x429xf32, #tpu.memory_space<hbm>> -> memref<128x16xf32, #tpu.memory_space<hbm>>
      %dma_start3A_683 = arith.constant 48 : i32
      %dma_start3A_684 = tpu.memref_slice %arg5[%add3A_14, %dma_start3A_683] : memref<16384x429xf32, #tpu.memory_space<hbm>> -> memref<128x16xf32, #tpu.memory_space<hbm>>
      %dma_start3A_685 = arith.constant 0 : i32
      %dma_start3A_686 = arith.constant 0 : i32
      %dma_start3A_687 = tpu.memref_slice %arg7[%dma_start3A_676, %dma_start3A_685, %dma_start3A_686] : memref<26x128x16xf32, #tpu.memory_space<vmem>> -> memref<1x128x16xf32, #tpu.memory_space<vmem>>
      %dma_start3A_688 = tpu.memref_squeeze %dma_start3A_687 : memref<1x128x16xf32, #tpu.memory_space<vmem>> -> memref<128x16xf32, #tpu.memory_space<vmem>>
      tpu.enqueue_dma source(%dma_start3A_688 : memref<128x16xf32, #tpu.memory_space<vmem>>) target(%dma_start3A_684 : memref<128x16xf32, #tpu.memory_space<hbm>>) target_semaphore(%arg9 : memref<!tpu.dma_semaphore, #tpu.memory_space<semaphore_mem>>)
      %dma_start3A_689 = arith.constant 4 : i32
      %dma_start3A_690 = arith.constant 0 : i32
      %dma_start3A_691 = arith.constant 0 : i32
      %dma_start3A_692 = tpu.memref_slice %arg7[%dma_start3A_689, %dma_start3A_690, %dma_start3A_691] : memref<26x128x16xf32, #tpu.memory_space<vmem>> -> memref<1x128x16xf32, #tpu.memory_space<vmem>>
      %dma_start3A_693 = tpu.memref_squeeze %dma_start3A_692 : memref<1x128x16xf32, #tpu.memory_space<vmem>> -> memref<128x16xf32, #tpu.memory_space<vmem>>
      %dma_start3A_694 = arith.constant 64 : i32
      %dma_start3A_695 = tpu.memref_slice %arg5[%add3A_14, %dma_start3A_694] : memref<16384x429xf32, #tpu.memory_space<hbm>> -> memref<128x16xf32, #tpu.memory_space<hbm>>
      %dma_start3A_696 = arith.constant 64 : i32
      %dma_start3A_697 = tpu.memref_slice %arg5[%add3A_14, %dma_start3A_696] : memref<16384x429xf32, #tpu.memory_space<hbm>> -> memref<128x16xf32, #tpu.memory_space<hbm>>
      %dma_start3A_698 = arith.constant 0 : i32
      %dma_start3A_699 = arith.constant 0 : i32
      %dma_start3A_700 = tpu.memref_slice %arg7[%dma_start3A_689, %dma_start3A_698, %dma_start3A_699] : memref<26x128x16xf32, #tpu.memory_space<vmem>> -> memref<1x128x16xf32, #tpu.memory_space<vmem>>
      %dma_start3A_701 = tpu.memref_squeeze %dma_start3A_700 : memref<1x128x16xf32, #tpu.memory_space<vmem>> -> memref<128x16xf32, #tpu.memory_space<vmem>>
      tpu.enqueue_dma source(%dma_start3A_701 : memref<128x16xf32, #tpu.memory_space<vmem>>) target(%dma_start3A_697 : memref<128x16xf32, #tpu.memory_space<hbm>>) target_semaphore(%arg9 : memref<!tpu.dma_semaphore, #tpu.memory_space<semaphore_mem>>)
      %dma_start3A_702 = arith.constant 5 : i32
      %dma_start3A_703 = arith.constant 0 : i32
      %dma_start3A_704 = arith.constant 0 : i32
      %dma_start3A_705 = tpu.memref_slice %arg7[%dma_start3A_702, %dma_start3A_703, %dma_start3A_704] : memref<26x128x16xf32, #tpu.memory_space<vmem>> -> memref<1x128x16xf32, #tpu.memory_space<vmem>>
      %dma_start3A_706 = tpu.memref_squeeze %dma_start3A_705 : memref<1x128x16xf32, #tpu.memory_space<vmem>> -> memref<128x16xf32, #tpu.memory_space<vmem>>
      %dma_start3A_707 = arith.constant 80 : i32
      %dma_start3A_708 = tpu.memref_slice %arg5[%add3A_14, %dma_start3A_707] : memref<16384x429xf32, #tpu.memory_space<hbm>> -> memref<128x16xf32, #tpu.memory_space<hbm>>
      %dma_start3A_709 = arith.constant 80 : i32
      %dma_start3A_710 = tpu.memref_slice %arg5[%add3A_14, %dma_start3A_709] : memref<16384x429xf32, #tpu.memory_space<hbm>> -> memref<128x16xf32, #tpu.memory_space<hbm>>
      %dma_start3A_711 = arith.constant 0 : i32
      %dma_start3A_712 = arith.constant 0 : i32
      %dma_start3A_713 = tpu.memref_slice %arg7[%dma_start3A_702, %dma_start3A_711, %dma_start3A_712] : memref<26x128x16xf32, #tpu.memory_space<vmem>> -> memref<1x128x16xf32, #tpu.memory_space<vmem>>
      %dma_start3A_714 = tpu.memref_squeeze %dma_start3A_713 : memref<1x128x16xf32, #tpu.memory_space<vmem>> -> memref<128x16xf32, #tpu.memory_space<vmem>>
      tpu.enqueue_dma source(%dma_start3A_714 : memref<128x16xf32, #tpu.memory_space<vmem>>) target(%dma_start3A_710 : memref<128x16xf32, #tpu.memory_space<hbm>>) target_semaphore(%arg9 : memref<!tpu.dma_semaphore, #tpu.memory_space<semaphore_mem>>)
      %dma_start3A_715 = arith.constant 6 : i32
      %dma_start3A_716 = arith.constant 0 : i32
      %dma_start3A_717 = arith.constant 0 : i32
      %dma_start3A_718 = tpu.memref_slice %arg7[%dma_start3A_715, %dma_start3A_716, %dma_start3A_717] : memref<26x128x16xf32, #tpu.memory_space<vmem>> -> memref<1x128x16xf32, #tpu.memory_space<vmem>>
      %dma_start3A_719 = tpu.memref_squeeze %dma_start3A_718 : memref<1x128x16xf32, #tpu.memory_space<vmem>> -> memref<128x16xf32, #tpu.memory_space<vmem>>
      %dma_start3A_720 = arith.constant 96 : i32
      %dma_start3A_721 = tpu.memref_slice %arg5[%add3A_14, %dma_start3A_720] : memref<16384x429xf32, #tpu.memory_space<hbm>> -> memref<128x16xf32, #tpu.memory_space<hbm>>
      %dma_start3A_722 = arith.constant 96 : i32
      %dma_start3A_723 = tpu.memref_slice %arg5[%add3A_14, %dma_start3A_722] : memref<16384x429xf32, #tpu.memory_space<hbm>> -> memref<128x16xf32, #tpu.memory_space<hbm>>
      %dma_start3A_724 = arith.constant 0 : i32
      %dma_start3A_725 = arith.constant 0 : i32
      %dma_start3A_726 = tpu.memref_slice %arg7[%dma_start3A_715, %dma_start3A_724, %dma_start3A_725] : memref<26x128x16xf32, #tpu.memory_space<vmem>> -> memref<1x128x16xf32, #tpu.memory_space<vmem>>
      %dma_start3A_727 = tpu.memref_squeeze %dma_start3A_726 : memref<1x128x16xf32, #tpu.memory_space<vmem>> -> memref<128x16xf32, #tpu.memory_space<vmem>>
      tpu.enqueue_dma source(%dma_start3A_727 : memref<128x16xf32, #tpu.memory_space<vmem>>) target(%dma_start3A_723 : memref<128x16xf32, #tpu.memory_space<hbm>>) target_semaphore(%arg9 : memref<!tpu.dma_semaphore, #tpu.memory_space<semaphore_mem>>)
      %dma_start3A_728 = arith.constant 7 : i32
      %dma_start3A_729 = arith.constant 0 : i32
      %dma_start3A_730 = arith.constant 0 : i32
      %dma_start3A_731 = tpu.memref_slice %arg7[%dma_start3A_728, %dma_start3A_729, %dma_start3A_730] : memref<26x128x16xf32, #tpu.memory_space<vmem>> -> memref<1x128x16xf32, #tpu.memory_space<vmem>>
      %dma_start3A_732 = tpu.memref_squeeze %dma_start3A_731 : memref<1x128x16xf32, #tpu.memory_space<vmem>> -> memref<128x16xf32, #tpu.memory_space<vmem>>
      %dma_start3A_733 = arith.constant 112 : i32
      %dma_start3A_734 = tpu.memref_slice %arg5[%add3A_14, %dma_start3A_733] : memref<16384x429xf32, #tpu.memory_space<hbm>> -> memref<128x16xf32, #tpu.memory_space<hbm>>
      %dma_start3A_735 = arith.constant 112 : i32
      %dma_start3A_736 = tpu.memref_slice %arg5[%add3A_14, %dma_start3A_735] : memref<16384x429xf32, #tpu.memory_space<hbm>> -> memref<128x16xf32, #tpu.memory_space<hbm>>
      %dma_start3A_737 = arith.constant 0 : i32
      %dma_start3A_738 = arith.constant 0 : i32
      %dma_start3A_739 = tpu.memref_slice %arg7[%dma_start3A_728, %dma_start3A_737, %dma_start3A_738] : memref<26x128x16xf32, #tpu.memory_space<vmem>> -> memref<1x128x16xf32, #tpu.memory_space<vmem>>
      %dma_start3A_740 = tpu.memref_squeeze %dma_start3A_739 : memref<1x128x16xf32, #tpu.memory_space<vmem>> -> memref<128x16xf32, #tpu.memory_space<vmem>>
      tpu.enqueue_dma source(%dma_start3A_740 : memref<128x16xf32, #tpu.memory_space<vmem>>) target(%dma_start3A_736 : memref<128x16xf32, #tpu.memory_space<hbm>>) target_semaphore(%arg9 : memref<!tpu.dma_semaphore, #tpu.memory_space<semaphore_mem>>)
      %dma_start3A_741 = arith.constant 8 : i32
      %dma_start3A_742 = arith.constant 0 : i32
      %dma_start3A_743 = arith.constant 0 : i32
      %dma_start3A_744 = tpu.memref_slice %arg7[%dma_start3A_741, %dma_start3A_742, %dma_start3A_743] : memref<26x128x16xf32, #tpu.memory_space<vmem>> -> memref<1x128x16xf32, #tpu.memory_space<vmem>>
      %dma_start3A_745 = tpu.memref_squeeze %dma_start3A_744 : memref<1x128x16xf32, #tpu.memory_space<vmem>> -> memref<128x16xf32, #tpu.memory_space<vmem>>
      %dma_start3A_746 = arith.constant 128 : i32
      %dma_start3A_747 = tpu.memref_slice %arg5[%add3A_14, %dma_start3A_746] : memref<16384x429xf32, #tpu.memory_space<hbm>> -> memref<128x16xf32, #tpu.memory_space<hbm>>
      %dma_start3A_748 = arith.constant 128 : i32
      %dma_start3A_749 = tpu.memref_slice %arg5[%add3A_14, %dma_start3A_748] : memref<16384x429xf32, #tpu.memory_space<hbm>> -> memref<128x16xf32, #tpu.memory_space<hbm>>
      %dma_start3A_750 = arith.constant 0 : i32
      %dma_start3A_751 = arith.constant 0 : i32
      %dma_start3A_752 = tpu.memref_slice %arg7[%dma_start3A_741, %dma_start3A_750, %dma_start3A_751] : memref<26x128x16xf32, #tpu.memory_space<vmem>> -> memref<1x128x16xf32, #tpu.memory_space<vmem>>
      %dma_start3A_753 = tpu.memref_squeeze %dma_start3A_752 : memref<1x128x16xf32, #tpu.memory_space<vmem>> -> memref<128x16xf32, #tpu.memory_space<vmem>>
      tpu.enqueue_dma source(%dma_start3A_753 : memref<128x16xf32, #tpu.memory_space<vmem>>) target(%dma_start3A_749 : memref<128x16xf32, #tpu.memory_space<hbm>>) target_semaphore(%arg9 : memref<!tpu.dma_semaphore, #tpu.memory_space<semaphore_mem>>)
      %dma_start3A_754 = arith.constant 9 : i32
      %dma_start3A_755 = arith.constant 0 : i32
      %dma_start3A_756 = arith.constant 0 : i32
      %dma_start3A_757 = tpu.memref_slice %arg7[%dma_start3A_754, %dma_start3A_755, %dma_start3A_756] : memref<26x128x16xf32, #tpu.memory_space<vmem>> -> memref<1x128x16xf32, #tpu.memory_space<vmem>>
      %dma_start3A_758 = tpu.memref_squeeze %dma_start3A_757 : memref<1x128x16xf32, #tpu.memory_space<vmem>> -> memref<128x16xf32, #tpu.memory_space<vmem>>
      %dma_start3A_759 = arith.constant 144 : i32
      %dma_start3A_760 = tpu.memref_slice %arg5[%add3A_14, %dma_start3A_759] : memref<16384x429xf32, #tpu.memory_space<hbm>> -> memref<128x16xf32, #tpu.memory_space<hbm>>
      %dma_start3A_761 = arith.constant 144 : i32
      %dma_start3A_762 = tpu.memref_slice %arg5[%add3A_14, %dma_start3A_761] : memref<16384x429xf32, #tpu.memory_space<hbm>> -> memref<128x16xf32, #tpu.memory_space<hbm>>
      %dma_start3A_763 = arith.constant 0 : i32
      %dma_start3A_764 = arith.constant 0 : i32
      %dma_start3A_765 = tpu.memref_slice %arg7[%dma_start3A_754, %dma_start3A_763, %dma_start3A_764] : memref<26x128x16xf32, #tpu.memory_space<vmem>> -> memref<1x128x16xf32, #tpu.memory_space<vmem>>
      %dma_start3A_766 = tpu.memref_squeeze %dma_start3A_765 : memref<1x128x16xf32, #tpu.memory_space<vmem>> -> memref<128x16xf32, #tpu.memory_space<vmem>>
      tpu.enqueue_dma source(%dma_start3A_766 : memref<128x16xf32, #tpu.memory_space<vmem>>) target(%dma_start3A_762 : memref<128x16xf32, #tpu.memory_space<hbm>>) target_semaphore(%arg9 : memref<!tpu.dma_semaphore, #tpu.memory_space<semaphore_mem>>)
      %dma_start3A_767 = arith.constant 10 : i32
      %dma_start3A_768 = arith.constant 0 : i32
      %dma_start3A_769 = arith.constant 0 : i32
      %dma_start3A_770 = tpu.memref_slice %arg7[%dma_start3A_767, %dma_start3A_768, %dma_start3A_769] : memref<26x128x16xf32, #tpu.memory_space<vmem>> -> memref<1x128x16xf32, #tpu.memory_space<vmem>>
      %dma_start3A_771 = tpu.memref_squeeze %dma_start3A_770 : memref<1x128x16xf32, #tpu.memory_space<vmem>> -> memref<128x16xf32, #tpu.memory_space<vmem>>
      %dma_start3A_772 = arith.constant 160 : i32
      %dma_start3A_773 = tpu.memref_slice %arg5[%add3A_14, %dma_start3A_772] : memref<16384x429xf32, #tpu.memory_space<hbm>> -> memref<128x16xf32, #tpu.memory_space<hbm>>
      %dma_start3A_774 = arith.constant 160 : i32
      %dma_start3A_775 = tpu.memref_slice %arg5[%add3A_14, %dma_start3A_774] : memref<16384x429xf32, #tpu.memory_space<hbm>> -> memref<128x16xf32, #tpu.memory_space<hbm>>
      %dma_start3A_776 = arith.constant 0 : i32
      %dma_start3A_777 = arith.constant 0 : i32
      %dma_start3A_778 = tpu.memref_slice %arg7[%dma_start3A_767, %dma_start3A_776, %dma_start3A_777] : memref<26x128x16xf32, #tpu.memory_space<vmem>> -> memref<1x128x16xf32, #tpu.memory_space<vmem>>
      %dma_start3A_779 = tpu.memref_squeeze %dma_start3A_778 : memref<1x128x16xf32, #tpu.memory_space<vmem>> -> memref<128x16xf32, #tpu.memory_space<vmem>>
      tpu.enqueue_dma source(%dma_start3A_779 : memref<128x16xf32, #tpu.memory_space<vmem>>) target(%dma_start3A_775 : memref<128x16xf32, #tpu.memory_space<hbm>>) target_semaphore(%arg9 : memref<!tpu.dma_semaphore, #tpu.memory_space<semaphore_mem>>)
      %dma_start3A_780 = arith.constant 11 : i32
      %dma_start3A_781 = arith.constant 0 : i32
      %dma_start3A_782 = arith.constant 0 : i32
      %dma_start3A_783 = tpu.memref_slice %arg7[%dma_start3A_780, %dma_start3A_781, %dma_start3A_782] : memref<26x128x16xf32, #tpu.memory_space<vmem>> -> memref<1x128x16xf32, #tpu.memory_space<vmem>>
      %dma_start3A_784 = tpu.memref_squeeze %dma_start3A_783 : memref<1x128x16xf32, #tpu.memory_space<vmem>> -> memref<128x16xf32, #tpu.memory_space<vmem>>
      %dma_start3A_785 = arith.constant 176 : i32
      %dma_start3A_786 = tpu.memref_slice %arg5[%add3A_14, %dma_start3A_785] : memref<16384x429xf32, #tpu.memory_space<hbm>> -> memref<128x16xf32, #tpu.memory_space<hbm>>
      %dma_start3A_787 = arith.constant 176 : i32
      %dma_start3A_788 = tpu.memref_slice %arg5[%add3A_14, %dma_start3A_787] : memref<16384x429xf32, #tpu.memory_space<hbm>> -> memref<128x16xf32, #tpu.memory_space<hbm>>
      %dma_start3A_789 = arith.constant 0 : i32
      %dma_start3A_790 = arith.constant 0 : i32
      %dma_start3A_791 = tpu.memref_slice %arg7[%dma_start3A_780, %dma_start3A_789, %dma_start3A_790] : memref<26x128x16xf32, #tpu.memory_space<vmem>> -> memref<1x128x16xf32, #tpu.memory_space<vmem>>
      %dma_start3A_792 = tpu.memref_squeeze %dma_start3A_791 : memref<1x128x16xf32, #tpu.memory_space<vmem>> -> memref<128x16xf32, #tpu.memory_space<vmem>>
      tpu.enqueue_dma source(%dma_start3A_792 : memref<128x16xf32, #tpu.memory_space<vmem>>) target(%dma_start3A_788 : memref<128x16xf32, #tpu.memory_space<hbm>>) target_semaphore(%arg9 : memref<!tpu.dma_semaphore, #tpu.memory_space<semaphore_mem>>)
      %dma_start3A_793 = arith.constant 12 : i32
      %dma_start3A_794 = arith.constant 0 : i32
      %dma_start3A_795 = arith.constant 0 : i32
      %dma_start3A_796 = tpu.memref_slice %arg7[%dma_start3A_793, %dma_start3A_794, %dma_start3A_795] : memref<26x128x16xf32, #tpu.memory_space<vmem>> -> memref<1x128x16xf32, #tpu.memory_space<vmem>>
      %dma_start3A_797 = tpu.memref_squeeze %dma_start3A_796 : memref<1x128x16xf32, #tpu.memory_space<vmem>> -> memref<128x16xf32, #tpu.memory_space<vmem>>
      %dma_start3A_798 = arith.constant 192 : i32
      %dma_start3A_799 = tpu.memref_slice %arg5[%add3A_14, %dma_start3A_798] : memref<16384x429xf32, #tpu.memory_space<hbm>> -> memref<128x16xf32, #tpu.memory_space<hbm>>
      %dma_start3A_800 = arith.constant 192 : i32
      %dma_start3A_801 = tpu.memref_slice %arg5[%add3A_14, %dma_start3A_800] : memref<16384x429xf32, #tpu.memory_space<hbm>> -> memref<128x16xf32, #tpu.memory_space<hbm>>
      %dma_start3A_802 = arith.constant 0 : i32
      %dma_start3A_803 = arith.constant 0 : i32
      %dma_start3A_804 = tpu.memref_slice %arg7[%dma_start3A_793, %dma_start3A_802, %dma_start3A_803] : memref<26x128x16xf32, #tpu.memory_space<vmem>> -> memref<1x128x16xf32, #tpu.memory_space<vmem>>
      %dma_start3A_805 = tpu.memref_squeeze %dma_start3A_804 : memref<1x128x16xf32, #tpu.memory_space<vmem>> -> memref<128x16xf32, #tpu.memory_space<vmem>>
      tpu.enqueue_dma source(%dma_start3A_805 : memref<128x16xf32, #tpu.memory_space<vmem>>) target(%dma_start3A_801 : memref<128x16xf32, #tpu.memory_space<hbm>>) target_semaphore(%arg9 : memref<!tpu.dma_semaphore, #tpu.memory_space<semaphore_mem>>)
      %dma_start3A_806 = arith.constant 13 : i32
      %dma_start3A_807 = arith.constant 0 : i32
      %dma_start3A_808 = arith.constant 0 : i32
      %dma_start3A_809 = tpu.memref_slice %arg7[%dma_start3A_806, %dma_start3A_807, %dma_start3A_808] : memref<26x128x16xf32, #tpu.memory_space<vmem>> -> memref<1x128x16xf32, #tpu.memory_space<vmem>>
      %dma_start3A_810 = tpu.memref_squeeze %dma_start3A_809 : memref<1x128x16xf32, #tpu.memory_space<vmem>> -> memref<128x16xf32, #tpu.memory_space<vmem>>
      %dma_start3A_811 = arith.constant 208 : i32
      %dma_start3A_812 = tpu.memref_slice %arg5[%add3A_14, %dma_start3A_811] : memref<16384x429xf32, #tpu.memory_space<hbm>> -> memref<128x16xf32, #tpu.memory_space<hbm>>
      %dma_start3A_813 = arith.constant 208 : i32
      %dma_start3A_814 = tpu.memref_slice %arg5[%add3A_14, %dma_start3A_813] : memref<16384x429xf32, #tpu.memory_space<hbm>> -> memref<128x16xf32, #tpu.memory_space<hbm>>
      %dma_start3A_815 = arith.constant 0 : i32
      %dma_start3A_816 = arith.constant 0 : i32
      %dma_start3A_817 = tpu.memref_slice %arg7[%dma_start3A_806, %dma_start3A_815, %dma_start3A_816] : memref<26x128x16xf32, #tpu.memory_space<vmem>> -> memref<1x128x16xf32, #tpu.memory_space<vmem>>
      %dma_start3A_818 = tpu.memref_squeeze %dma_start3A_817 : memref<1x128x16xf32, #tpu.memory_space<vmem>> -> memref<128x16xf32, #tpu.memory_space<vmem>>
      tpu.enqueue_dma source(%dma_start3A_818 : memref<128x16xf32, #tpu.memory_space<vmem>>) target(%dma_start3A_814 : memref<128x16xf32, #tpu.memory_space<hbm>>) target_semaphore(%arg9 : memref<!tpu.dma_semaphore, #tpu.memory_space<semaphore_mem>>)
      %dma_start3A_819 = arith.constant 14 : i32
      %dma_start3A_820 = arith.constant 0 : i32
      %dma_start3A_821 = arith.constant 0 : i32
      %dma_start3A_822 = tpu.memref_slice %arg7[%dma_start3A_819, %dma_start3A_820, %dma_start3A_821] : memref<26x128x16xf32, #tpu.memory_space<vmem>> -> memref<1x128x16xf32, #tpu.memory_space<vmem>>
      %dma_start3A_823 = tpu.memref_squeeze %dma_start3A_822 : memref<1x128x16xf32, #tpu.memory_space<vmem>> -> memref<128x16xf32, #tpu.memory_space<vmem>>
      %dma_start3A_824 = arith.constant 224 : i32
      %dma_start3A_825 = tpu.memref_slice %arg5[%add3A_14, %dma_start3A_824] : memref<16384x429xf32, #tpu.memory_space<hbm>> -> memref<128x16xf32, #tpu.memory_space<hbm>>
      %dma_start3A_826 = arith.constant 224 : i32
      %dma_start3A_827 = tpu.memref_slice %arg5[%add3A_14, %dma_start3A_826] : memref<16384x429xf32, #tpu.memory_space<hbm>> -> memref<128x16xf32, #tpu.memory_space<hbm>>
      %dma_start3A_828 = arith.constant 0 : i32
      %dma_start3A_829 = arith.constant 0 : i32
      %dma_start3A_830 = tpu.memref_slice %arg7[%dma_start3A_819, %dma_start3A_828, %dma_start3A_829] : memref<26x128x16xf32, #tpu.memory_space<vmem>> -> memref<1x128x16xf32, #tpu.memory_space<vmem>>
      %dma_start3A_831 = tpu.memref_squeeze %dma_start3A_830 : memref<1x128x16xf32, #tpu.memory_space<vmem>> -> memref<128x16xf32, #tpu.memory_space<vmem>>
      tpu.enqueue_dma source(%dma_start3A_831 : memref<128x16xf32, #tpu.memory_space<vmem>>) target(%dma_start3A_827 : memref<128x16xf32, #tpu.memory_space<hbm>>) target_semaphore(%arg9 : memref<!tpu.dma_semaphore, #tpu.memory_space<semaphore_mem>>)
      %dma_start3A_832 = arith.constant 15 : i32
      %dma_start3A_833 = arith.constant 0 : i32
      %dma_start3A_834 = arith.constant 0 : i32
      %dma_start3A_835 = tpu.memref_slice %arg7[%dma_start3A_832, %dma_start3A_833, %dma_start3A_834] : memref<26x128x16xf32, #tpu.memory_space<vmem>> -> memref<1x128x16xf32, #tpu.memory_space<vmem>>
      %dma_start3A_836 = tpu.memref_squeeze %dma_start3A_835 : memref<1x128x16xf32, #tpu.memory_space<vmem>> -> memref<128x16xf32, #tpu.memory_space<vmem>>
      %dma_start3A_837 = arith.constant 240 : i32
      %dma_start3A_838 = tpu.memref_slice %arg5[%add3A_14, %dma_start3A_837] : memref<16384x429xf32, #tpu.memory_space<hbm>> -> memref<128x16xf32, #tpu.memory_space<hbm>>
      %dma_start3A_839 = arith.constant 240 : i32
      %dma_start3A_840 = tpu.memref_slice %arg5[%add3A_14, %dma_start3A_839] : memref<16384x429xf32, #tpu.memory_space<hbm>> -> memref<128x16xf32, #tpu.memory_space<hbm>>
      %dma_start3A_841 = arith.constant 0 : i32
      %dma_start3A_842 = arith.constant 0 : i32
      %dma_start3A_843 = tpu.memref_slice %arg7[%dma_start3A_832, %dma_start3A_841, %dma_start3A_842] : memref<26x128x16xf32, #tpu.memory_space<vmem>> -> memref<1x128x16xf32, #tpu.memory_space<vmem>>
      %dma_start3A_844 = tpu.memref_squeeze %dma_start3A_843 : memref<1x128x16xf32, #tpu.memory_space<vmem>> -> memref<128x16xf32, #tpu.memory_space<vmem>>
      tpu.enqueue_dma source(%dma_start3A_844 : memref<128x16xf32, #tpu.memory_space<vmem>>) target(%dma_start3A_840 : memref<128x16xf32, #tpu.memory_space<hbm>>) target_semaphore(%arg9 : memref<!tpu.dma_semaphore, #tpu.memory_space<semaphore_mem>>)
      %dma_start3A_845 = arith.constant 16 : i32
      %dma_start3A_846 = arith.constant 0 : i32
      %dma_start3A_847 = arith.constant 0 : i32
      %dma_start3A_848 = tpu.memref_slice %arg7[%dma_start3A_845, %dma_start3A_846, %dma_start3A_847] : memref<26x128x16xf32, #tpu.memory_space<vmem>> -> memref<1x128x16xf32, #tpu.memory_space<vmem>>
      %dma_start3A_849 = tpu.memref_squeeze %dma_start3A_848 : memref<1x128x16xf32, #tpu.memory_space<vmem>> -> memref<128x16xf32, #tpu.memory_space<vmem>>
      %dma_start3A_850 = arith.constant 256 : i32
      %dma_start3A_851 = tpu.memref_slice %arg5[%add3A_14, %dma_start3A_850] : memref<16384x429xf32, #tpu.memory_space<hbm>> -> memref<128x16xf32, #tpu.memory_space<hbm>>
      %dma_start3A_852 = arith.constant 256 : i32
      %dma_start3A_853 = tpu.memref_slice %arg5[%add3A_14, %dma_start3A_852] : memref<16384x429xf32, #tpu.memory_space<hbm>> -> memref<128x16xf32, #tpu.memory_space<hbm>>
      %dma_start3A_854 = arith.constant 0 : i32
      %dma_start3A_855 = arith.constant 0 : i32
      %dma_start3A_856 = tpu.memref_slice %arg7[%dma_start3A_845, %dma_start3A_854, %dma_start3A_855] : memref<26x128x16xf32, #tpu.memory_space<vmem>> -> memref<1x128x16xf32, #tpu.memory_space<vmem>>
      %dma_start3A_857 = tpu.memref_squeeze %dma_start3A_856 : memref<1x128x16xf32, #tpu.memory_space<vmem>> -> memref<128x16xf32, #tpu.memory_space<vmem>>
      tpu.enqueue_dma source(%dma_start3A_857 : memref<128x16xf32, #tpu.memory_space<vmem>>) target(%dma_start3A_853 : memref<128x16xf32, #tpu.memory_space<hbm>>) target_semaphore(%arg9 : memref<!tpu.dma_semaphore, #tpu.memory_space<semaphore_mem>>)
      %dma_start3A_858 = arith.constant 17 : i32
      %dma_start3A_859 = arith.constant 0 : i32
      %dma_start3A_860 = arith.constant 0 : i32
      %dma_start3A_861 = tpu.memref_slice %arg7[%dma_start3A_858, %dma_start3A_859, %dma_start3A_860] : memref<26x128x16xf32, #tpu.memory_space<vmem>> -> memref<1x128x16xf32, #tpu.memory_space<vmem>>
      %dma_start3A_862 = tpu.memref_squeeze %dma_start3A_861 : memref<1x128x16xf32, #tpu.memory_space<vmem>> -> memref<128x16xf32, #tpu.memory_space<vmem>>
      %dma_start3A_863 = arith.constant 272 : i32
      %dma_start3A_864 = tpu.memref_slice %arg5[%add3A_14, %dma_start3A_863] : memref<16384x429xf32, #tpu.memory_space<hbm>> -> memref<128x16xf32, #tpu.memory_space<hbm>>
      %dma_start3A_865 = arith.constant 272 : i32
      %dma_start3A_866 = tpu.memref_slice %arg5[%add3A_14, %dma_start3A_865] : memref<16384x429xf32, #tpu.memory_space<hbm>> -> memref<128x16xf32, #tpu.memory_space<hbm>>
      %dma_start3A_867 = arith.constant 0 : i32
      %dma_start3A_868 = arith.constant 0 : i32
      %dma_start3A_869 = tpu.memref_slice %arg7[%dma_start3A_858, %dma_start3A_867, %dma_start3A_868] : memref<26x128x16xf32, #tpu.memory_space<vmem>> -> memref<1x128x16xf32, #tpu.memory_space<vmem>>
      %dma_start3A_870 = tpu.memref_squeeze %dma_start3A_869 : memref<1x128x16xf32, #tpu.memory_space<vmem>> -> memref<128x16xf32, #tpu.memory_space<vmem>>
      tpu.enqueue_dma source(%dma_start3A_870 : memref<128x16xf32, #tpu.memory_space<vmem>>) target(%dma_start3A_866 : memref<128x16xf32, #tpu.memory_space<hbm>>) target_semaphore(%arg9 : memref<!tpu.dma_semaphore, #tpu.memory_space<semaphore_mem>>)
      %dma_start3A_871 = arith.constant 18 : i32
      %dma_start3A_872 = arith.constant 0 : i32
      %dma_start3A_873 = arith.constant 0 : i32
      %dma_start3A_874 = tpu.memref_slice %arg7[%dma_start3A_871, %dma_start3A_872, %dma_start3A_873] : memref<26x128x16xf32, #tpu.memory_space<vmem>> -> memref<1x128x16xf32, #tpu.memory_space<vmem>>
      %dma_start3A_875 = tpu.memref_squeeze %dma_start3A_874 : memref<1x128x16xf32, #tpu.memory_space<vmem>> -> memref<128x16xf32, #tpu.memory_space<vmem>>
      %dma_start3A_876 = arith.constant 288 : i32
      %dma_start3A_877 = tpu.memref_slice %arg5[%add3A_14, %dma_start3A_876] : memref<16384x429xf32, #tpu.memory_space<hbm>> -> memref<128x16xf32, #tpu.memory_space<hbm>>
      %dma_start3A_878 = arith.constant 288 : i32
      %dma_start3A_879 = tpu.memref_slice %arg5[%add3A_14, %dma_start3A_878] : memref<16384x429xf32, #tpu.memory_space<hbm>> -> memref<128x16xf32, #tpu.memory_space<hbm>>
      %dma_start3A_880 = arith.constant 0 : i32
      %dma_start3A_881 = arith.constant 0 : i32
      %dma_start3A_882 = tpu.memref_slice %arg7[%dma_start3A_871, %dma_start3A_880, %dma_start3A_881] : memref<26x128x16xf32, #tpu.memory_space<vmem>> -> memref<1x128x16xf32, #tpu.memory_space<vmem>>
      %dma_start3A_883 = tpu.memref_squeeze %dma_start3A_882 : memref<1x128x16xf32, #tpu.memory_space<vmem>> -> memref<128x16xf32, #tpu.memory_space<vmem>>
      tpu.enqueue_dma source(%dma_start3A_883 : memref<128x16xf32, #tpu.memory_space<vmem>>) target(%dma_start3A_879 : memref<128x16xf32, #tpu.memory_space<hbm>>) target_semaphore(%arg9 : memref<!tpu.dma_semaphore, #tpu.memory_space<semaphore_mem>>)
      %dma_start3A_884 = arith.constant 19 : i32
      %dma_start3A_885 = arith.constant 0 : i32
      %dma_start3A_886 = arith.constant 0 : i32
      %dma_start3A_887 = tpu.memref_slice %arg7[%dma_start3A_884, %dma_start3A_885, %dma_start3A_886] : memref<26x128x16xf32, #tpu.memory_space<vmem>> -> memref<1x128x16xf32, #tpu.memory_space<vmem>>
      %dma_start3A_888 = tpu.memref_squeeze %dma_start3A_887 : memref<1x128x16xf32, #tpu.memory_space<vmem>> -> memref<128x16xf32, #tpu.memory_space<vmem>>
      %dma_start3A_889 = arith.constant 304 : i32
      %dma_start3A_890 = tpu.memref_slice %arg5[%add3A_14, %dma_start3A_889] : memref<16384x429xf32, #tpu.memory_space<hbm>> -> memref<128x16xf32, #tpu.memory_space<hbm>>
      %dma_start3A_891 = arith.constant 304 : i32
      %dma_start3A_892 = tpu.memref_slice %arg5[%add3A_14, %dma_start3A_891] : memref<16384x429xf32, #tpu.memory_space<hbm>> -> memref<128x16xf32, #tpu.memory_space<hbm>>
      %dma_start3A_893 = arith.constant 0 : i32
      %dma_start3A_894 = arith.constant 0 : i32
      %dma_start3A_895 = tpu.memref_slice %arg7[%dma_start3A_884, %dma_start3A_893, %dma_start3A_894] : memref<26x128x16xf32, #tpu.memory_space<vmem>> -> memref<1x128x16xf32, #tpu.memory_space<vmem>>
      %dma_start3A_896 = tpu.memref_squeeze %dma_start3A_895 : memref<1x128x16xf32, #tpu.memory_space<vmem>> -> memref<128x16xf32, #tpu.memory_space<vmem>>
      tpu.enqueue_dma source(%dma_start3A_896 : memref<128x16xf32, #tpu.memory_space<vmem>>) target(%dma_start3A_892 : memref<128x16xf32, #tpu.memory_space<hbm>>) target_semaphore(%arg9 : memref<!tpu.dma_semaphore, #tpu.memory_space<semaphore_mem>>)
      %dma_start3A_897 = arith.constant 20 : i32
      %dma_start3A_898 = arith.constant 0 : i32
      %dma_start3A_899 = arith.constant 0 : i32
      %dma_start3A_900 = tpu.memref_slice %arg7[%dma_start3A_897, %dma_start3A_898, %dma_start3A_899] : memref<26x128x16xf32, #tpu.memory_space<vmem>> -> memref<1x128x16xf32, #tpu.memory_space<vmem>>
      %dma_start3A_901 = tpu.memref_squeeze %dma_start3A_900 : memref<1x128x16xf32, #tpu.memory_space<vmem>> -> memref<128x16xf32, #tpu.memory_space<vmem>>
      %dma_start3A_902 = arith.constant 320 : i32
      %dma_start3A_903 = tpu.memref_slice %arg5[%add3A_14, %dma_start3A_902] : memref<16384x429xf32, #tpu.memory_space<hbm>> -> memref<128x16xf32, #tpu.memory_space<hbm>>
      %dma_start3A_904 = arith.constant 320 : i32
      %dma_start3A_905 = tpu.memref_slice %arg5[%add3A_14, %dma_start3A_904] : memref<16384x429xf32, #tpu.memory_space<hbm>> -> memref<128x16xf32, #tpu.memory_space<hbm>>
      %dma_start3A_906 = arith.constant 0 : i32
      %dma_start3A_907 = arith.constant 0 : i32
      %dma_start3A_908 = tpu.memref_slice %arg7[%dma_start3A_897, %dma_start3A_906, %dma_start3A_907] : memref<26x128x16xf32, #tpu.memory_space<vmem>> -> memref<1x128x16xf32, #tpu.memory_space<vmem>>
      %dma_start3A_909 = tpu.memref_squeeze %dma_start3A_908 : memref<1x128x16xf32, #tpu.memory_space<vmem>> -> memref<128x16xf32, #tpu.memory_space<vmem>>
      tpu.enqueue_dma source(%dma_start3A_909 : memref<128x16xf32, #tpu.memory_space<vmem>>) target(%dma_start3A_905 : memref<128x16xf32, #tpu.memory_space<hbm>>) target_semaphore(%arg9 : memref<!tpu.dma_semaphore, #tpu.memory_space<semaphore_mem>>)
      %dma_start3A_910 = arith.constant 21 : i32
      %dma_start3A_911 = arith.constant 0 : i32
      %dma_start3A_912 = arith.constant 0 : i32
      %dma_start3A_913 = tpu.memref_slice %arg7[%dma_start3A_910, %dma_start3A_911, %dma_start3A_912] : memref<26x128x16xf32, #tpu.memory_space<vmem>> -> memref<1x128x16xf32, #tpu.memory_space<vmem>>
      %dma_start3A_914 = tpu.memref_squeeze %dma_start3A_913 : memref<1x128x16xf32, #tpu.memory_space<vmem>> -> memref<128x16xf32, #tpu.memory_space<vmem>>
      %dma_start3A_915 = arith.constant 336 : i32
      %dma_start3A_916 = tpu.memref_slice %arg5[%add3A_14, %dma_start3A_915] : memref<16384x429xf32, #tpu.memory_space<hbm>> -> memref<128x16xf32, #tpu.memory_space<hbm>>
      %dma_start3A_917 = arith.constant 336 : i32
      %dma_start3A_918 = tpu.memref_slice %arg5[%add3A_14, %dma_start3A_917] : memref<16384x429xf32, #tpu.memory_space<hbm>> -> memref<128x16xf32, #tpu.memory_space<hbm>>
      %dma_start3A_919 = arith.constant 0 : i32
      %dma_start3A_920 = arith.constant 0 : i32
      %dma_start3A_921 = tpu.memref_slice %arg7[%dma_start3A_910, %dma_start3A_919, %dma_start3A_920] : memref<26x128x16xf32, #tpu.memory_space<vmem>> -> memref<1x128x16xf32, #tpu.memory_space<vmem>>
      %dma_start3A_922 = tpu.memref_squeeze %dma_start3A_921 : memref<1x128x16xf32, #tpu.memory_space<vmem>> -> memref<128x16xf32, #tpu.memory_space<vmem>>
      tpu.enqueue_dma source(%dma_start3A_922 : memref<128x16xf32, #tpu.memory_space<vmem>>) target(%dma_start3A_918 : memref<128x16xf32, #tpu.memory_space<hbm>>) target_semaphore(%arg9 : memref<!tpu.dma_semaphore, #tpu.memory_space<semaphore_mem>>)
      %dma_start3A_923 = arith.constant 22 : i32
      %dma_start3A_924 = arith.constant 0 : i32
      %dma_start3A_925 = arith.constant 0 : i32
      %dma_start3A_926 = tpu.memref_slice %arg7[%dma_start3A_923, %dma_start3A_924, %dma_start3A_925] : memref<26x128x16xf32, #tpu.memory_space<vmem>> -> memref<1x128x16xf32, #tpu.memory_space<vmem>>
      %dma_start3A_927 = tpu.memref_squeeze %dma_start3A_926 : memref<1x128x16xf32, #tpu.memory_space<vmem>> -> memref<128x16xf32, #tpu.memory_space<vmem>>
      %dma_start3A_928 = arith.constant 352 : i32
      %dma_start3A_929 = tpu.memref_slice %arg5[%add3A_14, %dma_start3A_928] : memref<16384x429xf32, #tpu.memory_space<hbm>> -> memref<128x16xf32, #tpu.memory_space<hbm>>
      %dma_start3A_930 = arith.constant 352 : i32
      %dma_start3A_931 = tpu.memref_slice %arg5[%add3A_14, %dma_start3A_930] : memref<16384x429xf32, #tpu.memory_space<hbm>> -> memref<128x16xf32, #tpu.memory_space<hbm>>
      %dma_start3A_932 = arith.constant 0 : i32
      %dma_start3A_933 = arith.constant 0 : i32
      %dma_start3A_934 = tpu.memref_slice %arg7[%dma_start3A_923, %dma_start3A_932, %dma_start3A_933] : memref<26x128x16xf32, #tpu.memory_space<vmem>> -> memref<1x128x16xf32, #tpu.memory_space<vmem>>
      %dma_start3A_935 = tpu.memref_squeeze %dma_start3A_934 : memref<1x128x16xf32, #tpu.memory_space<vmem>> -> memref<128x16xf32, #tpu.memory_space<vmem>>
      tpu.enqueue_dma source(%dma_start3A_935 : memref<128x16xf32, #tpu.memory_space<vmem>>) target(%dma_start3A_931 : memref<128x16xf32, #tpu.memory_space<hbm>>) target_semaphore(%arg9 : memref<!tpu.dma_semaphore, #tpu.memory_space<semaphore_mem>>)
      %dma_start3A_936 = arith.constant 23 : i32
      %dma_start3A_937 = arith.constant 0 : i32
      %dma_start3A_938 = arith.constant 0 : i32
      %dma_start3A_939 = tpu.memref_slice %arg7[%dma_start3A_936, %dma_start3A_937, %dma_start3A_938] : memref<26x128x16xf32, #tpu.memory_space<vmem>> -> memref<1x128x16xf32, #tpu.memory_space<vmem>>
      %dma_start3A_940 = tpu.memref_squeeze %dma_start3A_939 : memref<1x128x16xf32, #tpu.memory_space<vmem>> -> memref<128x16xf32, #tpu.memory_space<vmem>>
      %dma_start3A_941 = arith.constant 368 : i32
      %dma_start3A_942 = tpu.memref_slice %arg5[%add3A_14, %dma_start3A_941] : memref<16384x429xf32, #tpu.memory_space<hbm>> -> memref<128x16xf32, #tpu.memory_space<hbm>>
      %dma_start3A_943 = arith.constant 368 : i32
      %dma_start3A_944 = tpu.memref_slice %arg5[%add3A_14, %dma_start3A_943] : memref<16384x429xf32, #tpu.memory_space<hbm>> -> memref<128x16xf32, #tpu.memory_space<hbm>>
      %dma_start3A_945 = arith.constant 0 : i32
      %dma_start3A_946 = arith.constant 0 : i32
      %dma_start3A_947 = tpu.memref_slice %arg7[%dma_start3A_936, %dma_start3A_945, %dma_start3A_946] : memref<26x128x16xf32, #tpu.memory_space<vmem>> -> memref<1x128x16xf32, #tpu.memory_space<vmem>>
      %dma_start3A_948 = tpu.memref_squeeze %dma_start3A_947 : memref<1x128x16xf32, #tpu.memory_space<vmem>> -> memref<128x16xf32, #tpu.memory_space<vmem>>
      tpu.enqueue_dma source(%dma_start3A_948 : memref<128x16xf32, #tpu.memory_space<vmem>>) target(%dma_start3A_944 : memref<128x16xf32, #tpu.memory_space<hbm>>) target_semaphore(%arg9 : memref<!tpu.dma_semaphore, #tpu.memory_space<semaphore_mem>>)
      %dma_start3A_949 = arith.constant 24 : i32
      %dma_start3A_950 = arith.constant 0 : i32
      %dma_start3A_951 = arith.constant 0 : i32
      %dma_start3A_952 = tpu.memref_slice %arg7[%dma_start3A_949, %dma_start3A_950, %dma_start3A_951] : memref<26x128x16xf32, #tpu.memory_space<vmem>> -> memref<1x128x16xf32, #tpu.memory_space<vmem>>
      %dma_start3A_953 = tpu.memref_squeeze %dma_start3A_952 : memref<1x128x16xf32, #tpu.memory_space<vmem>> -> memref<128x16xf32, #tpu.memory_space<vmem>>
      %dma_start3A_954 = arith.constant 384 : i32
      %dma_start3A_955 = tpu.memref_slice %arg5[%add3A_14, %dma_start3A_954] : memref<16384x429xf32, #tpu.memory_space<hbm>> -> memref<128x16xf32, #tpu.memory_space<hbm>>
      %dma_start3A_956 = arith.constant 384 : i32
      %dma_start3A_957 = tpu.memref_slice %arg5[%add3A_14, %dma_start3A_956] : memref<16384x429xf32, #tpu.memory_space<hbm>> -> memref<128x16xf32, #tpu.memory_space<hbm>>
      %dma_start3A_958 = arith.constant 0 : i32
      %dma_start3A_959 = arith.constant 0 : i32
      %dma_start3A_960 = tpu.memref_slice %arg7[%dma_start3A_949, %dma_start3A_958, %dma_start3A_959] : memref<26x128x16xf32, #tpu.memory_space<vmem>> -> memref<1x128x16xf32, #tpu.memory_space<vmem>>
      %dma_start3A_961 = tpu.memref_squeeze %dma_start3A_960 : memref<1x128x16xf32, #tpu.memory_space<vmem>> -> memref<128x16xf32, #tpu.memory_space<vmem>>
      tpu.enqueue_dma source(%dma_start3A_961 : memref<128x16xf32, #tpu.memory_space<vmem>>) target(%dma_start3A_957 : memref<128x16xf32, #tpu.memory_space<hbm>>) target_semaphore(%arg9 : memref<!tpu.dma_semaphore, #tpu.memory_space<semaphore_mem>>)
      %dma_start3A_962 = arith.constant 25 : i32
      %dma_start3A_963 = arith.constant 0 : i32
      %dma_start3A_964 = arith.constant 0 : i32
      %dma_start3A_965 = tpu.memref_slice %arg7[%dma_start3A_962, %dma_start3A_963, %dma_start3A_964] : memref<26x128x16xf32, #tpu.memory_space<vmem>> -> memref<1x128x16xf32, #tpu.memory_space<vmem>>
      %dma_start3A_966 = tpu.memref_squeeze %dma_start3A_965 : memref<1x128x16xf32, #tpu.memory_space<vmem>> -> memref<128x16xf32, #tpu.memory_space<vmem>>
      %dma_start3A_967 = arith.constant 400 : i32
      %dma_start3A_968 = tpu.memref_slice %arg5[%add3A_14, %dma_start3A_967] : memref<16384x429xf32, #tpu.memory_space<hbm>> -> memref<128x16xf32, #tpu.memory_space<hbm>>
      %dma_start3A_969 = arith.constant 400 : i32
      %dma_start3A_970 = tpu.memref_slice %arg5[%add3A_14, %dma_start3A_969] : memref<16384x429xf32, #tpu.memory_space<hbm>> -> memref<128x16xf32, #tpu.memory_space<hbm>>
      %dma_start3A_971 = arith.constant 0 : i32
      %dma_start3A_972 = arith.constant 0 : i32
      %dma_start3A_973 = tpu.memref_slice %arg7[%dma_start3A_962, %dma_start3A_971, %dma_start3A_972] : memref<26x128x16xf32, #tpu.memory_space<vmem>> -> memref<1x128x16xf32, #tpu.memory_space<vmem>>
      %dma_start3A_974 = tpu.memref_squeeze %dma_start3A_973 : memref<1x128x16xf32, #tpu.memory_space<vmem>> -> memref<128x16xf32, #tpu.memory_space<vmem>>
      tpu.enqueue_dma source(%dma_start3A_974 : memref<128x16xf32, #tpu.memory_space<vmem>>) target(%dma_start3A_970 : memref<128x16xf32, #tpu.memory_space<hbm>>) target_semaphore(%arg9 : memref<!tpu.dma_semaphore, #tpu.memory_space<semaphore_mem>>)
      %dma_wait3A_975 = arith.constant 0 : i32
      %dma_wait3A_976 = arith.constant 0 : i32
      %dma_wait3A_977 = arith.constant 0 : i32
      %dma_wait3A_978 = tpu.memref_slice %arg7[%dma_wait3A_975, %dma_wait3A_976, %dma_wait3A_977] : memref<26x128x16xf32, #tpu.memory_space<vmem>> -> memref<1x128x16xf32, #tpu.memory_space<vmem>>
      %dma_wait3A_979 = tpu.memref_squeeze %dma_wait3A_978 : memref<1x128x16xf32, #tpu.memory_space<vmem>> -> memref<128x16xf32, #tpu.memory_space<vmem>>
      %dma_wait3A_980 = arith.constant 0 : i32
      %dma_wait3A_981 = tpu.memref_slice %arg5[%add3A_14, %dma_wait3A_980] : memref<16384x429xf32, #tpu.memory_space<hbm>> -> memref<128x16xf32, #tpu.memory_space<hbm>>
      %dma_wait3A_982 = arith.constant 0 : i32
      %dma_wait3A_983 = tpu.memref_slice %arg5[%add3A_14, %dma_wait3A_982] : memref<16384x429xf32, #tpu.memory_space<hbm>> -> memref<128x16xf32, #tpu.memory_space<hbm>>
      %dma_wait3A_984 = arith.constant 0 : i32
      %dma_wait3A_985 = arith.constant 0 : i32
      %dma_wait3A_986 = tpu.memref_slice %arg7[%dma_wait3A_975, %dma_wait3A_984, %dma_wait3A_985] : memref<26x128x16xf32, #tpu.memory_space<vmem>> -> memref<1x128x16xf32, #tpu.memory_space<vmem>>
      %dma_wait3A_987 = tpu.memref_squeeze %dma_wait3A_986 : memref<1x128x16xf32, #tpu.memory_space<vmem>> -> memref<128x16xf32, #tpu.memory_space<vmem>>
      tpu.wait_dma2 semaphore(%arg9 : memref<!tpu.dma_semaphore, #tpu.memory_space<semaphore_mem>>) src(%dma_wait3A_987 : memref<128x16xf32, #tpu.memory_space<vmem>>) dst(%dma_wait3A_983 : memref<128x16xf32, #tpu.memory_space<hbm>>)
      %dma_wait3A_988 = arith.constant 1 : i32
      %dma_wait3A_989 = arith.constant 0 : i32
      %dma_wait3A_990 = arith.constant 0 : i32
      %dma_wait3A_991 = tpu.memref_slice %arg7[%dma_wait3A_988, %dma_wait3A_989, %dma_wait3A_990] : memref<26x128x16xf32, #tpu.memory_space<vmem>> -> memref<1x128x16xf32, #tpu.memory_space<vmem>>
      %dma_wait3A_992 = tpu.memref_squeeze %dma_wait3A_991 : memref<1x128x16xf32, #tpu.memory_space<vmem>> -> memref<128x16xf32, #tpu.memory_space<vmem>>
      %dma_wait3A_993 = arith.constant 16 : i32
      %dma_wait3A_994 = tpu.memref_slice %arg5[%add3A_14, %dma_wait3A_993] : memref<16384x429xf32, #tpu.memory_space<hbm>> -> memref<128x16xf32, #tpu.memory_space<hbm>>
      %dma_wait3A_995 = arith.constant 16 : i32
      %dma_wait3A_996 = tpu.memref_slice %arg5[%add3A_14, %dma_wait3A_995] : memref<16384x429xf32, #tpu.memory_space<hbm>> -> memref<128x16xf32, #tpu.memory_space<hbm>>
      %dma_wait3A_997 = arith.constant 0 : i32
      %dma_wait3A_998 = arith.constant 0 : i32
      %dma_wait3A_999 = tpu.memref_slice %arg7[%dma_wait3A_988, %dma_wait3A_997, %dma_wait3A_998] : memref<26x128x16xf32, #tpu.memory_space<vmem>> -> memref<1x128x16xf32, #tpu.memory_space<vmem>>
      %dma_wait3A_1000 = tpu.memref_squeeze %dma_wait3A_999 : memref<1x128x16xf32, #tpu.memory_space<vmem>> -> memref<128x16xf32, #tpu.memory_space<vmem>>
      tpu.wait_dma2 semaphore(%arg9 : memref<!tpu.dma_semaphore, #tpu.memory_space<semaphore_mem>>) src(%dma_wait3A_1000 : memref<128x16xf32, #tpu.memory_space<vmem>>) dst(%dma_wait3A_996 : memref<128x16xf32, #tpu.memory_space<hbm>>)
      %dma_wait3A_1001 = arith.constant 2 : i32
      %dma_wait3A_1002 = arith.constant 0 : i32
      %dma_wait3A_1003 = arith.constant 0 : i32
      %dma_wait3A_1004 = tpu.memref_slice %arg7[%dma_wait3A_1001, %dma_wait3A_1002, %dma_wait3A_1003] : memref<26x128x16xf32, #tpu.memory_space<vmem>> -> memref<1x128x16xf32, #tpu.memory_space<vmem>>
      %dma_wait3A_1005 = tpu.memref_squeeze %dma_wait3A_1004 : memref<1x128x16xf32, #tpu.memory_space<vmem>> -> memref<128x16xf32, #tpu.memory_space<vmem>>
      %dma_wait3A_1006 = arith.constant 32 : i32
      %dma_wait3A_1007 = tpu.memref_slice %arg5[%add3A_14, %dma_wait3A_1006] : memref<16384x429xf32, #tpu.memory_space<hbm>> -> memref<128x16xf32, #tpu.memory_space<hbm>>
      %dma_wait3A_1008 = arith.constant 32 : i32
      %dma_wait3A_1009 = tpu.memref_slice %arg5[%add3A_14, %dma_wait3A_1008] : memref<16384x429xf32, #tpu.memory_space<hbm>> -> memref<128x16xf32, #tpu.memory_space<hbm>>
      %dma_wait3A_1010 = arith.constant 0 : i32
      %dma_wait3A_1011 = arith.constant 0 : i32
      %dma_wait3A_1012 = tpu.memref_slice %arg7[%dma_wait3A_1001, %dma_wait3A_1010, %dma_wait3A_1011] : memref<26x128x16xf32, #tpu.memory_space<vmem>> -> memref<1x128x16xf32, #tpu.memory_space<vmem>>
      %dma_wait3A_1013 = tpu.memref_squeeze %dma_wait3A_1012 : memref<1x128x16xf32, #tpu.memory_space<vmem>> -> memref<128x16xf32, #tpu.memory_space<vmem>>
      tpu.wait_dma2 semaphore(%arg9 : memref<!tpu.dma_semaphore, #tpu.memory_space<semaphore_mem>>) src(%dma_wait3A_1013 : memref<128x16xf32, #tpu.memory_space<vmem>>) dst(%dma_wait3A_1009 : memref<128x16xf32, #tpu.memory_space<hbm>>)
      %dma_wait3A_1014 = arith.constant 3 : i32
      %dma_wait3A_1015 = arith.constant 0 : i32
      %dma_wait3A_1016 = arith.constant 0 : i32
      %dma_wait3A_1017 = tpu.memref_slice %arg7[%dma_wait3A_1014, %dma_wait3A_1015, %dma_wait3A_1016] : memref<26x128x16xf32, #tpu.memory_space<vmem>> -> memref<1x128x16xf32, #tpu.memory_space<vmem>>
      %dma_wait3A_1018 = tpu.memref_squeeze %dma_wait3A_1017 : memref<1x128x16xf32, #tpu.memory_space<vmem>> -> memref<128x16xf32, #tpu.memory_space<vmem>>
      %dma_wait3A_1019 = arith.constant 48 : i32
      %dma_wait3A_1020 = tpu.memref_slice %arg5[%add3A_14, %dma_wait3A_1019] : memref<16384x429xf32, #tpu.memory_space<hbm>> -> memref<128x16xf32, #tpu.memory_space<hbm>>
      %dma_wait3A_1021 = arith.constant 48 : i32
      %dma_wait3A_1022 = tpu.memref_slice %arg5[%add3A_14, %dma_wait3A_1021] : memref<16384x429xf32, #tpu.memory_space<hbm>> -> memref<128x16xf32, #tpu.memory_space<hbm>>
      %dma_wait3A_1023 = arith.constant 0 : i32
      %dma_wait3A_1024 = arith.constant 0 : i32
      %dma_wait3A_1025 = tpu.memref_slice %arg7[%dma_wait3A_1014, %dma_wait3A_1023, %dma_wait3A_1024] : memref<26x128x16xf32, #tpu.memory_space<vmem>> -> memref<1x128x16xf32, #tpu.memory_space<vmem>>
      %dma_wait3A_1026 = tpu.memref_squeeze %dma_wait3A_1025 : memref<1x128x16xf32, #tpu.memory_space<vmem>> -> memref<128x16xf32, #tpu.memory_space<vmem>>
      tpu.wait_dma2 semaphore(%arg9 : memref<!tpu.dma_semaphore, #tpu.memory_space<semaphore_mem>>) src(%dma_wait3A_1026 : memref<128x16xf32, #tpu.memory_space<vmem>>) dst(%dma_wait3A_1022 : memref<128x16xf32, #tpu.memory_space<hbm>>)
      %dma_wait3A_1027 = arith.constant 4 : i32
      %dma_wait3A_1028 = arith.constant 0 : i32
      %dma_wait3A_1029 = arith.constant 0 : i32
      %dma_wait3A_1030 = tpu.memref_slice %arg7[%dma_wait3A_1027, %dma_wait3A_1028, %dma_wait3A_1029] : memref<26x128x16xf32, #tpu.memory_space<vmem>> -> memref<1x128x16xf32, #tpu.memory_space<vmem>>
      %dma_wait3A_1031 = tpu.memref_squeeze %dma_wait3A_1030 : memref<1x128x16xf32, #tpu.memory_space<vmem>> -> memref<128x16xf32, #tpu.memory_space<vmem>>
      %dma_wait3A_1032 = arith.constant 64 : i32
      %dma_wait3A_1033 = tpu.memref_slice %arg5[%add3A_14, %dma_wait3A_1032] : memref<16384x429xf32, #tpu.memory_space<hbm>> -> memref<128x16xf32, #tpu.memory_space<hbm>>
      %dma_wait3A_1034 = arith.constant 64 : i32
      %dma_wait3A_1035 = tpu.memref_slice %arg5[%add3A_14, %dma_wait3A_1034] : memref<16384x429xf32, #tpu.memory_space<hbm>> -> memref<128x16xf32, #tpu.memory_space<hbm>>
      %dma_wait3A_1036 = arith.constant 0 : i32
      %dma_wait3A_1037 = arith.constant 0 : i32
      %dma_wait3A_1038 = tpu.memref_slice %arg7[%dma_wait3A_1027, %dma_wait3A_1036, %dma_wait3A_1037] : memref<26x128x16xf32, #tpu.memory_space<vmem>> -> memref<1x128x16xf32, #tpu.memory_space<vmem>>
      %dma_wait3A_1039 = tpu.memref_squeeze %dma_wait3A_1038 : memref<1x128x16xf32, #tpu.memory_space<vmem>> -> memref<128x16xf32, #tpu.memory_space<vmem>>
      tpu.wait_dma2 semaphore(%arg9 : memref<!tpu.dma_semaphore, #tpu.memory_space<semaphore_mem>>) src(%dma_wait3A_1039 : memref<128x16xf32, #tpu.memory_space<vmem>>) dst(%dma_wait3A_1035 : memref<128x16xf32, #tpu.memory_space<hbm>>)
      %dma_wait3A_1040 = arith.constant 5 : i32
      %dma_wait3A_1041 = arith.constant 0 : i32
      %dma_wait3A_1042 = arith.constant 0 : i32
      %dma_wait3A_1043 = tpu.memref_slice %arg7[%dma_wait3A_1040, %dma_wait3A_1041, %dma_wait3A_1042] : memref<26x128x16xf32, #tpu.memory_space<vmem>> -> memref<1x128x16xf32, #tpu.memory_space<vmem>>
      %dma_wait3A_1044 = tpu.memref_squeeze %dma_wait3A_1043 : memref<1x128x16xf32, #tpu.memory_space<vmem>> -> memref<128x16xf32, #tpu.memory_space<vmem>>
      %dma_wait3A_1045 = arith.constant 80 : i32
      %dma_wait3A_1046 = tpu.memref_slice %arg5[%add3A_14, %dma_wait3A_1045] : memref<16384x429xf32, #tpu.memory_space<hbm>> -> memref<128x16xf32, #tpu.memory_space<hbm>>
      %dma_wait3A_1047 = arith.constant 80 : i32
      %dma_wait3A_1048 = tpu.memref_slice %arg5[%add3A_14, %dma_wait3A_1047] : memref<16384x429xf32, #tpu.memory_space<hbm>> -> memref<128x16xf32, #tpu.memory_space<hbm>>
      %dma_wait3A_1049 = arith.constant 0 : i32
      %dma_wait3A_1050 = arith.constant 0 : i32
      %dma_wait3A_1051 = tpu.memref_slice %arg7[%dma_wait3A_1040, %dma_wait3A_1049, %dma_wait3A_1050] : memref<26x128x16xf32, #tpu.memory_space<vmem>> -> memref<1x128x16xf32, #tpu.memory_space<vmem>>
      %dma_wait3A_1052 = tpu.memref_squeeze %dma_wait3A_1051 : memref<1x128x16xf32, #tpu.memory_space<vmem>> -> memref<128x16xf32, #tpu.memory_space<vmem>>
      tpu.wait_dma2 semaphore(%arg9 : memref<!tpu.dma_semaphore, #tpu.memory_space<semaphore_mem>>) src(%dma_wait3A_1052 : memref<128x16xf32, #tpu.memory_space<vmem>>) dst(%dma_wait3A_1048 : memref<128x16xf32, #tpu.memory_space<hbm>>)
      %dma_wait3A_1053 = arith.constant 6 : i32
      %dma_wait3A_1054 = arith.constant 0 : i32
      %dma_wait3A_1055 = arith.constant 0 : i32
      %dma_wait3A_1056 = tpu.memref_slice %arg7[%dma_wait3A_1053, %dma_wait3A_1054, %dma_wait3A_1055] : memref<26x128x16xf32, #tpu.memory_space<vmem>> -> memref<1x128x16xf32, #tpu.memory_space<vmem>>
      %dma_wait3A_1057 = tpu.memref_squeeze %dma_wait3A_1056 : memref<1x128x16xf32, #tpu.memory_space<vmem>> -> memref<128x16xf32, #tpu.memory_space<vmem>>
      %dma_wait3A_1058 = arith.constant 96 : i32
      %dma_wait3A_1059 = tpu.memref_slice %arg5[%add3A_14, %dma_wait3A_1058] : memref<16384x429xf32, #tpu.memory_space<hbm>> -> memref<128x16xf32, #tpu.memory_space<hbm>>
      %dma_wait3A_1060 = arith.constant 96 : i32
      %dma_wait3A_1061 = tpu.memref_slice %arg5[%add3A_14, %dma_wait3A_1060] : memref<16384x429xf32, #tpu.memory_space<hbm>> -> memref<128x16xf32, #tpu.memory_space<hbm>>
      %dma_wait3A_1062 = arith.constant 0 : i32
      %dma_wait3A_1063 = arith.constant 0 : i32
      %dma_wait3A_1064 = tpu.memref_slice %arg7[%dma_wait3A_1053, %dma_wait3A_1062, %dma_wait3A_1063] : memref<26x128x16xf32, #tpu.memory_space<vmem>> -> memref<1x128x16xf32, #tpu.memory_space<vmem>>
      %dma_wait3A_1065 = tpu.memref_squeeze %dma_wait3A_1064 : memref<1x128x16xf32, #tpu.memory_space<vmem>> -> memref<128x16xf32, #tpu.memory_space<vmem>>
      tpu.wait_dma2 semaphore(%arg9 : memref<!tpu.dma_semaphore, #tpu.memory_space<semaphore_mem>>) src(%dma_wait3A_1065 : memref<128x16xf32, #tpu.memory_space<vmem>>) dst(%dma_wait3A_1061 : memref<128x16xf32, #tpu.memory_space<hbm>>)
      %dma_wait3A_1066 = arith.constant 7 : i32
      %dma_wait3A_1067 = arith.constant 0 : i32
      %dma_wait3A_1068 = arith.constant 0 : i32
      %dma_wait3A_1069 = tpu.memref_slice %arg7[%dma_wait3A_1066, %dma_wait3A_1067, %dma_wait3A_1068] : memref<26x128x16xf32, #tpu.memory_space<vmem>> -> memref<1x128x16xf32, #tpu.memory_space<vmem>>
      %dma_wait3A_1070 = tpu.memref_squeeze %dma_wait3A_1069 : memref<1x128x16xf32, #tpu.memory_space<vmem>> -> memref<128x16xf32, #tpu.memory_space<vmem>>
      %dma_wait3A_1071 = arith.constant 112 : i32
      %dma_wait3A_1072 = tpu.memref_slice %arg5[%add3A_14, %dma_wait3A_1071] : memref<16384x429xf32, #tpu.memory_space<hbm>> -> memref<128x16xf32, #tpu.memory_space<hbm>>
      %dma_wait3A_1073 = arith.constant 112 : i32
      %dma_wait3A_1074 = tpu.memref_slice %arg5[%add3A_14, %dma_wait3A_1073] : memref<16384x429xf32, #tpu.memory_space<hbm>> -> memref<128x16xf32, #tpu.memory_space<hbm>>
      %dma_wait3A_1075 = arith.constant 0 : i32
      %dma_wait3A_1076 = arith.constant 0 : i32
      %dma_wait3A_1077 = tpu.memref_slice %arg7[%dma_wait3A_1066, %dma_wait3A_1075, %dma_wait3A_1076] : memref<26x128x16xf32, #tpu.memory_space<vmem>> -> memref<1x128x16xf32, #tpu.memory_space<vmem>>
      %dma_wait3A_1078 = tpu.memref_squeeze %dma_wait3A_1077 : memref<1x128x16xf32, #tpu.memory_space<vmem>> -> memref<128x16xf32, #tpu.memory_space<vmem>>
      tpu.wait_dma2 semaphore(%arg9 : memref<!tpu.dma_semaphore, #tpu.memory_space<semaphore_mem>>) src(%dma_wait3A_1078 : memref<128x16xf32, #tpu.memory_space<vmem>>) dst(%dma_wait3A_1074 : memref<128x16xf32, #tpu.memory_space<hbm>>)
      %dma_wait3A_1079 = arith.constant 8 : i32
      %dma_wait3A_1080 = arith.constant 0 : i32
      %dma_wait3A_1081 = arith.constant 0 : i32
      %dma_wait3A_1082 = tpu.memref_slice %arg7[%dma_wait3A_1079, %dma_wait3A_1080, %dma_wait3A_1081] : memref<26x128x16xf32, #tpu.memory_space<vmem>> -> memref<1x128x16xf32, #tpu.memory_space<vmem>>
      %dma_wait3A_1083 = tpu.memref_squeeze %dma_wait3A_1082 : memref<1x128x16xf32, #tpu.memory_space<vmem>> -> memref<128x16xf32, #tpu.memory_space<vmem>>
      %dma_wait3A_1084 = arith.constant 128 : i32
      %dma_wait3A_1085 = tpu.memref_slice %arg5[%add3A_14, %dma_wait3A_1084] : memref<16384x429xf32, #tpu.memory_space<hbm>> -> memref<128x16xf32, #tpu.memory_space<hbm>>
      %dma_wait3A_1086 = arith.constant 128 : i32
      %dma_wait3A_1087 = tpu.memref_slice %arg5[%add3A_14, %dma_wait3A_1086] : memref<16384x429xf32, #tpu.memory_space<hbm>> -> memref<128x16xf32, #tpu.memory_space<hbm>>
      %dma_wait3A_1088 = arith.constant 0 : i32
      %dma_wait3A_1089 = arith.constant 0 : i32
      %dma_wait3A_1090 = tpu.memref_slice %arg7[%dma_wait3A_1079, %dma_wait3A_1088, %dma_wait3A_1089] : memref<26x128x16xf32, #tpu.memory_space<vmem>> -> memref<1x128x16xf32, #tpu.memory_space<vmem>>
      %dma_wait3A_1091 = tpu.memref_squeeze %dma_wait3A_1090 : memref<1x128x16xf32, #tpu.memory_space<vmem>> -> memref<128x16xf32, #tpu.memory_space<vmem>>
      tpu.wait_dma2 semaphore(%arg9 : memref<!tpu.dma_semaphore, #tpu.memory_space<semaphore_mem>>) src(%dma_wait3A_1091 : memref<128x16xf32, #tpu.memory_space<vmem>>) dst(%dma_wait3A_1087 : memref<128x16xf32, #tpu.memory_space<hbm>>)
      %dma_wait3A_1092 = arith.constant 9 : i32
      %dma_wait3A_1093 = arith.constant 0 : i32
      %dma_wait3A_1094 = arith.constant 0 : i32
      %dma_wait3A_1095 = tpu.memref_slice %arg7[%dma_wait3A_1092, %dma_wait3A_1093, %dma_wait3A_1094] : memref<26x128x16xf32, #tpu.memory_space<vmem>> -> memref<1x128x16xf32, #tpu.memory_space<vmem>>
      %dma_wait3A_1096 = tpu.memref_squeeze %dma_wait3A_1095 : memref<1x128x16xf32, #tpu.memory_space<vmem>> -> memref<128x16xf32, #tpu.memory_space<vmem>>
      %dma_wait3A_1097 = arith.constant 144 : i32
      %dma_wait3A_1098 = tpu.memref_slice %arg5[%add3A_14, %dma_wait3A_1097] : memref<16384x429xf32, #tpu.memory_space<hbm>> -> memref<128x16xf32, #tpu.memory_space<hbm>>
      %dma_wait3A_1099 = arith.constant 144 : i32
      %dma_wait3A_1100 = tpu.memref_slice %arg5[%add3A_14, %dma_wait3A_1099] : memref<16384x429xf32, #tpu.memory_space<hbm>> -> memref<128x16xf32, #tpu.memory_space<hbm>>
      %dma_wait3A_1101 = arith.constant 0 : i32
      %dma_wait3A_1102 = arith.constant 0 : i32
      %dma_wait3A_1103 = tpu.memref_slice %arg7[%dma_wait3A_1092, %dma_wait3A_1101, %dma_wait3A_1102] : memref<26x128x16xf32, #tpu.memory_space<vmem>> -> memref<1x128x16xf32, #tpu.memory_space<vmem>>
      %dma_wait3A_1104 = tpu.memref_squeeze %dma_wait3A_1103 : memref<1x128x16xf32, #tpu.memory_space<vmem>> -> memref<128x16xf32, #tpu.memory_space<vmem>>
      tpu.wait_dma2 semaphore(%arg9 : memref<!tpu.dma_semaphore, #tpu.memory_space<semaphore_mem>>) src(%dma_wait3A_1104 : memref<128x16xf32, #tpu.memory_space<vmem>>) dst(%dma_wait3A_1100 : memref<128x16xf32, #tpu.memory_space<hbm>>)
      %dma_wait3A_1105 = arith.constant 10 : i32
      %dma_wait3A_1106 = arith.constant 0 : i32
      %dma_wait3A_1107 = arith.constant 0 : i32
      %dma_wait3A_1108 = tpu.memref_slice %arg7[%dma_wait3A_1105, %dma_wait3A_1106, %dma_wait3A_1107] : memref<26x128x16xf32, #tpu.memory_space<vmem>> -> memref<1x128x16xf32, #tpu.memory_space<vmem>>
      %dma_wait3A_1109 = tpu.memref_squeeze %dma_wait3A_1108 : memref<1x128x16xf32, #tpu.memory_space<vmem>> -> memref<128x16xf32, #tpu.memory_space<vmem>>
      %dma_wait3A_1110 = arith.constant 160 : i32
      %dma_wait3A_1111 = tpu.memref_slice %arg5[%add3A_14, %dma_wait3A_1110] : memref<16384x429xf32, #tpu.memory_space<hbm>> -> memref<128x16xf32, #tpu.memory_space<hbm>>
      %dma_wait3A_1112 = arith.constant 160 : i32
      %dma_wait3A_1113 = tpu.memref_slice %arg5[%add3A_14, %dma_wait3A_1112] : memref<16384x429xf32, #tpu.memory_space<hbm>> -> memref<128x16xf32, #tpu.memory_space<hbm>>
      %dma_wait3A_1114 = arith.constant 0 : i32
      %dma_wait3A_1115 = arith.constant 0 : i32
      %dma_wait3A_1116 = tpu.memref_slice %arg7[%dma_wait3A_1105, %dma_wait3A_1114, %dma_wait3A_1115] : memref<26x128x16xf32, #tpu.memory_space<vmem>> -> memref<1x128x16xf32, #tpu.memory_space<vmem>>
      %dma_wait3A_1117 = tpu.memref_squeeze %dma_wait3A_1116 : memref<1x128x16xf32, #tpu.memory_space<vmem>> -> memref<128x16xf32, #tpu.memory_space<vmem>>
      tpu.wait_dma2 semaphore(%arg9 : memref<!tpu.dma_semaphore, #tpu.memory_space<semaphore_mem>>) src(%dma_wait3A_1117 : memref<128x16xf32, #tpu.memory_space<vmem>>) dst(%dma_wait3A_1113 : memref<128x16xf32, #tpu.memory_space<hbm>>)
      %dma_wait3A_1118 = arith.constant 11 : i32
      %dma_wait3A_1119 = arith.constant 0 : i32
      %dma_wait3A_1120 = arith.constant 0 : i32
      %dma_wait3A_1121 = tpu.memref_slice %arg7[%dma_wait3A_1118, %dma_wait3A_1119, %dma_wait3A_1120] : memref<26x128x16xf32, #tpu.memory_space<vmem>> -> memref<1x128x16xf32, #tpu.memory_space<vmem>>
      %dma_wait3A_1122 = tpu.memref_squeeze %dma_wait3A_1121 : memref<1x128x16xf32, #tpu.memory_space<vmem>> -> memref<128x16xf32, #tpu.memory_space<vmem>>
      %dma_wait3A_1123 = arith.constant 176 : i32
      %dma_wait3A_1124 = tpu.memref_slice %arg5[%add3A_14, %dma_wait3A_1123] : memref<16384x429xf32, #tpu.memory_space<hbm>> -> memref<128x16xf32, #tpu.memory_space<hbm>>
      %dma_wait3A_1125 = arith.constant 176 : i32
      %dma_wait3A_1126 = tpu.memref_slice %arg5[%add3A_14, %dma_wait3A_1125] : memref<16384x429xf32, #tpu.memory_space<hbm>> -> memref<128x16xf32, #tpu.memory_space<hbm>>
      %dma_wait3A_1127 = arith.constant 0 : i32
      %dma_wait3A_1128 = arith.constant 0 : i32
      %dma_wait3A_1129 = tpu.memref_slice %arg7[%dma_wait3A_1118, %dma_wait3A_1127, %dma_wait3A_1128] : memref<26x128x16xf32, #tpu.memory_space<vmem>> -> memref<1x128x16xf32, #tpu.memory_space<vmem>>
      %dma_wait3A_1130 = tpu.memref_squeeze %dma_wait3A_1129 : memref<1x128x16xf32, #tpu.memory_space<vmem>> -> memref<128x16xf32, #tpu.memory_space<vmem>>
      tpu.wait_dma2 semaphore(%arg9 : memref<!tpu.dma_semaphore, #tpu.memory_space<semaphore_mem>>) src(%dma_wait3A_1130 : memref<128x16xf32, #tpu.memory_space<vmem>>) dst(%dma_wait3A_1126 : memref<128x16xf32, #tpu.memory_space<hbm>>)
      %dma_wait3A_1131 = arith.constant 12 : i32
      %dma_wait3A_1132 = arith.constant 0 : i32
      %dma_wait3A_1133 = arith.constant 0 : i32
      %dma_wait3A_1134 = tpu.memref_slice %arg7[%dma_wait3A_1131, %dma_wait3A_1132, %dma_wait3A_1133] : memref<26x128x16xf32, #tpu.memory_space<vmem>> -> memref<1x128x16xf32, #tpu.memory_space<vmem>>
      %dma_wait3A_1135 = tpu.memref_squeeze %dma_wait3A_1134 : memref<1x128x16xf32, #tpu.memory_space<vmem>> -> memref<128x16xf32, #tpu.memory_space<vmem>>
      %dma_wait3A_1136 = arith.constant 192 : i32
      %dma_wait3A_1137 = tpu.memref_slice %arg5[%add3A_14, %dma_wait3A_1136] : memref<16384x429xf32, #tpu.memory_space<hbm>> -> memref<128x16xf32, #tpu.memory_space<hbm>>
      %dma_wait3A_1138 = arith.constant 192 : i32
      %dma_wait3A_1139 = tpu.memref_slice %arg5[%add3A_14, %dma_wait3A_1138] : memref<16384x429xf32, #tpu.memory_space<hbm>> -> memref<128x16xf32, #tpu.memory_space<hbm>>
      %dma_wait3A_1140 = arith.constant 0 : i32
      %dma_wait3A_1141 = arith.constant 0 : i32
      %dma_wait3A_1142 = tpu.memref_slice %arg7[%dma_wait3A_1131, %dma_wait3A_1140, %dma_wait3A_1141] : memref<26x128x16xf32, #tpu.memory_space<vmem>> -> memref<1x128x16xf32, #tpu.memory_space<vmem>>
      %dma_wait3A_1143 = tpu.memref_squeeze %dma_wait3A_1142 : memref<1x128x16xf32, #tpu.memory_space<vmem>> -> memref<128x16xf32, #tpu.memory_space<vmem>>
      tpu.wait_dma2 semaphore(%arg9 : memref<!tpu.dma_semaphore, #tpu.memory_space<semaphore_mem>>) src(%dma_wait3A_1143 : memref<128x16xf32, #tpu.memory_space<vmem>>) dst(%dma_wait3A_1139 : memref<128x16xf32, #tpu.memory_space<hbm>>)
      %dma_wait3A_1144 = arith.constant 13 : i32
      %dma_wait3A_1145 = arith.constant 0 : i32
      %dma_wait3A_1146 = arith.constant 0 : i32
      %dma_wait3A_1147 = tpu.memref_slice %arg7[%dma_wait3A_1144, %dma_wait3A_1145, %dma_wait3A_1146] : memref<26x128x16xf32, #tpu.memory_space<vmem>> -> memref<1x128x16xf32, #tpu.memory_space<vmem>>
      %dma_wait3A_1148 = tpu.memref_squeeze %dma_wait3A_1147 : memref<1x128x16xf32, #tpu.memory_space<vmem>> -> memref<128x16xf32, #tpu.memory_space<vmem>>
      %dma_wait3A_1149 = arith.constant 208 : i32
      %dma_wait3A_1150 = tpu.memref_slice %arg5[%add3A_14, %dma_wait3A_1149] : memref<16384x429xf32, #tpu.memory_space<hbm>> -> memref<128x16xf32, #tpu.memory_space<hbm>>
      %dma_wait3A_1151 = arith.constant 208 : i32
      %dma_wait3A_1152 = tpu.memref_slice %arg5[%add3A_14, %dma_wait3A_1151] : memref<16384x429xf32, #tpu.memory_space<hbm>> -> memref<128x16xf32, #tpu.memory_space<hbm>>
      %dma_wait3A_1153 = arith.constant 0 : i32
      %dma_wait3A_1154 = arith.constant 0 : i32
      %dma_wait3A_1155 = tpu.memref_slice %arg7[%dma_wait3A_1144, %dma_wait3A_1153, %dma_wait3A_1154] : memref<26x128x16xf32, #tpu.memory_space<vmem>> -> memref<1x128x16xf32, #tpu.memory_space<vmem>>
      %dma_wait3A_1156 = tpu.memref_squeeze %dma_wait3A_1155 : memref<1x128x16xf32, #tpu.memory_space<vmem>> -> memref<128x16xf32, #tpu.memory_space<vmem>>
      tpu.wait_dma2 semaphore(%arg9 : memref<!tpu.dma_semaphore, #tpu.memory_space<semaphore_mem>>) src(%dma_wait3A_1156 : memref<128x16xf32, #tpu.memory_space<vmem>>) dst(%dma_wait3A_1152 : memref<128x16xf32, #tpu.memory_space<hbm>>)
      %dma_wait3A_1157 = arith.constant 14 : i32
      %dma_wait3A_1158 = arith.constant 0 : i32
      %dma_wait3A_1159 = arith.constant 0 : i32
      %dma_wait3A_1160 = tpu.memref_slice %arg7[%dma_wait3A_1157, %dma_wait3A_1158, %dma_wait3A_1159] : memref<26x128x16xf32, #tpu.memory_space<vmem>> -> memref<1x128x16xf32, #tpu.memory_space<vmem>>
      %dma_wait3A_1161 = tpu.memref_squeeze %dma_wait3A_1160 : memref<1x128x16xf32, #tpu.memory_space<vmem>> -> memref<128x16xf32, #tpu.memory_space<vmem>>
      %dma_wait3A_1162 = arith.constant 224 : i32
      %dma_wait3A_1163 = tpu.memref_slice %arg5[%add3A_14, %dma_wait3A_1162] : memref<16384x429xf32, #tpu.memory_space<hbm>> -> memref<128x16xf32, #tpu.memory_space<hbm>>
      %dma_wait3A_1164 = arith.constant 224 : i32
      %dma_wait3A_1165 = tpu.memref_slice %arg5[%add3A_14, %dma_wait3A_1164] : memref<16384x429xf32, #tpu.memory_space<hbm>> -> memref<128x16xf32, #tpu.memory_space<hbm>>
      %dma_wait3A_1166 = arith.constant 0 : i32
      %dma_wait3A_1167 = arith.constant 0 : i32
      %dma_wait3A_1168 = tpu.memref_slice %arg7[%dma_wait3A_1157, %dma_wait3A_1166, %dma_wait3A_1167] : memref<26x128x16xf32, #tpu.memory_space<vmem>> -> memref<1x128x16xf32, #tpu.memory_space<vmem>>
      %dma_wait3A_1169 = tpu.memref_squeeze %dma_wait3A_1168 : memref<1x128x16xf32, #tpu.memory_space<vmem>> -> memref<128x16xf32, #tpu.memory_space<vmem>>
      tpu.wait_dma2 semaphore(%arg9 : memref<!tpu.dma_semaphore, #tpu.memory_space<semaphore_mem>>) src(%dma_wait3A_1169 : memref<128x16xf32, #tpu.memory_space<vmem>>) dst(%dma_wait3A_1165 : memref<128x16xf32, #tpu.memory_space<hbm>>)
      %dma_wait3A_1170 = arith.constant 15 : i32
      %dma_wait3A_1171 = arith.constant 0 : i32
      %dma_wait3A_1172 = arith.constant 0 : i32
      %dma_wait3A_1173 = tpu.memref_slice %arg7[%dma_wait3A_1170, %dma_wait3A_1171, %dma_wait3A_1172] : memref<26x128x16xf32, #tpu.memory_space<vmem>> -> memref<1x128x16xf32, #tpu.memory_space<vmem>>
      %dma_wait3A_1174 = tpu.memref_squeeze %dma_wait3A_1173 : memref<1x128x16xf32, #tpu.memory_space<vmem>> -> memref<128x16xf32, #tpu.memory_space<vmem>>
      %dma_wait3A_1175 = arith.constant 240 : i32
      %dma_wait3A_1176 = tpu.memref_slice %arg5[%add3A_14, %dma_wait3A_1175] : memref<16384x429xf32, #tpu.memory_space<hbm>> -> memref<128x16xf32, #tpu.memory_space<hbm>>
      %dma_wait3A_1177 = arith.constant 240 : i32
      %dma_wait3A_1178 = tpu.memref_slice %arg5[%add3A_14, %dma_wait3A_1177] : memref<16384x429xf32, #tpu.memory_space<hbm>> -> memref<128x16xf32, #tpu.memory_space<hbm>>
      %dma_wait3A_1179 = arith.constant 0 : i32
      %dma_wait3A_1180 = arith.constant 0 : i32
      %dma_wait3A_1181 = tpu.memref_slice %arg7[%dma_wait3A_1170, %dma_wait3A_1179, %dma_wait3A_1180] : memref<26x128x16xf32, #tpu.memory_space<vmem>> -> memref<1x128x16xf32, #tpu.memory_space<vmem>>
      %dma_wait3A_1182 = tpu.memref_squeeze %dma_wait3A_1181 : memref<1x128x16xf32, #tpu.memory_space<vmem>> -> memref<128x16xf32, #tpu.memory_space<vmem>>
      tpu.wait_dma2 semaphore(%arg9 : memref<!tpu.dma_semaphore, #tpu.memory_space<semaphore_mem>>) src(%dma_wait3A_1182 : memref<128x16xf32, #tpu.memory_space<vmem>>) dst(%dma_wait3A_1178 : memref<128x16xf32, #tpu.memory_space<hbm>>)
      %dma_wait3A_1183 = arith.constant 16 : i32
      %dma_wait3A_1184 = arith.constant 0 : i32
      %dma_wait3A_1185 = arith.constant 0 : i32
      %dma_wait3A_1186 = tpu.memref_slice %arg7[%dma_wait3A_1183, %dma_wait3A_1184, %dma_wait3A_1185] : memref<26x128x16xf32, #tpu.memory_space<vmem>> -> memref<1x128x16xf32, #tpu.memory_space<vmem>>
      %dma_wait3A_1187 = tpu.memref_squeeze %dma_wait3A_1186 : memref<1x128x16xf32, #tpu.memory_space<vmem>> -> memref<128x16xf32, #tpu.memory_space<vmem>>
      %dma_wait3A_1188 = arith.constant 256 : i32
      %dma_wait3A_1189 = tpu.memref_slice %arg5[%add3A_14, %dma_wait3A_1188] : memref<16384x429xf32, #tpu.memory_space<hbm>> -> memref<128x16xf32, #tpu.memory_space<hbm>>
      %dma_wait3A_1190 = arith.constant 256 : i32
      %dma_wait3A_1191 = tpu.memref_slice %arg5[%add3A_14, %dma_wait3A_1190] : memref<16384x429xf32, #tpu.memory_space<hbm>> -> memref<128x16xf32, #tpu.memory_space<hbm>>
      %dma_wait3A_1192 = arith.constant 0 : i32
      %dma_wait3A_1193 = arith.constant 0 : i32
      %dma_wait3A_1194 = tpu.memref_slice %arg7[%dma_wait3A_1183, %dma_wait3A_1192, %dma_wait3A_1193] : memref<26x128x16xf32, #tpu.memory_space<vmem>> -> memref<1x128x16xf32, #tpu.memory_space<vmem>>
      %dma_wait3A_1195 = tpu.memref_squeeze %dma_wait3A_1194 : memref<1x128x16xf32, #tpu.memory_space<vmem>> -> memref<128x16xf32, #tpu.memory_space<vmem>>
      tpu.wait_dma2 semaphore(%arg9 : memref<!tpu.dma_semaphore, #tpu.memory_space<semaphore_mem>>) src(%dma_wait3A_1195 : memref<128x16xf32, #tpu.memory_space<vmem>>) dst(%dma_wait3A_1191 : memref<128x16xf32, #tpu.memory_space<hbm>>)
      %dma_wait3A_1196 = arith.constant 17 : i32
      %dma_wait3A_1197 = arith.constant 0 : i32
      %dma_wait3A_1198 = arith.constant 0 : i32
      %dma_wait3A_1199 = tpu.memref_slice %arg7[%dma_wait3A_1196, %dma_wait3A_1197, %dma_wait3A_1198] : memref<26x128x16xf32, #tpu.memory_space<vmem>> -> memref<1x128x16xf32, #tpu.memory_space<vmem>>
      %dma_wait3A_1200 = tpu.memref_squeeze %dma_wait3A_1199 : memref<1x128x16xf32, #tpu.memory_space<vmem>> -> memref<128x16xf32, #tpu.memory_space<vmem>>
      %dma_wait3A_1201 = arith.constant 272 : i32
      %dma_wait3A_1202 = tpu.memref_slice %arg5[%add3A_14, %dma_wait3A_1201] : memref<16384x429xf32, #tpu.memory_space<hbm>> -> memref<128x16xf32, #tpu.memory_space<hbm>>
      %dma_wait3A_1203 = arith.constant 272 : i32
      %dma_wait3A_1204 = tpu.memref_slice %arg5[%add3A_14, %dma_wait3A_1203] : memref<16384x429xf32, #tpu.memory_space<hbm>> -> memref<128x16xf32, #tpu.memory_space<hbm>>
      %dma_wait3A_1205 = arith.constant 0 : i32
      %dma_wait3A_1206 = arith.constant 0 : i32
      %dma_wait3A_1207 = tpu.memref_slice %arg7[%dma_wait3A_1196, %dma_wait3A_1205, %dma_wait3A_1206] : memref<26x128x16xf32, #tpu.memory_space<vmem>> -> memref<1x128x16xf32, #tpu.memory_space<vmem>>
      %dma_wait3A_1208 = tpu.memref_squeeze %dma_wait3A_1207 : memref<1x128x16xf32, #tpu.memory_space<vmem>> -> memref<128x16xf32, #tpu.memory_space<vmem>>
      tpu.wait_dma2 semaphore(%arg9 : memref<!tpu.dma_semaphore, #tpu.memory_space<semaphore_mem>>) src(%dma_wait3A_1208 : memref<128x16xf32, #tpu.memory_space<vmem>>) dst(%dma_wait3A_1204 : memref<128x16xf32, #tpu.memory_space<hbm>>)
      %dma_wait3A_1209 = arith.constant 18 : i32
      %dma_wait3A_1210 = arith.constant 0 : i32
      %dma_wait3A_1211 = arith.constant 0 : i32
      %dma_wait3A_1212 = tpu.memref_slice %arg7[%dma_wait3A_1209, %dma_wait3A_1210, %dma_wait3A_1211] : memref<26x128x16xf32, #tpu.memory_space<vmem>> -> memref<1x128x16xf32, #tpu.memory_space<vmem>>
      %dma_wait3A_1213 = tpu.memref_squeeze %dma_wait3A_1212 : memref<1x128x16xf32, #tpu.memory_space<vmem>> -> memref<128x16xf32, #tpu.memory_space<vmem>>
      %dma_wait3A_1214 = arith.constant 288 : i32
      %dma_wait3A_1215 = tpu.memref_slice %arg5[%add3A_14, %dma_wait3A_1214] : memref<16384x429xf32, #tpu.memory_space<hbm>> -> memref<128x16xf32, #tpu.memory_space<hbm>>
      %dma_wait3A_1216 = arith.constant 288 : i32
      %dma_wait3A_1217 = tpu.memref_slice %arg5[%add3A_14, %dma_wait3A_1216] : memref<16384x429xf32, #tpu.memory_space<hbm>> -> memref<128x16xf32, #tpu.memory_space<hbm>>
      %dma_wait3A_1218 = arith.constant 0 : i32
      %dma_wait3A_1219 = arith.constant 0 : i32
      %dma_wait3A_1220 = tpu.memref_slice %arg7[%dma_wait3A_1209, %dma_wait3A_1218, %dma_wait3A_1219] : memref<26x128x16xf32, #tpu.memory_space<vmem>> -> memref<1x128x16xf32, #tpu.memory_space<vmem>>
      %dma_wait3A_1221 = tpu.memref_squeeze %dma_wait3A_1220 : memref<1x128x16xf32, #tpu.memory_space<vmem>> -> memref<128x16xf32, #tpu.memory_space<vmem>>
      tpu.wait_dma2 semaphore(%arg9 : memref<!tpu.dma_semaphore, #tpu.memory_space<semaphore_mem>>) src(%dma_wait3A_1221 : memref<128x16xf32, #tpu.memory_space<vmem>>) dst(%dma_wait3A_1217 : memref<128x16xf32, #tpu.memory_space<hbm>>)
      %dma_wait3A_1222 = arith.constant 19 : i32
      %dma_wait3A_1223 = arith.constant 0 : i32
      %dma_wait3A_1224 = arith.constant 0 : i32
      %dma_wait3A_1225 = tpu.memref_slice %arg7[%dma_wait3A_1222, %dma_wait3A_1223, %dma_wait3A_1224] : memref<26x128x16xf32, #tpu.memory_space<vmem>> -> memref<1x128x16xf32, #tpu.memory_space<vmem>>
      %dma_wait3A_1226 = tpu.memref_squeeze %dma_wait3A_1225 : memref<1x128x16xf32, #tpu.memory_space<vmem>> -> memref<128x16xf32, #tpu.memory_space<vmem>>
      %dma_wait3A_1227 = arith.constant 304 : i32
      %dma_wait3A_1228 = tpu.memref_slice %arg5[%add3A_14, %dma_wait3A_1227] : memref<16384x429xf32, #tpu.memory_space<hbm>> -> memref<128x16xf32, #tpu.memory_space<hbm>>
      %dma_wait3A_1229 = arith.constant 304 : i32
      %dma_wait3A_1230 = tpu.memref_slice %arg5[%add3A_14, %dma_wait3A_1229] : memref<16384x429xf32, #tpu.memory_space<hbm>> -> memref<128x16xf32, #tpu.memory_space<hbm>>
      %dma_wait3A_1231 = arith.constant 0 : i32
      %dma_wait3A_1232 = arith.constant 0 : i32
      %dma_wait3A_1233 = tpu.memref_slice %arg7[%dma_wait3A_1222, %dma_wait3A_1231, %dma_wait3A_1232] : memref<26x128x16xf32, #tpu.memory_space<vmem>> -> memref<1x128x16xf32, #tpu.memory_space<vmem>>
      %dma_wait3A_1234 = tpu.memref_squeeze %dma_wait3A_1233 : memref<1x128x16xf32, #tpu.memory_space<vmem>> -> memref<128x16xf32, #tpu.memory_space<vmem>>
      tpu.wait_dma2 semaphore(%arg9 : memref<!tpu.dma_semaphore, #tpu.memory_space<semaphore_mem>>) src(%dma_wait3A_1234 : memref<128x16xf32, #tpu.memory_space<vmem>>) dst(%dma_wait3A_1230 : memref<128x16xf32, #tpu.memory_space<hbm>>)
      %dma_wait3A_1235 = arith.constant 20 : i32
      %dma_wait3A_1236 = arith.constant 0 : i32
      %dma_wait3A_1237 = arith.constant 0 : i32
      %dma_wait3A_1238 = tpu.memref_slice %arg7[%dma_wait3A_1235, %dma_wait3A_1236, %dma_wait3A_1237] : memref<26x128x16xf32, #tpu.memory_space<vmem>> -> memref<1x128x16xf32, #tpu.memory_space<vmem>>
      %dma_wait3A_1239 = tpu.memref_squeeze %dma_wait3A_1238 : memref<1x128x16xf32, #tpu.memory_space<vmem>> -> memref<128x16xf32, #tpu.memory_space<vmem>>
      %dma_wait3A_1240 = arith.constant 320 : i32
      %dma_wait3A_1241 = tpu.memref_slice %arg5[%add3A_14, %dma_wait3A_1240] : memref<16384x429xf32, #tpu.memory_space<hbm>> -> memref<128x16xf32, #tpu.memory_space<hbm>>
      %dma_wait3A_1242 = arith.constant 320 : i32
      %dma_wait3A_1243 = tpu.memref_slice %arg5[%add3A_14, %dma_wait3A_1242] : memref<16384x429xf32, #tpu.memory_space<hbm>> -> memref<128x16xf32, #tpu.memory_space<hbm>>
      %dma_wait3A_1244 = arith.constant 0 : i32
      %dma_wait3A_1245 = arith.constant 0 : i32
      %dma_wait3A_1246 = tpu.memref_slice %arg7[%dma_wait3A_1235, %dma_wait3A_1244, %dma_wait3A_1245] : memref<26x128x16xf32, #tpu.memory_space<vmem>> -> memref<1x128x16xf32, #tpu.memory_space<vmem>>
      %dma_wait3A_1247 = tpu.memref_squeeze %dma_wait3A_1246 : memref<1x128x16xf32, #tpu.memory_space<vmem>> -> memref<128x16xf32, #tpu.memory_space<vmem>>
      tpu.wait_dma2 semaphore(%arg9 : memref<!tpu.dma_semaphore, #tpu.memory_space<semaphore_mem>>) src(%dma_wait3A_1247 : memref<128x16xf32, #tpu.memory_space<vmem>>) dst(%dma_wait3A_1243 : memref<128x16xf32, #tpu.memory_space<hbm>>)
      %dma_wait3A_1248 = arith.constant 21 : i32
      %dma_wait3A_1249 = arith.constant 0 : i32
      %dma_wait3A_1250 = arith.constant 0 : i32
      %dma_wait3A_1251 = tpu.memref_slice %arg7[%dma_wait3A_1248, %dma_wait3A_1249, %dma_wait3A_1250] : memref<26x128x16xf32, #tpu.memory_space<vmem>> -> memref<1x128x16xf32, #tpu.memory_space<vmem>>
      %dma_wait3A_1252 = tpu.memref_squeeze %dma_wait3A_1251 : memref<1x128x16xf32, #tpu.memory_space<vmem>> -> memref<128x16xf32, #tpu.memory_space<vmem>>
      %dma_wait3A_1253 = arith.constant 336 : i32
      %dma_wait3A_1254 = tpu.memref_slice %arg5[%add3A_14, %dma_wait3A_1253] : memref<16384x429xf32, #tpu.memory_space<hbm>> -> memref<128x16xf32, #tpu.memory_space<hbm>>
      %dma_wait3A_1255 = arith.constant 336 : i32
      %dma_wait3A_1256 = tpu.memref_slice %arg5[%add3A_14, %dma_wait3A_1255] : memref<16384x429xf32, #tpu.memory_space<hbm>> -> memref<128x16xf32, #tpu.memory_space<hbm>>
      %dma_wait3A_1257 = arith.constant 0 : i32
      %dma_wait3A_1258 = arith.constant 0 : i32
      %dma_wait3A_1259 = tpu.memref_slice %arg7[%dma_wait3A_1248, %dma_wait3A_1257, %dma_wait3A_1258] : memref<26x128x16xf32, #tpu.memory_space<vmem>> -> memref<1x128x16xf32, #tpu.memory_space<vmem>>
      %dma_wait3A_1260 = tpu.memref_squeeze %dma_wait3A_1259 : memref<1x128x16xf32, #tpu.memory_space<vmem>> -> memref<128x16xf32, #tpu.memory_space<vmem>>
      tpu.wait_dma2 semaphore(%arg9 : memref<!tpu.dma_semaphore, #tpu.memory_space<semaphore_mem>>) src(%dma_wait3A_1260 : memref<128x16xf32, #tpu.memory_space<vmem>>) dst(%dma_wait3A_1256 : memref<128x16xf32, #tpu.memory_space<hbm>>)
      %dma_wait3A_1261 = arith.constant 22 : i32
      %dma_wait3A_1262 = arith.constant 0 : i32
      %dma_wait3A_1263 = arith.constant 0 : i32
      %dma_wait3A_1264 = tpu.memref_slice %arg7[%dma_wait3A_1261, %dma_wait3A_1262, %dma_wait3A_1263] : memref<26x128x16xf32, #tpu.memory_space<vmem>> -> memref<1x128x16xf32, #tpu.memory_space<vmem>>
      %dma_wait3A_1265 = tpu.memref_squeeze %dma_wait3A_1264 : memref<1x128x16xf32, #tpu.memory_space<vmem>> -> memref<128x16xf32, #tpu.memory_space<vmem>>
      %dma_wait3A_1266 = arith.constant 352 : i32
      %dma_wait3A_1267 = tpu.memref_slice %arg5[%add3A_14, %dma_wait3A_1266] : memref<16384x429xf32, #tpu.memory_space<hbm>> -> memref<128x16xf32, #tpu.memory_space<hbm>>
      %dma_wait3A_1268 = arith.constant 352 : i32
      %dma_wait3A_1269 = tpu.memref_slice %arg5[%add3A_14, %dma_wait3A_1268] : memref<16384x429xf32, #tpu.memory_space<hbm>> -> memref<128x16xf32, #tpu.memory_space<hbm>>
      %dma_wait3A_1270 = arith.constant 0 : i32
      %dma_wait3A_1271 = arith.constant 0 : i32
      %dma_wait3A_1272 = tpu.memref_slice %arg7[%dma_wait3A_1261, %dma_wait3A_1270, %dma_wait3A_1271] : memref<26x128x16xf32, #tpu.memory_space<vmem>> -> memref<1x128x16xf32, #tpu.memory_space<vmem>>
      %dma_wait3A_1273 = tpu.memref_squeeze %dma_wait3A_1272 : memref<1x128x16xf32, #tpu.memory_space<vmem>> -> memref<128x16xf32, #tpu.memory_space<vmem>>
      tpu.wait_dma2 semaphore(%arg9 : memref<!tpu.dma_semaphore, #tpu.memory_space<semaphore_mem>>) src(%dma_wait3A_1273 : memref<128x16xf32, #tpu.memory_space<vmem>>) dst(%dma_wait3A_1269 : memref<128x16xf32, #tpu.memory_space<hbm>>)
      %dma_wait3A_1274 = arith.constant 23 : i32
      %dma_wait3A_1275 = arith.constant 0 : i32
      %dma_wait3A_1276 = arith.constant 0 : i32
      %dma_wait3A_1277 = tpu.memref_slice %arg7[%dma_wait3A_1274, %dma_wait3A_1275, %dma_wait3A_1276] : memref<26x128x16xf32, #tpu.memory_space<vmem>> -> memref<1x128x16xf32, #tpu.memory_space<vmem>>
      %dma_wait3A_1278 = tpu.memref_squeeze %dma_wait3A_1277 : memref<1x128x16xf32, #tpu.memory_space<vmem>> -> memref<128x16xf32, #tpu.memory_space<vmem>>
      %dma_wait3A_1279 = arith.constant 368 : i32
      %dma_wait3A_1280 = tpu.memref_slice %arg5[%add3A_14, %dma_wait3A_1279] : memref<16384x429xf32, #tpu.memory_space<hbm>> -> memref<128x16xf32, #tpu.memory_space<hbm>>
      %dma_wait3A_1281 = arith.constant 368 : i32
      %dma_wait3A_1282 = tpu.memref_slice %arg5[%add3A_14, %dma_wait3A_1281] : memref<16384x429xf32, #tpu.memory_space<hbm>> -> memref<128x16xf32, #tpu.memory_space<hbm>>
      %dma_wait3A_1283 = arith.constant 0 : i32
      %dma_wait3A_1284 = arith.constant 0 : i32
      %dma_wait3A_1285 = tpu.memref_slice %arg7[%dma_wait3A_1274, %dma_wait3A_1283, %dma_wait3A_1284] : memref<26x128x16xf32, #tpu.memory_space<vmem>> -> memref<1x128x16xf32, #tpu.memory_space<vmem>>
      %dma_wait3A_1286 = tpu.memref_squeeze %dma_wait3A_1285 : memref<1x128x16xf32, #tpu.memory_space<vmem>> -> memref<128x16xf32, #tpu.memory_space<vmem>>
      tpu.wait_dma2 semaphore(%arg9 : memref<!tpu.dma_semaphore, #tpu.memory_space<semaphore_mem>>) src(%dma_wait3A_1286 : memref<128x16xf32, #tpu.memory_space<vmem>>) dst(%dma_wait3A_1282 : memref<128x16xf32, #tpu.memory_space<hbm>>)
      %dma_wait3A_1287 = arith.constant 24 : i32
      %dma_wait3A_1288 = arith.constant 0 : i32
      %dma_wait3A_1289 = arith.constant 0 : i32
      %dma_wait3A_1290 = tpu.memref_slice %arg7[%dma_wait3A_1287, %dma_wait3A_1288, %dma_wait3A_1289] : memref<26x128x16xf32, #tpu.memory_space<vmem>> -> memref<1x128x16xf32, #tpu.memory_space<vmem>>
      %dma_wait3A_1291 = tpu.memref_squeeze %dma_wait3A_1290 : memref<1x128x16xf32, #tpu.memory_space<vmem>> -> memref<128x16xf32, #tpu.memory_space<vmem>>
      %dma_wait3A_1292 = arith.constant 384 : i32
      %dma_wait3A_1293 = tpu.memref_slice %arg5[%add3A_14, %dma_wait3A_1292] : memref<16384x429xf32, #tpu.memory_space<hbm>> -> memref<128x16xf32, #tpu.memory_space<hbm>>
      %dma_wait3A_1294 = arith.constant 384 : i32
      %dma_wait3A_1295 = tpu.memref_slice %arg5[%add3A_14, %dma_wait3A_1294] : memref<16384x429xf32, #tpu.memory_space<hbm>> -> memref<128x16xf32, #tpu.memory_space<hbm>>
      %dma_wait3A_1296 = arith.constant 0 : i32
      %dma_wait3A_1297 = arith.constant 0 : i32
      %dma_wait3A_1298 = tpu.memref_slice %arg7[%dma_wait3A_1287, %dma_wait3A_1296, %dma_wait3A_1297] : memref<26x128x16xf32, #tpu.memory_space<vmem>> -> memref<1x128x16xf32, #tpu.memory_space<vmem>>
      %dma_wait3A_1299 = tpu.memref_squeeze %dma_wait3A_1298 : memref<1x128x16xf32, #tpu.memory_space<vmem>> -> memref<128x16xf32, #tpu.memory_space<vmem>>
      tpu.wait_dma2 semaphore(%arg9 : memref<!tpu.dma_semaphore, #tpu.memory_space<semaphore_mem>>) src(%dma_wait3A_1299 : memref<128x16xf32, #tpu.memory_space<vmem>>) dst(%dma_wait3A_1295 : memref<128x16xf32, #tpu.memory_space<hbm>>)
      %dma_wait3A_1300 = arith.constant 25 : i32
      %dma_wait3A_1301 = arith.constant 0 : i32
      %dma_wait3A_1302 = arith.constant 0 : i32
      %dma_wait3A_1303 = tpu.memref_slice %arg7[%dma_wait3A_1300, %dma_wait3A_1301, %dma_wait3A_1302] : memref<26x128x16xf32, #tpu.memory_space<vmem>> -> memref<1x128x16xf32, #tpu.memory_space<vmem>>
      %dma_wait3A_1304 = tpu.memref_squeeze %dma_wait3A_1303 : memref<1x128x16xf32, #tpu.memory_space<vmem>> -> memref<128x16xf32, #tpu.memory_space<vmem>>
      %dma_wait3A_1305 = arith.constant 400 : i32
      %dma_wait3A_1306 = tpu.memref_slice %arg5[%add3A_14, %dma_wait3A_1305] : memref<16384x429xf32, #tpu.memory_space<hbm>> -> memref<128x16xf32, #tpu.memory_space<hbm>>
      %dma_wait3A_1307 = arith.constant 400 : i32
      %dma_wait3A_1308 = tpu.memref_slice %arg5[%add3A_14, %dma_wait3A_1307] : memref<16384x429xf32, #tpu.memory_space<hbm>> -> memref<128x16xf32, #tpu.memory_space<hbm>>
      %dma_wait3A_1309 = arith.constant 0 : i32
      %dma_wait3A_1310 = arith.constant 0 : i32
      %dma_wait3A_1311 = tpu.memref_slice %arg7[%dma_wait3A_1300, %dma_wait3A_1309, %dma_wait3A_1310] : memref<26x128x16xf32, #tpu.memory_space<vmem>> -> memref<1x128x16xf32, #tpu.memory_space<vmem>>
      %dma_wait3A_1312 = tpu.memref_squeeze %dma_wait3A_1311 : memref<1x128x16xf32, #tpu.memory_space<vmem>> -> memref<128x16xf32, #tpu.memory_space<vmem>>
      tpu.wait_dma2 semaphore(%arg9 : memref<!tpu.dma_semaphore, #tpu.memory_space<semaphore_mem>>) src(%dma_wait3A_1312 : memref<128x16xf32, #tpu.memory_space<vmem>>) dst(%dma_wait3A_1308 : memref<128x16xf32, #tpu.memory_space<hbm>>)
    }
    %scan3A_4 = arith.constant 4 : i32
    return
  }
}

</mosaic_0001>

<sc_bundles>
// kernel: kernel.3.cloned.1.call-start
scs
__scs_entry_jumppad:
0x0: {  	(pc) =	sbr.rel $0x88, $3  }
0x1: {  	(tag) =	ssettag $0x0;
	lr =	simm.s32 $0x1  }
0x2: {  	[smem:$0x3F9F] =	sst lr;
	_ =	strace $0xD0000000  }
0x3: {  	_ = 	snop  }
0x4: {  	_ = 	snop  }
0x5: {  	_ = 	snop  }
0x6: {  	_ = 	snop  }
0x7: {  	_ = 	snop  }
__scs_overlays_trampoline_lowered:
0x8: {  	[smem:$0x3FAE] =	sst s0  }
0x9: {  	[smem:$0x3FAF] =	sst s1  }
0xa: {  	[smem:$0x3FB0] =	sst s2  }
0xb: {  	[smem:$0x3FB1] =	sst s3  }
0xc: {  	[smem:$0x3FB2] =	sst s4  }
0xd: {  	[smem:$0x3FB3] =	sst s5  }
0xe: {  	[smem:$0x3FB4] =	sst s6  }
0xf: {  	[smem:$0x3FB5] =	sst s7  }
0x10: {  	[smem:$0x3FB6] =	sst s8  }
0x11: {  	[smem:$0x3FB7] =	sst s9;
	s0 =	simm.s32 @!p0 $0x0  }
0x12: {  	s1 =	sld [smem:$0x3F9D];
	s0 =	simm.s32 @p0 $0x1  }
0x13: {  	[smem:$0x3FB8] =	sst s0;
	s0 =	simm.s32 @!p1 $0x0  }
0x14: {  	s2 =	sld [smem:$0x3F9C];
	s0 =	simm.s32 @p1 $0x1  }
0x15: {  	[smem:$0x3FB9] =	sst s0;
	s0 =	simm.s32 @!p2 $0x0  }
0x16: {  	s3 =	sld [smem:$0x3FDB];
	s0 =	simm.s32 @p2 $0x1  }
0x17: {  	s4 =	simm.s32 $0x1BF5;
	[smem:$0x3FBB] =	sst s0  }
0x18: {  	s0 =	sld [smem:$0x3F9E];
	_ =	swait.ge [sflag:s4], $0x0  }
0x19: {  	s7 =	sld [smem:$0x3F9F]  }
0x1a: {  	s8 =	sadd.s32 $0xFFFFE003, lr  }
0x1b: {  	s9 =	sadd.s32 $0xFFFFFEF7, lr;
	s5 =	simm.s32 $0xFFFFFFFF;
	p2 =	slt.u32 s8, $0xFFFFF086  }
0x1c: {  	p1 =	slt.u32 s9, $0xF7A;
	s5 =	simm.s32 @!p2 $0x0  }
0x1d: {  	s5 =	simm.s32 @p1 $0x1;
	p0 =	seq.s32 s7, s2  }
0x1e: {  	s7 =	smul.u32 @!p0 $0xF7A, s2;
	p2 =	seq.s32 @!p0 s5, $0x0  }
0x1f: {  	s9 =	smul.u32 $0xF7A, s1;
	s8 =	simm.s32 @!p0 $0x1BF5;
	p2 =	por !p2, p0  }
0x20: {  	[sflag:s8] =	ssyncset.s32 @!p0 $0xFFFFF086;
	s6 =	sadd.s32 @!p0 s3, s7;
	s7 =	simm.s32 @!p0 $0x108  }
0x21: {  	s3 =	sadd.s32 s3, s9;
	s6 =	sadd.s32 @!p0 $0x88, s6;
	s7 =	simm.s32 @p2 $0x1082  }
0x22: {  	[simem:s7], [sflag:s8] =	dma.local @!p0 [hbm:s6], $0xF7A  }
0x23: {  	s9 =	sor.u32 $0xD0000000, s2;
	s6 =	simm.s32 $0x108;
	_ =	swait.ge @!p0 [sflag:s8], $0x0  }
0x24: {  	s3 =	sadd.s32 $0x88, s3;
	s6 =	simm.s32 @!p1 $0x1082;
	[sflag:s4] =	ssyncset.s32 $0xFFFFF086  }
0x25: {  	[simem:s6], [sflag:s4] =	dma.local [hbm:s3], $0xF7A  }
0x26: {  	[smem:$0x3F9F] =	sst s1;
	(tag) =	ssettag s2;
	_ =	strace s9  }
0x27: {  	s1 =	sld [smem:$0x3FAF]  }
0x28: {  	s2 =	sld [smem:$0x3FB0]  }
0x29: {  	s4 =	sld [smem:$0x3FB2]  }
0x2a: {  	p0 =	seq.s32 s5, $0x0;
	s5 =	sld [smem:$0x3FB3]  }
0x2b: {  	s6 =	sld [smem:$0x3FB4]  }
0x2c: {  	s7 =	sld [smem:$0x3FB5]  }
0x2d: {  	s3 =	simm.s32 $0x108;
	s8 =	sld [smem:$0x3FB6]  }
0x2e: {  	s3 =	simm.s32 @!p0 $0x1082;
	s9 =	sld [smem:$0x3FB7]  }
0x2f: {  	lr =	sadd.s32 s0, s3;
	s0 =	sld [smem:$0x3FAE]  }
0x30: {  	s3 =	sld [smem:$0x3FB1]  }
0x31: {  	[smem:$0x3FBA] =	sst s10  }
0x32: {  	s10 =	sld [smem:$0x3FB8];
	_ =	sdelay $0x3  }
0x33: {  	p0 =	seq.s32 s10, $0x1;
	s10 =	sld [smem:$0x3FBA];
	_ =	sdelay $0x3  }
0x34: {  	[smem:$0x3FBA] =	sst s10  }
0x35: {  	s10 =	sld [smem:$0x3FB9];
	_ =	sdelay $0x3  }
0x36: {  	p1 =	seq.s32 s10, $0x1;
	s10 =	sld [smem:$0x3FBA];
	_ =	sdelay $0x3  }
0x37: {  	[smem:$0x3FBA] =	sst s10  }
0x38: {  	s10 =	sld [smem:$0x3FBB]  }
0x39: {  	_ = 	snop;
	(pc) =	sbr.ind lr, $3  }
0x3a: {  	_ = 	snop  }
0x3b: {  	_ = 	snop  }
0x3c: {  	p2 =	seq.s32 s10, $0x1;
	s10 =	sld [smem:$0x3FBA]  }
0x3d: {  	_ =	shalt  }
0x3e: {  	_ =	shalt  }
0x3f: {  	_ =	shalt  }
0x40: {  	_ =	shalt  }
0x41: {  	_ =	shalt  }
0x42: {  	_ =	shalt  }
0x43: {  	_ =	shalt  }
0x44: {  	_ =	shalt  }
0x45: {  	_ =	shalt  }
0x46: {  	_ =	shalt  }
0x47: {  	_ =	shalt  }
0x48: {  	_ =	shalt  }
0x49: {  	_ =	shalt  }
0x4a: {  	_ =	shalt  }
0x4b: {  	_ =	shalt  }
0x4c: {  	_ =	shalt  }
0x4d: {  	_ =	shalt  }
0x4e: {  	_ =	shalt  }
0x4f: {  	_ =	shalt  }
0x50: {  	_ =	shalt  }
0x51: {  	_ =	shalt  }
0x52: {  	_ =	shalt  }
0x53: {  	_ =	shalt  }
0x54: {  	_ =	shalt  }
0x55: {  	_ =	shalt  }
0x56: {  	_ =	shalt  }
0x57: {  	_ =	shalt  }
0x58: {  	_ =	shalt  }
0x59: {  	_ =	shalt  }
0x5a: {  	_ =	shalt  }
0x5b: {  	_ =	shalt  }
0x5c: {  	_ =	shalt  }
0x5d: {  	_ =	shalt  }
0x5e: {  	_ =	shalt  }
0x5f: {  	_ =	shalt  }
0x60: {  	_ =	shalt  }
0x61: {  	_ =	shalt  }
0x62: {  	_ =	shalt  }
0x63: {  	_ =	shalt  }
0x64: {  	_ =	shalt  }
0x65: {  	_ =	shalt  }
0x66: {  	_ =	shalt  }
0x67: {  	_ =	shalt  }
0x68: {  	_ =	shalt  }
0x69: {  	_ =	shalt  }
0x6a: {  	_ =	shalt  }
0x6b: {  	_ =	shalt  }
0x6c: {  	_ =	shalt  }
0x6d: {  	_ =	shalt  }
0x6e: {  	_ =	shalt  }
0x6f: {  	_ =	shalt  }
0x70: {  	_ =	shalt  }
0x71: {  	_ =	shalt  }
0x72: {  	_ =	shalt  }
0x73: {  	_ =	shalt  }
0x74: {  	_ =	shalt  }
0x75: {  	_ =	shalt  }
0x76: {  	_ =	shalt  }
0x77: {  	_ =	shalt  }
0x78: {  	_ =	shalt  }
0x79: {  	_ =	shalt  }
0x7a: {  	_ =	shalt  }
0x7b: {  	_ =	shalt  }
0x7c: {  	_ =	shalt  }
0x7d: {  	_ =	shalt  }
0x7e: {  	_ =	shalt  }
0x7f: {  	_ =	shalt  }
0x80: {  	_ =	shalt  }
0x81: {  	_ =	shalt  }
0x82: {  	_ =	shalt  }
0x83: {  	_ =	shalt  }
0x84: {  	_ =	shalt  }
0x85: {  	_ =	shalt  }
0x86: {  	_ =	shalt  }
0x87: {  	_ =	shalt  }
.Lfunc_end0:
.L_simem_size_0:
called_computation_lowered:
.L_overlay_start_0:
0x88: {  	s2 =	sld [smem:$0x3FD9]  }
0x89: {  	s3 =	sld [smem:$0x3FFE];
	_ =	sdelay $0x1  }
0x8a: {  	s1 =	srdreg.scid  }
0x8b: {  	s0 =	sand.u32 $0x1, s1  }
0x8c: {  	s17 =	sshll.u32 s0, $0xA;
	s2 =	sadd.s32 s3, s2  }
0x8d: {  	s2 =	sadd.s32 s2, s17  }
0x8e: {  	[smem:$0x3FC6] =	sst s2  }
0x8f: {  	_ = 	snop  }
0x90: {  	s2 =	sld [smem:$0x3FD0];
	(tm) =	ssettm $0x1  }
0x91: {  	s18 =	sld [smem:$0x3FFB];
	_ =	sdelay $0x3  }
0x92: {  	_ =	strace s18  }
0x93: {  	s3 =	sld [smem:$0x3FFC];
	_ =	sdelay $0x3  }
0x94: {  	_ =	strace s3  }
0x95: {  	s3 =	sld [smem:$0x3FFD];
	_ =	sdelay $0x3  }
0x96: {  	_ =	strace s3  }
0x97: {  	_ =	strace $0x8FFFFFFF  }
0x98: {  	s19 =	sld [smem:$0x3FDB];
	_ =	sdelay $0x1  }
0x99: {  	s4 =	simm.s32 $_scs_section_size  }
0x9a: {  	s5 =	simm.s32 $_size__tile_overlayer_lowered;
	s6 =	simm.s32 $_tile_overlayer_lowered  }
0x9b: {  	s22 =	simm.s32 $0x1BFF;
	s21 =	sshll.u32 s6, $0x1;
	s3 =	sadd.s32 s4, s19  }
0x9c: {  	s7 =	simm.s32 $0x0;
	s20 =	sshll.u32 s5, $0x1;
	s5 =	sadd.s32 s21, s3  }
0x9d: {  	[timem:s7], [sflag:s22] =	dma.local [hbm:s5], s20  }
0x9e: {  	_ =	swait.ge [sflag:s22], s20  }
0x9f: {  	s4 =	ssub.s32 $0x0, s20;
	[sflag:s22] =	ssyncset.done $0x0  }
0xa0: {  	[sflag:s22] =	ssyncadd.s32 s4;
	_ =	sdelay $0x1  }
0xa1: {  	s23 =	simm.s32 $0x1B8B  }
0xa2: {  	_ =	swait.ge [sflag:s23], $0x1  }
0xa3: {  	[sflag:s23] =	ssyncset.done $0x0  }
0xa4: {  	s25 =	simm.s32 $0x1B8E;
	s24 =	sld [smem:$0x3FFE];
	[sflag:s23] =	ssyncadd.s32 $0xFFFFFFFF  }
0xa5: {  	s26 =	simm.s32 $execute0_lowered;
	[smem:$0x3FD2] =	sst s25  }
0xa6: {  	s5 =	sshll.u32 s26, $0x1;
	_ =	strace $0x80000046;
	[dreg:$0x1] =	wrdreg $0xFFFFFFFF  }
0xa7: {  	s28 =	simm.s32 $_size_execute0_lowered;
	s3 =	sadd.s32 s3, s5;
	[dreg:$0x0] =	wrdreg $0x0  }
0xa8: {  	s5 =	sshll.u32 s28, $0x1;
	[dreg:$0x2] =	wrdreg s3  }
0xa9: {  	[dreg:$0x3] =	wrdreg s5  }
0xaa: {  	[dreg:$0x4] =	wrdreg $0xC0  }
0xab: {  	_ =	task [dreg:s7], $0x5FFFF  }
0xac: {  	[dreg:$0x1] =	wrdreg $0xFFFFFFFF  }
0xad: {  	[dreg:$0x0] =	wrdreg $0x60  }
0xae: {  	[dreg:$0x2] =	wrdreg s24  }
0xaf: {  	[dreg:$0x3] =	wrdreg s2  }
0xb0: {  	[dreg:$0x4] =	wrdreg $0x9  }
0xb1: {  	_ =	task.clear_ibuf [dreg:s7], $0x5FFFF;
	_ =	strace $0x90000046  }
0xb2: {  	s29 =	simm.s32 $0x9;
	_ =	strace $0x80000048  }
0xb3: {  	_ =	swait.ge [sflag:s29], $0x1  }
0xb4: {  	[sflag:s29] =	ssyncadd.s32 $0xFFFFFFFF  }
0xb5: {  	_ =	strace $0x90000048  }
0xb6: {  	_ =	sfence  }
0xb7: {  	s30 =	sld [smem:$0x0];
	_ =	sdelay $0x2  }
0xb8: {  	s31 =	sshll.u32 s1, $0xD;
	s1 =	sshrl.u32 s1, $0x2  }
0xb9: {  	s3 =	sand.u32 $0x4000, s31;
	s1 =	sadd.s32 s1, s30  }
0xba: {  	s0 =	sor.u32 s3, s0;
	s1 =	sshll.u32 s1, $0x11  }
0xbb: {  	s0 =	sor.u32 s1, s0  }
0xbc: {  	s0 =	sadd.s32 $0x8F2B, s0  }
0xbd: {  	[sflag:s0] =	ssyncadd.remote.s32 $0x1  }
0xbe: {  	_ =	sfence.sel $0xFFFF  }
0xbf: {  	[dreg:$0x0] =	wrdreg $0xFFFFFFFF;
	(pc) =	sbr.abs _section_cstart, $3  }
0xc0: {  	[dreg:$0x1] =	wrdreg $0xFFFFFFFF  }
0xc1: {  	_ =	task.clear_ibuf [dreg:s7], $0x2FFFF;
	_ =	strace $0x9FFFFFFF  }
0xc2: {  	(tm) =	ssettm $0x7FFFFFFF  }
0xc3: {  	_ =	shalt  }
tec
execute0_lowered:
.L_overlay_start_1:
0x0: {  	(tag) =	ssettag $0x1  }
0x1: {  	s0 =	rddreg [dreg:$0x0]  }
0x2: {  	s1 =	rddreg [dreg:$0x1];
	s2 =	simm.s32 $0x0;
	s8 =	stileid.u32  }
0x3: {  	s28 =	simm.s32 $0x4000;
	s30 =	simm.s32 $0x100;
	[smem:$0x7FF] =	sst s2  }
0x4: {  	s25 =	sshll.u32 s8, $0xA;
	_ =	strace $0x80000047;
	[dreg:$0x4] =	wrdreg s28  }
0x5: {  	s6 =	smul.u32 $0xD800, s8;
	s2 =	simm.s32 $0x180;
	[dreg:$0x5] =	wrdreg s30  }
0x6: {  	s26 =	sshll.u32 s8, $0xB;
	s8 =	simm.s32 $0x200;
	[dreg:$0x6] =	wrdreg s2  }
0x7: {  	s9 =	simm.s32 $0x280;
	[dreg:$0x7] =	wrdreg s8  }
0x8: {  	s10 =	simm.s32 $0x300;
	[dreg:$0x8] =	wrdreg s9  }
0x9: {  	s11 =	simm.s32 $0x380;
	[dreg:$0x9] =	wrdreg s10  }
0xa: {  	s12 =	simm.s32 $0x400;
	[dreg:$0xa] =	wrdreg s11  }
0xb: {  	s14 =	simm.s32 $0x480;
	[dreg:$0xb] =	wrdreg s12  }
0xc: {  	s15 =	simm.s32 $0x500;
	[dreg:$0xc] =	wrdreg s14  }
0xd: {  	s16 =	simm.s32 $0x580;
	[dreg:$0xd] =	wrdreg s15  }
0xe: {  	s17 =	simm.s32 $0x600;
	[dreg:$0xe] =	wrdreg s16  }
0xf: {  	s18 =	simm.s32 $0x680;
	[dreg:$0xf] =	wrdreg s17  }
0x10: {  	s19 =	simm.s32 $0x700;
	[dreg:$0x10] =	wrdreg s18  }
0x11: {  	s3 =	srdreg.scid;
	s20 =	simm.s32 $0x780;
	[dreg:$0x11] =	wrdreg s19  }
0x12: {  	s21 =	simm.s32 $0x800;
	s22 =	simm.s32 $0x880;
	[dreg:$0x12] =	wrdreg s20  }
0x13: {  	s23 =	simm.s32 $0x900;
	s24 =	simm.s32 $0x980;
	[dreg:$0x13] =	wrdreg s21  }
0x14: {  	s4 =	sand.u32 $0x1, s3;
	s3 =	sadd.s32 $0x27ACC00, s0;
	[dreg:$0x14] =	wrdreg s22  }
0x15: {  	s5 =	sshll.u32 s4, $0x9;
	s7 =	smul.u32 $0x6C00, s4;
	[dreg:$0x15] =	wrdreg s23  }
0x16: {  	s29 =	ssub.s32 $0x2, s4;
	s4 =	sshll.u32 s4, $0xA;
	[dreg:$0x16] =	wrdreg s24  }
0x17: {  	s28 =	simm.s32 $0xB00;
	s30 =	simm.s32 $0xC00;
	s9 =	simm.s32 $0x10  }
0x18: {  	s10 =	simm.s32 $0x1B0;
	s5 =	sor.u32 s5, s25;
	[dreg:$0x19] =	wrdreg s28  }
0x19: {  	s1 =	sadd.s32 s6, s1;
	s25 =	simm.s32 $0xA00;
	[dreg:$0x1b] =	wrdreg s30  }
0x1a: {  	s31 =	sshrl.u32 s29, $0x1;
	s1 =	sadd.s32 s7, s1;
	[dreg:$0x17] =	wrdreg s25  }
0x1b: {  	s6 =	ssub.s32 s29, s31;
	s29 =	simm.s32 $0xB80;
	[dreg:$0x3] =	wrdreg s1  }
0x1c: {  	s5 =	sshrl.u32 s5, $0x3;
	s31 =	simm.s32 $0xC80;
	[dreg:$0x1a] =	wrdreg s29  }
0x1d: {  	s5 =	sadd.s32 s5, s0;
	s6 =	smax.u32 s6, $0x1;
	[dreg:$0x1c] =	wrdreg s31  }
0x1e: {  	s0 =	sadd.s32 s26, s0;
	s26 =	simm.s32 $0xA80;
	[dreg:$0x1d] =	wrdreg s6  }
0x1f: {  	s0 =	sadd.s32 s4, s0;
	s13 =	sadd.s32 $0x8800, s5;
	[dreg:$0x18] =	wrdreg s26  }
0x20: {  	s11 =	simm.s32 $0x1;
	s0 =	sadd.s32 $0x800, s0;
	[dreg:$0x1f] =	wrdreg s13  }
0x21: {  	s7 =	simm.s32 $0x80;
	[dreg:$0x1e] =	wrdreg s0;
	s0 =	simm.s32 $0x0  }
.LBB2_1:
0x22: {  	[smem:$0x7FD] =	sst s0  }
0x23: {  	s12 =	rddreg [dreg:$0x4]  }
0x24: {  	s17 =	rddreg [dreg:$0x1f];
	s8 =	simm.s32 $0x0;
	s29 =	simm.s32 $0x2  }
0x25: {  	[tilespmem:s8], [sflag:$0x2] =	stream.strided.gather [hbm4b:s17+s7], $0xD00, s12, s7, $0x38;
	[tilespmem:$0xE500] =	vst v63  }
0x26: {  	_ =	swait.ge [sflag:s29], $0xD00  }
0x27: {  	[sflag:s29] =	ssyncset.done $0x0  }
0x28: {  	s14 =	simm.s32 $0xD00;
	[sflag:s29] =	ssyncadd.s32 $0xFFFFF300  }
0x29: {  	[tilespmem:s14], [sflag:$0x1] =	stream.indirect.gather [hbm4b:s3+s7], $0x10, s8, s7, $0xb8;
	[tilespmem:$0xE500] =	vst v63  }
0x2a: {  	s16 =	simm.s32 $0x1500  }
0x2b: {  	[tilespmem:s16], [sflag:$0x1] =	stream.indirect.gather [hbm4b:s3+s7], $0x10, s7, s7, $0xb8;
	[tilespmem:$0xE500] =	vst v63  }
0x2c: {  	s18 =	simm.s32 $0x1D00;
	s23 =	rddreg [dreg:$0x5]  }
0x2d: {  	[tilespmem:s18], [sflag:$0x1] =	stream.indirect.gather [hbm4b:s3+s7], $0x10, s23, s7, $0xb8;
	[tilespmem:$0xE500] =	vst v63  }
0x2e: {  	s19 =	simm.s32 $0x2500;
	s13 =	rddreg [dreg:$0x6]  }
0x2f: {  	[tilespmem:s19], [sflag:$0x1] =	stream.indirect.gather [hbm4b:s3+s7], $0x10, s13, s7, $0xb8;
	[tilespmem:$0xE500] =	vst v63  }
0x30: {  	s20 =	simm.s32 $0x2D00;
	s24 =	rddreg [dreg:$0x7]  }
0x31: {  	[tilespmem:s20], [sflag:$0x1] =	stream.indirect.gather [hbm4b:s3+s7], $0x10, s24, s7, $0xb8;
	[tilespmem:$0xE500] =	vst v63  }
0x32: {  	s21 =	simm.s32 $0x3500;
	s25 =	rddreg [dreg:$0x8]  }
0x33: {  	[tilespmem:s21], [sflag:$0x1] =	stream.indirect.gather [hbm4b:s3+s7], $0x10, s25, s7, $0xb8;
	[tilespmem:$0xE500] =	vst v63  }
0x34: {  	s22 =	simm.s32 $0x3D00;
	s26 =	rddreg [dreg:$0x9]  }
0x35: {  	[tilespmem:s22], [sflag:$0x1] =	stream.indirect.gather [hbm4b:s3+s7], $0x10, s26, s7, $0xb8;
	[tilespmem:$0xE500] =	vst v63  }
0x36: {  	s28 =	rddreg [dreg:$0xa];
	s23 =	simm.s32 $0x4500  }
0x37: {  	[tilespmem:s23], [sflag:$0x1] =	stream.indirect.gather [hbm4b:s3+s7], $0x10, s28, s7, $0xb8;
	[tilespmem:$0xE500] =	vst v63  }
0x38: {  	s30 =	rddreg [dreg:$0xb];
	s24 =	simm.s32 $0x4D00  }
0x39: {  	[tilespmem:s24], [sflag:$0x1] =	stream.indirect.gather [hbm4b:s3+s7], $0x10, s30, s7, $0xb8;
	[tilespmem:$0xE500] =	vst v63  }
0x3a: {  	s31 =	rddreg [dreg:$0xc];
	s25 =	simm.s32 $0x5500  }
0x3b: {  	[tilespmem:s25], [sflag:$0x1] =	stream.indirect.gather [hbm4b:s3+s7], $0x10, s31, s7, $0xb8;
	[tilespmem:$0xE500] =	vst v63  }
0x3c: {  	s0 =	rddreg [dreg:$0xd];
	s26 =	simm.s32 $0x5D00  }
0x3d: {  	[tilespmem:s26], [sflag:$0x1] =	stream.indirect.gather [hbm4b:s3+s7], $0x10, s0, s7, $0xb8;
	[tilespmem:$0xE500] =	vst v63  }
0x3e: {  	s1 =	rddreg [dreg:$0xe];
	s28 =	simm.s32 $0x6500  }
0x3f: {  	[tilespmem:s28], [sflag:$0x1] =	stream.indirect.gather [hbm4b:s3+s7], $0x10, s1, s7, $0xb8;
	[tilespmem:$0xE500] =	vst v63  }
0x40: {  	s5 =	simm.s32 $0x6D00;
	s2 =	rddreg [dreg:$0xf]  }
0x41: {  	[tilespmem:s5], [sflag:$0x1] =	stream.indirect.gather [hbm4b:s3+s7], $0x10, s2, s7, $0xb8;
	[tilespmem:$0xE500] =	vst v63  }
0x42: {  	s4 =	rddreg [dreg:$0x10];
	s1 =	simm.s32 $0x7500  }
0x43: {  	[tilespmem:s1], [sflag:$0x1] =	stream.indirect.gather [hbm4b:s3+s7], $0x10, s4, s7, $0xb8;
	[tilespmem:$0xE500] =	vst v63  }
0x44: {  	s6 =	rddreg [dreg:$0x11];
	s4 =	simm.s32 $0x7D00  }
0x45: {  	[tilespmem:s4], [sflag:$0x1] =	stream.indirect.gather [hbm4b:s3+s7], $0x10, s6, s7, $0xb8;
	[tilespmem:$0xE500] =	vst v63  }
0x46: {  	s15 =	rddreg [dreg:$0x12];
	s5 =	simm.s32 $0x8500  }
0x47: {  	[tilespmem:s5], [sflag:$0x1] =	stream.indirect.gather [hbm4b:s3+s7], $0x10, s15, s7, $0xb8;
	[tilespmem:$0xE500] =	vst v63  }
0x48: {  	s30 =	rddreg [dreg:$0x13];
	s6 =	simm.s32 $0x8D00  }
0x49: {  	[tilespmem:s6], [sflag:$0x1] =	stream.indirect.gather [hbm4b:s3+s7], $0x10, s30, s7, $0xb8;
	[tilespmem:$0xE500] =	vst v63  }
0x4a: {  	s31 =	rddreg [dreg:$0x14];
	s2 =	simm.s32 $0x9500  }
0x4b: {  	[tilespmem:s2], [sflag:$0x1] =	stream.indirect.gather [hbm4b:s3+s7], $0x10, s31, s7, $0xb8;
	[tilespmem:$0xE500] =	vst v63  }
0x4c: {  	s0 =	rddreg [dreg:$0x15];
	s30 =	simm.s32 $0x9D00  }
0x4d: {  	[tilespmem:s30], [sflag:$0x1] =	stream.indirect.gather [hbm4b:s3+s7], $0x10, s0, s7, $0xb8;
	[tilespmem:$0xE500] =	vst v63  }
0x4e: {  	s15 =	rddreg [dreg:$0x16];
	s31 =	simm.s32 $0xA500  }
0x4f: {  	[tilespmem:s31], [sflag:$0x1] =	stream.indirect.gather [hbm4b:s3+s7], $0x10, s15, s7, $0xb8;
	[tilespmem:$0xE500] =	vst v63  }
0x50: {  	s0 =	rddreg [dreg:$0x17];
	s15 =	simm.s32 $0xAD00  }
0x51: {  	[tilespmem:s15], [sflag:$0x1] =	stream.indirect.gather [hbm4b:s3+s7], $0x10, s0, s7, $0xb8;
	[tilespmem:$0xE500] =	vst v63  }
0x52: {  	s13 =	rddreg [dreg:$0x18];
	s15 =	simm.s32 $0xB500  }
0x53: {  	[tilespmem:s15], [sflag:$0x1] =	stream.indirect.gather [hbm4b:s3+s7], $0x10, s13, s7, $0xb8;
	[tilespmem:$0xE500] =	vst v63  }
0x54: {  	s12 =	rddreg [dreg:$0x19];
	s15 =	simm.s32 $0xBD00  }
0x55: {  	[tilespmem:s15], [sflag:$0x1] =	stream.indirect.gather [hbm4b:s3+s7], $0x10, s12, s7, $0xb8;
	[tilespmem:$0xE500] =	vst v63  }
0x56: {  	s13 =	rddreg [dreg:$0x1a];
	s15 =	simm.s32 $0xC500  }
0x57: {  	[tilespmem:s15], [sflag:$0x1] =	stream.indirect.gather [hbm4b:s3+s7], $0x10, s13, s7, $0xb8;
	[tilespmem:$0xE500] =	vst v63  }
0x58: {  	s12 =	rddreg [dreg:$0x1b];
	s15 =	simm.s32 $0xCD00  }
0x59: {  	[tilespmem:s15], [sflag:$0x1] =	stream.indirect.gather [hbm4b:s3+s7], $0x10, s12, s7, $0xb8;
	[tilespmem:$0xE500] =	vst v63  }
0x5a: {  	s13 =	rddreg [dreg:$0x1c];
	s12 =	simm.s32 $0xD500  }
0x5b: {  	[tilespmem:s12], [sflag:$0x1] =	stream.indirect.gather [hbm4b:s3+s7], $0x10, s13, s7, $0xb8;
	[tilespmem:$0xE500] =	vst v63  }
0x5c: {  	s0 =	simm.s32 $0xDD00;
	s15 =	rddreg [dreg:$0x1e]  }
0x5d: {  	[tilespmem:s0], [sflag:$0x2] =	stream.linear.gather [hbm4b:s15+s8], $0x800, $0x38;
	[tilespmem:$0xE500] =	vst v63  }
0x5e: {  	_ =	swait.ge [sflag:s29], $0x800  }
0x5f: {  	s13 =	rddreg [dreg:$0x3]  }
0x60: {  	[sflag:s29] =	ssyncset.done $0x0;
	s12 =	sadd.s32 $0x0, s13  }
0x61: {  	[sflag:s29] =	ssyncadd.s32 $0xFFFFF800;
	s8 =	sadd.s32 $0x34, s12  }
0x62: {  	[hbm4b:s8+s9] =	stream.strided.scatter [tilespmem:s0], [sflag:$0x2], $0x800, s10, s9, $0x38;
	[tilespmem:$0xE500] =	vst v63  }
0x63: {  	_ =	swait.ge [sflag:s29], $0x800  }
0x64: {  	[sflag:s29] =	ssyncset.done $0x0  }
0x65: {  	[sflag:s29] =	ssyncadd.s32 $0xFFFFF800  }
0x66: {  	_ =	swait.ge [sflag:s11], $0x800  }
0x67: {  	[sflag:s11] =	ssyncset.done $0x0  }
0x68: {  	[sflag:s11] =	ssyncadd.s32 $0xFFFFF800  }
0x69: {  	_ =	swait.ge [sflag:s11], $0x800  }
0x6a: {  	[sflag:s11] =	ssyncset.done $0x0  }
0x6b: {  	[sflag:s11] =	ssyncadd.s32 $0xFFFFF800  }
0x6c: {  	_ =	swait.ge [sflag:s11], $0x800  }
0x6d: {  	[sflag:s11] =	ssyncset.done $0x0  }
0x6e: {  	[sflag:s11] =	ssyncadd.s32 $0xFFFFF800  }
0x6f: {  	_ =	swait.ge [sflag:s11], $0x800  }
0x70: {  	[sflag:s11] =	ssyncset.done $0x0  }
0x71: {  	[sflag:s11] =	ssyncadd.s32 $0xFFFFF800  }
0x72: {  	_ =	swait.ge [sflag:s11], $0x800  }
0x73: {  	[sflag:s11] =	ssyncset.done $0x0  }
0x74: {  	[sflag:s11] =	ssyncadd.s32 $0xFFFFF800  }
0x75: {  	_ =	swait.ge [sflag:s11], $0x800  }
0x76: {  	[sflag:s11] =	ssyncset.done $0x0  }
0x77: {  	[sflag:s11] =	ssyncadd.s32 $0xFFFFF800  }
0x78: {  	_ =	swait.ge [sflag:s11], $0x800  }
0x79: {  	[sflag:s11] =	ssyncset.done $0x0  }
0x7a: {  	[sflag:s11] =	ssyncadd.s32 $0xFFFFF800  }
0x7b: {  	_ =	swait.ge [sflag:s11], $0x800  }
0x7c: {  	[sflag:s11] =	ssyncset.done $0x0  }
0x7d: {  	[sflag:s11] =	ssyncadd.s32 $0xFFFFF800  }
0x7e: {  	_ =	swait.ge [sflag:s11], $0x800  }
0x7f: {  	[sflag:s11] =	ssyncset.done $0x0  }
0x80: {  	[sflag:s11] =	ssyncadd.s32 $0xFFFFF800  }
0x81: {  	_ =	swait.ge [sflag:s11], $0x800  }
0x82: {  	[sflag:s11] =	ssyncset.done $0x0  }
0x83: {  	[sflag:s11] =	ssyncadd.s32 $0xFFFFF800  }
0x84: {  	_ =	swait.ge [sflag:s11], $0x800  }
0x85: {  	[sflag:s11] =	ssyncset.done $0x0  }
0x86: {  	[sflag:s11] =	ssyncadd.s32 $0xFFFFF800  }
0x87: {  	_ =	swait.ge [sflag:s11], $0x800  }
0x88: {  	[sflag:s11] =	ssyncset.done $0x0  }
0x89: {  	[sflag:s11] =	ssyncadd.s32 $0xFFFFF800  }
0x8a: {  	_ =	swait.ge [sflag:s11], $0x800  }
0x8b: {  	[sflag:s11] =	ssyncset.done $0x0  }
0x8c: {  	[sflag:s11] =	ssyncadd.s32 $0xFFFFF800  }
0x8d: {  	_ =	swait.ge [sflag:s11], $0x800  }
0x8e: {  	[sflag:s11] =	ssyncset.done $0x0  }
0x8f: {  	[sflag:s11] =	ssyncadd.s32 $0xFFFFF800  }
0x90: {  	_ =	swait.ge [sflag:s11], $0x800  }
0x91: {  	[sflag:s11] =	ssyncset.done $0x0  }
0x92: {  	[sflag:s11] =	ssyncadd.s32 $0xFFFFF800  }
0x93: {  	_ =	swait.ge [sflag:s11], $0x800  }
0x94: {  	[sflag:s11] =	ssyncset.done $0x0  }
0x95: {  	[sflag:s11] =	ssyncadd.s32 $0xFFFFF800  }
0x96: {  	_ =	swait.ge [sflag:s11], $0x800  }
0x97: {  	[sflag:s11] =	ssyncset.done $0x0  }
0x98: {  	[sflag:s11] =	ssyncadd.s32 $0xFFFFF800  }
0x99: {  	_ =	swait.ge [sflag:s11], $0x800  }
0x9a: {  	[sflag:s11] =	ssyncset.done $0x0  }
0x9b: {  	[sflag:s11] =	ssyncadd.s32 $0xFFFFF800  }
0x9c: {  	_ =	swait.ge [sflag:s11], $0x800  }
0x9d: {  	[sflag:s11] =	ssyncset.done $0x0  }
0x9e: {  	[sflag:s11] =	ssyncadd.s32 $0xFFFFF800  }
0x9f: {  	_ =	swait.ge [sflag:s11], $0x800  }
0xa0: {  	[sflag:s11] =	ssyncset.done $0x0  }
0xa1: {  	[sflag:s11] =	ssyncadd.s32 $0xFFFFF800  }
0xa2: {  	_ =	swait.ge [sflag:s11], $0x800  }
0xa3: {  	[sflag:s11] =	ssyncset.done $0x0  }
0xa4: {  	[sflag:s11] =	ssyncadd.s32 $0xFFFFF800  }
0xa5: {  	_ =	swait.ge [sflag:s11], $0x800  }
0xa6: {  	[sflag:s11] =	ssyncset.done $0x0  }
0xa7: {  	[sflag:s11] =	ssyncadd.s32 $0xFFFFF800  }
0xa8: {  	_ =	swait.ge [sflag:s11], $0x800  }
0xa9: {  	[sflag:s11] =	ssyncset.done $0x0  }
0xaa: {  	[sflag:s11] =	ssyncadd.s32 $0xFFFFF800  }
0xab: {  	_ =	swait.ge [sflag:s11], $0x800  }
0xac: {  	[sflag:s11] =	ssyncset.done $0x0  }
0xad: {  	[sflag:s11] =	ssyncadd.s32 $0xFFFFF800  }
0xae: {  	_ =	swait.ge [sflag:s11], $0x800  }
0xaf: {  	[sflag:s11] =	ssyncset.done $0x0  }
0xb0: {  	[sflag:s11] =	ssyncadd.s32 $0xFFFFF800  }
0xb1: {  	_ =	swait.ge [sflag:s11], $0x800  }
0xb2: {  	[sflag:s11] =	ssyncset.done $0x0  }
0xb3: {  	[sflag:s11] =	ssyncadd.s32 $0xFFFFF800  }
0xb4: {  	[hbm4b:s12+s9] =	stream.strided.scatter [tilespmem:s14], [sflag:$0x1], $0x800, s10, s9, $0x38;
	[tilespmem:$0xE500] =	vst v63  }
0xb5: {  	s14 =	sadd.s32 $0x2, s12  }
0xb6: {  	[hbm4b:s14+s9] =	stream.strided.scatter [tilespmem:s16], [sflag:$0x1], $0x800, s10, s9, $0x38;
	[tilespmem:$0xE500] =	vst v63  }
0xb7: {  	s16 =	sadd.s32 $0x4, s12  }
0xb8: {  	[hbm4b:s16+s9] =	stream.strided.scatter [tilespmem:s18], [sflag:$0x1], $0x800, s10, s9, $0x38;
	[tilespmem:$0xE500] =	vst v63  }
0xb9: {  	s18 =	sadd.s32 $0x6, s12  }
0xba: {  	[hbm4b:s18+s9] =	stream.strided.scatter [tilespmem:s19], [sflag:$0x1], $0x800, s10, s9, $0x38;
	[tilespmem:$0xE500] =	vst v63  }
0xbb: {  	s19 =	sadd.s32 $0x8, s12  }
0xbc: {  	[hbm4b:s19+s9] =	stream.strided.scatter [tilespmem:s20], [sflag:$0x1], $0x800, s10, s9, $0x38;
	[tilespmem:$0xE500] =	vst v63  }
0xbd: {  	s20 =	sadd.s32 $0xA, s12  }
0xbe: {  	[hbm4b:s20+s9] =	stream.strided.scatter [tilespmem:s21], [sflag:$0x1], $0x800, s10, s9, $0x38;
	[tilespmem:$0xE500] =	vst v63  }
0xbf: {  	s21 =	sadd.s32 $0xC, s12  }
0xc0: {  	[hbm4b:s21+s9] =	stream.strided.scatter [tilespmem:s22], [sflag:$0x1], $0x800, s10, s9, $0x38;
	[tilespmem:$0xE500] =	vst v63  }
0xc1: {  	s22 =	sadd.s32 $0xE, s12  }
0xc2: {  	[hbm4b:s22+s9] =	stream.strided.scatter [tilespmem:s23], [sflag:$0x1], $0x800, s10, s9, $0x38;
	[tilespmem:$0xE500] =	vst v63  }
0xc3: {  	s23 =	sadd.s32 $0x10, s12  }
0xc4: {  	[hbm4b:s23+s9] =	stream.strided.scatter [tilespmem:s24], [sflag:$0x1], $0x800, s10, s9, $0x38;
	[tilespmem:$0xE500] =	vst v63  }
0xc5: {  	s24 =	sadd.s32 $0x12, s12  }
0xc6: {  	[hbm4b:s24+s9] =	stream.strided.scatter [tilespmem:s25], [sflag:$0x1], $0x800, s10, s9, $0x38;
	[tilespmem:$0xE500] =	vst v63  }
0xc7: {  	s25 =	sadd.s32 $0x14, s12  }
0xc8: {  	[hbm4b:s25+s9] =	stream.strided.scatter [tilespmem:s26], [sflag:$0x1], $0x800, s10, s9, $0x38;
	[tilespmem:$0xE500] =	vst v63  }
0xc9: {  	s26 =	sadd.s32 $0x16, s12  }
0xca: {  	[hbm4b:s26+s9] =	stream.strided.scatter [tilespmem:s28], [sflag:$0x1], $0x800, s10, s9, $0x38;
	[tilespmem:$0xE500] =	vst v63  }
0xcb: {  	s29 =	simm.s32 $0x6D00;
	s28 =	sadd.s32 $0x18, s12  }
0xcc: {  	[hbm4b:s28+s9] =	stream.strided.scatter [tilespmem:s29], [sflag:$0x1], $0x800, s10, s9, $0x38;
	[tilespmem:$0xE500] =	vst v63  }
0xcd: {  	s0 =	sadd.s32 $0x1A, s12  }
0xce: {  	[hbm4b:s0+s9] =	stream.strided.scatter [tilespmem:s1], [sflag:$0x1], $0x800, s10, s9, $0x38;
	[tilespmem:$0xE500] =	vst v63  }
0xcf: {  	s1 =	sadd.s32 $0x1C, s12  }
0xd0: {  	[hbm4b:s1+s9] =	stream.strided.scatter [tilespmem:s4], [sflag:$0x1], $0x800, s10, s9, $0x38;
	[tilespmem:$0xE500] =	vst v63  }
0xd1: {  	s8 =	sadd.s32 $0x1E, s12  }
0xd2: {  	[hbm4b:s8+s9] =	stream.strided.scatter [tilespmem:s5], [sflag:$0x1], $0x800, s10, s9, $0x38;
	[tilespmem:$0xE500] =	vst v63  }
0xd3: {  	s14 =	sadd.s32 $0x20, s12  }
0xd4: {  	[hbm4b:s14+s9] =	stream.strided.scatter [tilespmem:s6], [sflag:$0x1], $0x800, s10, s9, $0x38;
	[tilespmem:$0xE500] =	vst v63  }
0xd5: {  	s16 =	sadd.s32 $0x22, s12  }
0xd6: {  	[hbm4b:s16+s9] =	stream.strided.scatter [tilespmem:s2], [sflag:$0x1], $0x800, s10, s9, $0x38;
	[tilespmem:$0xE500] =	vst v63  }
0xd7: {  	s18 =	sadd.s32 $0x24, s12  }
0xd8: {  	[hbm4b:s18+s9] =	stream.strided.scatter [tilespmem:s30], [sflag:$0x1], $0x800, s10, s9, $0x38;
	[tilespmem:$0xE500] =	vst v63  }
0xd9: {  	s19 =	sadd.s32 $0x26, s12  }
0xda: {  	[hbm4b:s19+s9] =	stream.strided.scatter [tilespmem:s31], [sflag:$0x1], $0x800, s10, s9, $0x38;
	[tilespmem:$0xE500] =	vst v63  }
0xdb: {  	s20 =	sadd.s32 $0x28, s12;
	s21 =	simm.s32 $0xAD00  }
0xdc: {  	[hbm4b:s20+s9] =	stream.strided.scatter [tilespmem:s21], [sflag:$0x1], $0x800, s10, s9, $0x38;
	[tilespmem:$0xE500] =	vst v63  }
0xdd: {  	s22 =	sadd.s32 $0x2A, s12;
	s23 =	simm.s32 $0xB500  }
0xde: {  	[hbm4b:s22+s9] =	stream.strided.scatter [tilespmem:s23], [sflag:$0x1], $0x800, s10, s9, $0x38;
	[tilespmem:$0xE500] =	vst v63  }
0xdf: {  	s24 =	sadd.s32 $0x2C, s12;
	s25 =	simm.s32 $0xBD00  }
0xe0: {  	[hbm4b:s24+s9] =	stream.strided.scatter [tilespmem:s25], [sflag:$0x1], $0x800, s10, s9, $0x38;
	[tilespmem:$0xE500] =	vst v63  }
0xe1: {  	s26 =	sadd.s32 $0x2E, s12;
	s28 =	simm.s32 $0xC500  }
0xe2: {  	[hbm4b:s26+s9] =	stream.strided.scatter [tilespmem:s28], [sflag:$0x1], $0x800, s10, s9, $0x38;
	[tilespmem:$0xE500] =	vst v63  }
0xe3: {  	s29 =	sadd.s32 $0x30, s12;
	s30 =	simm.s32 $0xCD00  }
0xe4: {  	[hbm4b:s29+s9] =	stream.strided.scatter [tilespmem:s30], [sflag:$0x1], $0x800, s10, s9, $0x38;
	[tilespmem:$0xE500] =	vst v63  }
0xe5: {  	s12 =	sadd.s32 $0x32, s12;
	s31 =	simm.s32 $0xD500  }
0xe6: {  	[hbm4b:s12+s9] =	stream.strided.scatter [tilespmem:s31], [sflag:$0x1], $0x800, s10, s9, $0x38;
	[tilespmem:$0xE500] =	vst v63  }
0xe7: {  	_ =	swait.ge [sflag:s11], $0x800  }
0xe8: {  	[sflag:s11] =	ssyncset.done $0x0  }
0xe9: {  	[sflag:s11] =	ssyncadd.s32 $0xFFFFF800  }
0xea: {  	_ =	swait.ge [sflag:s11], $0x800  }
0xeb: {  	[sflag:s11] =	ssyncset.done $0x0  }
0xec: {  	[sflag:s11] =	ssyncadd.s32 $0xFFFFF800  }
0xed: {  	_ =	swait.ge [sflag:s11], $0x800  }
0xee: {  	[sflag:s11] =	ssyncset.done $0x0  }
0xef: {  	[sflag:s11] =	ssyncadd.s32 $0xFFFFF800  }
0xf0: {  	_ =	swait.ge [sflag:s11], $0x800  }
0xf1: {  	[sflag:s11] =	ssyncset.done $0x0  }
0xf2: {  	[sflag:s11] =	ssyncadd.s32 $0xFFFFF800  }
0xf3: {  	_ =	swait.ge [sflag:s11], $0x800  }
0xf4: {  	[sflag:s11] =	ssyncset.done $0x0  }
0xf5: {  	[sflag:s11] =	ssyncadd.s32 $0xFFFFF800  }
0xf6: {  	_ =	swait.ge [sflag:s11], $0x800  }
0xf7: {  	[sflag:s11] =	ssyncset.done $0x0  }
0xf8: {  	[sflag:s11] =	ssyncadd.s32 $0xFFFFF800  }
0xf9: {  	_ =	swait.ge [sflag:s11], $0x800  }
0xfa: {  	[sflag:s11] =	ssyncset.done $0x0  }
0xfb: {  	[sflag:s11] =	ssyncadd.s32 $0xFFFFF800  }
0xfc: {  	_ =	swait.ge [sflag:s11], $0x800  }
0xfd: {  	[sflag:s11] =	ssyncset.done $0x0  }
0xfe: {  	[sflag:s11] =	ssyncadd.s32 $0xFFFFF800  }
0xff: {  	_ =	swait.ge [sflag:s11], $0x800  }
0x100: {  	[sflag:s11] =	ssyncset.done $0x0  }
0x101: {  	[sflag:s11] =	ssyncadd.s32 $0xFFFFF800  }
0x102: {  	_ =	swait.ge [sflag:s11], $0x800  }
0x103: {  	[sflag:s11] =	ssyncset.done $0x0  }
0x104: {  	[sflag:s11] =	ssyncadd.s32 $0xFFFFF800  }
0x105: {  	_ =	swait.ge [sflag:s11], $0x800  }
0x106: {  	[sflag:s11] =	ssyncset.done $0x0  }
0x107: {  	[sflag:s11] =	ssyncadd.s32 $0xFFFFF800  }
0x108: {  	_ =	swait.ge [sflag:s11], $0x800  }
0x109: {  	[sflag:s11] =	ssyncset.done $0x0  }
0x10a: {  	[sflag:s11] =	ssyncadd.s32 $0xFFFFF800  }
0x10b: {  	_ =	swait.ge [sflag:s11], $0x800  }
0x10c: {  	[sflag:s11] =	ssyncset.done $0x0  }
0x10d: {  	[sflag:s11] =	ssyncadd.s32 $0xFFFFF800  }
0x10e: {  	_ =	swait.ge [sflag:s11], $0x800  }
0x10f: {  	[sflag:s11] =	ssyncset.done $0x0  }
0x110: {  	[sflag:s11] =	ssyncadd.s32 $0xFFFFF800  }
0x111: {  	_ =	swait.ge [sflag:s11], $0x800  }
0x112: {  	[sflag:s11] =	ssyncset.done $0x0  }
0x113: {  	[sflag:s11] =	ssyncadd.s32 $0xFFFFF800  }
0x114: {  	_ =	swait.ge [sflag:s11], $0x800  }
0x115: {  	[sflag:s11] =	ssyncset.done $0x0  }
0x116: {  	[sflag:s11] =	ssyncadd.s32 $0xFFFFF800  }
0x117: {  	_ =	swait.ge [sflag:s11], $0x800  }
0x118: {  	[sflag:s11] =	ssyncset.done $0x0  }
0x119: {  	[sflag:s11] =	ssyncadd.s32 $0xFFFFF800  }
0x11a: {  	_ =	swait.ge [sflag:s11], $0x800  }
0x11b: {  	[sflag:s11] =	ssyncset.done $0x0  }
0x11c: {  	[sflag:s11] =	ssyncadd.s32 $0xFFFFF800  }
0x11d: {  	_ =	swait.ge [sflag:s11], $0x800  }
0x11e: {  	[sflag:s11] =	ssyncset.done $0x0  }
0x11f: {  	[sflag:s11] =	ssyncadd.s32 $0xFFFFF800  }
0x120: {  	_ =	swait.ge [sflag:s11], $0x800  }
0x121: {  	[sflag:s11] =	ssyncset.done $0x0  }
0x122: {  	[sflag:s11] =	ssyncadd.s32 $0xFFFFF800  }
0x123: {  	_ =	swait.ge [sflag:s11], $0x800  }
0x124: {  	[sflag:s11] =	ssyncset.done $0x0  }
0x125: {  	[sflag:s11] =	ssyncadd.s32 $0xFFFFF800  }
0x126: {  	_ =	swait.ge [sflag:s11], $0x800  }
0x127: {  	[sflag:s11] =	ssyncset.done $0x0  }
0x128: {  	[sflag:s11] =	ssyncadd.s32 $0xFFFFF800  }
0x129: {  	_ =	swait.ge [sflag:s11], $0x800  }
0x12a: {  	[sflag:s11] =	ssyncset.done $0x0  }
0x12b: {  	[sflag:s11] =	ssyncadd.s32 $0xFFFFF800  }
0x12c: {  	_ =	swait.ge [sflag:s11], $0x800  }
0x12d: {  	[sflag:s11] =	ssyncset.done $0x0  }
0x12e: {  	[sflag:s11] =	ssyncadd.s32 $0xFFFFF800  }
0x12f: {  	_ =	swait.ge [sflag:s11], $0x800  }
0x130: {  	[sflag:s11] =	ssyncset.done $0x0  }
0x131: {  	s13 =	smov.u32 s15;
	[sflag:s11] =	ssyncadd.s32 $0xFFFFF800  }
0x132: {  	s15 =	smov.u32 s17;
	s14 =	simm.s32 $0x3600;
	_ =	swait.ge [sflag:s11], $0x800  }
0x133: {  	s12 =	simm.s32 $0x1B00;
	s16 =	rddreg [dreg:$0x4];
	[sflag:s11] =	ssyncset.done $0x0  }
.LBB2_2:
0x134: {  	[sflag:s11] =	ssyncadd.s32 $0xFFFFF800  }
0x135: {  	s15 =	sadd.s32 $0x10, s15;
	s8 =	simm.s32 $0x0;
	s0 =	simm.s32 $0x2  }
0x136: {  	[tilespmem:s8], [sflag:$0x2] =	stream.strided.gather [hbm4b:s15+s7], $0xD00, s16, s7, $0x38;
	[tilespmem:$0xE500] =	vst v63  }
0x137: {  	_ =	swait.ge [sflag:s0], $0xD00  }
0x138: {  	[sflag:s0] =	ssyncset.done $0x0  }
0x139: {  	s19 =	simm.s32 $0xD00;
	[sflag:s0] =	ssyncadd.s32 $0xFFFFF300  }
0x13a: {  	[tilespmem:s19], [sflag:$0x1] =	stream.indirect.gather [hbm4b:s3+s7], $0x10, s8, s7, $0xb8;
	[tilespmem:$0xE500] =	vst v63  }
0x13b: {  	s20 =	simm.s32 $0x1500  }
0x13c: {  	[tilespmem:s20], [sflag:$0x1] =	stream.indirect.gather [hbm4b:s3+s7], $0x10, s7, s7, $0xb8;
	[tilespmem:$0xE500] =	vst v63  }
0x13d: {  	s21 =	simm.s32 $0x1D00;
	s23 =	rddreg [dreg:$0x5]  }
0x13e: {  	[tilespmem:s21], [sflag:$0x1] =	stream.indirect.gather [hbm4b:s3+s7], $0x10, s23, s7, $0xb8;
	[tilespmem:$0xE500] =	vst v63  }
0x13f: {  	s22 =	simm.s32 $0x2500;
	s18 =	rddreg [dreg:$0x6]  }
0x140: {  	[tilespmem:s22], [sflag:$0x1] =	stream.indirect.gather [hbm4b:s3+s7], $0x10, s18, s7, $0xb8;
	[tilespmem:$0xE500] =	vst v63  }
0x141: {  	s24 =	rddreg [dreg:$0x7];
	s23 =	simm.s32 $0x2D00  }
0x142: {  	[tilespmem:s23], [sflag:$0x1] =	stream.indirect.gather [hbm4b:s3+s7], $0x10, s24, s7, $0xb8;
	[tilespmem:$0xE500] =	vst v63  }
0x143: {  	s25 =	rddreg [dreg:$0x8];
	s24 =	simm.s32 $0x3500  }
0x144: {  	[tilespmem:s24], [sflag:$0x1] =	stream.indirect.gather [hbm4b:s3+s7], $0x10, s25, s7, $0xb8;
	[tilespmem:$0xE500] =	vst v63  }
0x145: {  	s26 =	rddreg [dreg:$0x9];
	s25 =	simm.s32 $0x3D00  }
0x146: {  	[tilespmem:s25], [sflag:$0x1] =	stream.indirect.gather [hbm4b:s3+s7], $0x10, s26, s7, $0xb8;
	[tilespmem:$0xE500] =	vst v63  }
0x147: {  	s28 =	rddreg [dreg:$0xa];
	s26 =	simm.s32 $0x4500  }
0x148: {  	[tilespmem:s26], [sflag:$0x1] =	stream.indirect.gather [hbm4b:s3+s7], $0x10, s28, s7, $0xb8;
	[tilespmem:$0xE500] =	vst v63  }
0x149: {  	s29 =	rddreg [dreg:$0xb];
	s28 =	simm.s32 $0x4D00  }
0x14a: {  	[tilespmem:s28], [sflag:$0x1] =	stream.indirect.gather [hbm4b:s3+s7], $0x10, s29, s7, $0xb8;
	[tilespmem:$0xE500] =	vst v63  }
0x14b: {  	s30 =	rddreg [dreg:$0xc];
	s29 =	simm.s32 $0x5500  }
0x14c: {  	[tilespmem:s29], [sflag:$0x1] =	stream.indirect.gather [hbm4b:s3+s7], $0x10, s30, s7, $0xb8;
	[tilespmem:$0xE500] =	vst v63  }
0x14d: {  	s31 =	rddreg [dreg:$0xd];
	s30 =	simm.s32 $0x5D00  }
0x14e: {  	[tilespmem:s30], [sflag:$0x1] =	stream.indirect.gather [hbm4b:s3+s7], $0x10, s31, s7, $0xb8;
	[tilespmem:$0xE500] =	vst v63  }
0x14f: {  	s1 =	rddreg [dreg:$0xe];
	s31 =	simm.s32 $0x6500  }
0x150: {  	[tilespmem:s31], [sflag:$0x1] =	stream.indirect.gather [hbm4b:s3+s7], $0x10, s1, s7, $0xb8;
	[tilespmem:$0xE500] =	vst v63  }
0x151: {  	s2 =	rddreg [dreg:$0xf];
	s1 =	simm.s32 $0x6D00  }
0x152: {  	[tilespmem:s1], [sflag:$0x1] =	stream.indirect.gather [hbm4b:s3+s7], $0x10, s2, s7, $0xb8;
	[tilespmem:$0xE500] =	vst v63  }
0x153: {  	s6 =	simm.s32 $0x7500;
	s4 =	rddreg [dreg:$0x10]  }
0x154: {  	[tilespmem:s6], [sflag:$0x1] =	stream.indirect.gather [hbm4b:s3+s7], $0x10, s4, s7, $0xb8;
	[tilespmem:$0xE500] =	vst v63  }
0x155: {  	s5 =	rddreg [dreg:$0x11];
	s4 =	simm.s32 $0x7D00  }
0x156: {  	[tilespmem:s4], [sflag:$0x1] =	stream.indirect.gather [hbm4b:s3+s7], $0x10, s5, s7, $0xb8;
	[tilespmem:$0xE500] =	vst v63  }
0x157: {  	s1 =	rddreg [dreg:$0x12];
	s5 =	simm.s32 $0x8500  }
0x158: {  	[tilespmem:s5], [sflag:$0x1] =	stream.indirect.gather [hbm4b:s3+s7], $0x10, s1, s7, $0xb8;
	[tilespmem:$0xE500] =	vst v63  }
0x159: {  	s2 =	rddreg [dreg:$0x13];
	s6 =	simm.s32 $0x8D00  }
0x15a: {  	[tilespmem:s6], [sflag:$0x1] =	stream.indirect.gather [hbm4b:s3+s7], $0x10, s2, s7, $0xb8;
	[tilespmem:$0xE500] =	vst v63  }
0x15b: {  	s1 =	rddreg [dreg:$0x14];
	s2 =	simm.s32 $0x9500  }
0x15c: {  	[tilespmem:s2], [sflag:$0x1] =	stream.indirect.gather [hbm4b:s3+s7], $0x10, s1, s7, $0xb8;
	[tilespmem:$0xE500] =	vst v63  }
0x15d: {  	s16 =	rddreg [dreg:$0x15];
	s1 =	simm.s32 $0x9D00  }
0x15e: {  	[tilespmem:s1], [sflag:$0x1] =	stream.indirect.gather [hbm4b:s3+s7], $0x10, s16, s7, $0xb8;
	[tilespmem:$0xE500] =	vst v63  }
0x15f: {  	s18 =	rddreg [dreg:$0x16];
	s1 =	simm.s32 $0xA500  }
0x160: {  	[tilespmem:s1], [sflag:$0x1] =	stream.indirect.gather [hbm4b:s3+s7], $0x10, s18, s7, $0xb8;
	[tilespmem:$0xE500] =	vst v63  }
0x161: {  	s16 =	rddreg [dreg:$0x17];
	s1 =	simm.s32 $0xAD00  }
0x162: {  	[tilespmem:s1], [sflag:$0x1] =	stream.indirect.gather [hbm4b:s3+s7], $0x10, s16, s7, $0xb8;
	[tilespmem:$0xE500] =	vst v63  }
0x163: {  	s18 =	rddreg [dreg:$0x18];
	s1 =	simm.s32 $0xB500  }
0x164: {  	[tilespmem:s1], [sflag:$0x1] =	stream.indirect.gather [hbm4b:s3+s7], $0x10, s18, s7, $0xb8;
	[tilespmem:$0xE500] =	vst v63  }
0x165: {  	s16 =	rddreg [dreg:$0x19];
	s1 =	simm.s32 $0xBD00  }
0x166: {  	[tilespmem:s1], [sflag:$0x1] =	stream.indirect.gather [hbm4b:s3+s7], $0x10, s16, s7, $0xb8;
	[tilespmem:$0xE500] =	vst v63  }
0x167: {  	s18 =	rddreg [dreg:$0x1a];
	s1 =	simm.s32 $0xC500  }
0x168: {  	[tilespmem:s1], [sflag:$0x1] =	stream.indirect.gather [hbm4b:s3+s7], $0x10, s18, s7, $0xb8;
	[tilespmem:$0xE500] =	vst v63  }
0x169: {  	s16 =	rddreg [dreg:$0x1b];
	s1 =	simm.s32 $0xCD00  }
0x16a: {  	[tilespmem:s1], [sflag:$0x1] =	stream.indirect.gather [hbm4b:s3+s7], $0x10, s16, s7, $0xb8;
	[tilespmem:$0xE500] =	vst v63  }
0x16b: {  	s18 =	rddreg [dreg:$0x1c];
	s1 =	simm.s32 $0xD500  }
0x16c: {  	[tilespmem:s1], [sflag:$0x1] =	stream.indirect.gather [hbm4b:s3+s7], $0x10, s18, s7, $0xb8;
	[tilespmem:$0xE500] =	vst v63  }
0x16d: {  	s13 =	sadd.s32 $0x100, s13;
	s18 =	simm.s32 $0xDD00  }
0x16e: {  	[tilespmem:s18], [sflag:$0x2] =	stream.linear.gather [hbm4b:s13+s8], $0x800, $0x38;
	[tilespmem:$0xE500] =	vst v63  }
0x16f: {  	_ =	swait.ge [sflag:s0], $0x800  }
0x170: {  	s8 =	rddreg [dreg:$0x3]  }
0x171: {  	[sflag:s0] =	ssyncset.done $0x0;
	s16 =	sadd.s32 s12, s8  }
0x172: {  	[sflag:s0] =	ssyncadd.s32 $0xFFFFF800;
	s8 =	sadd.s32 $0x34, s16  }
0x173: {  	[hbm4b:s8+s9] =	stream.strided.scatter [tilespmem:s18], [sflag:$0x2], $0x800, s10, s9, $0x38;
	[tilespmem:$0xE500] =	vst v63  }
0x174: {  	_ =	swait.ge [sflag:s0], $0x800  }
0x175: {  	[sflag:s0] =	ssyncset.done $0x0  }
0x176: {  	[sflag:s0] =	ssyncadd.s32 $0xFFFFF800  }
0x177: {  	_ =	swait.ge [sflag:s11], $0x800  }
0x178: {  	[sflag:s11] =	ssyncset.done $0x0  }
0x179: {  	[sflag:s11] =	ssyncadd.s32 $0xFFFFF800  }
0x17a: {  	_ =	swait.ge [sflag:s11], $0x800  }
0x17b: {  	[sflag:s11] =	ssyncset.done $0x0  }
0x17c: {  	[sflag:s11] =	ssyncadd.s32 $0xFFFFF800  }
0x17d: {  	_ =	swait.ge [sflag:s11], $0x800  }
0x17e: {  	[sflag:s11] =	ssyncset.done $0x0  }
0x17f: {  	[sflag:s11] =	ssyncadd.s32 $0xFFFFF800  }
0x180: {  	_ =	swait.ge [sflag:s11], $0x800  }
0x181: {  	[sflag:s11] =	ssyncset.done $0x0  }
0x182: {  	[sflag:s11] =	ssyncadd.s32 $0xFFFFF800  }
0x183: {  	_ =	swait.ge [sflag:s11], $0x800  }
0x184: {  	[sflag:s11] =	ssyncset.done $0x0  }
0x185: {  	[sflag:s11] =	ssyncadd.s32 $0xFFFFF800  }
0x186: {  	_ =	swait.ge [sflag:s11], $0x800  }
0x187: {  	[sflag:s11] =	ssyncset.done $0x0  }
0x188: {  	[sflag:s11] =	ssyncadd.s32 $0xFFFFF800  }
0x189: {  	_ =	swait.ge [sflag:s11], $0x800  }
0x18a: {  	[sflag:s11] =	ssyncset.done $0x0  }
0x18b: {  	[sflag:s11] =	ssyncadd.s32 $0xFFFFF800  }
0x18c: {  	_ =	swait.ge [sflag:s11], $0x800  }
0x18d: {  	[sflag:s11] =	ssyncset.done $0x0  }
0x18e: {  	[sflag:s11] =	ssyncadd.s32 $0xFFFFF800  }
0x18f: {  	_ =	swait.ge [sflag:s11], $0x800  }
0x190: {  	[sflag:s11] =	ssyncset.done $0x0  }
0x191: {  	[sflag:s11] =	ssyncadd.s32 $0xFFFFF800  }
0x192: {  	_ =	swait.ge [sflag:s11], $0x800  }
0x193: {  	[sflag:s11] =	ssyncset.done $0x0  }
0x194: {  	[sflag:s11] =	ssyncadd.s32 $0xFFFFF800  }
0x195: {  	_ =	swait.ge [sflag:s11], $0x800  }
0x196: {  	[sflag:s11] =	ssyncset.done $0x0  }
0x197: {  	[sflag:s11] =	ssyncadd.s32 $0xFFFFF800  }
0x198: {  	_ =	swait.ge [sflag:s11], $0x800  }
0x199: {  	[sflag:s11] =	ssyncset.done $0x0  }
0x19a: {  	[sflag:s11] =	ssyncadd.s32 $0xFFFFF800  }
0x19b: {  	_ =	swait.ge [sflag:s11], $0x800  }
0x19c: {  	[sflag:s11] =	ssyncset.done $0x0  }
0x19d: {  	[sflag:s11] =	ssyncadd.s32 $0xFFFFF800  }
0x19e: {  	_ =	swait.ge [sflag:s11], $0x800  }
0x19f: {  	[sflag:s11] =	ssyncset.done $0x0  }
0x1a0: {  	[sflag:s11] =	ssyncadd.s32 $0xFFFFF800  }
0x1a1: {  	_ =	swait.ge [sflag:s11], $0x800  }
0x1a2: {  	[sflag:s11] =	ssyncset.done $0x0  }
0x1a3: {  	[sflag:s11] =	ssyncadd.s32 $0xFFFFF800  }
0x1a4: {  	_ =	swait.ge [sflag:s11], $0x800  }
0x1a5: {  	[sflag:s11] =	ssyncset.done $0x0  }
0x1a6: {  	[sflag:s11] =	ssyncadd.s32 $0xFFFFF800  }
0x1a7: {  	_ =	swait.ge [sflag:s11], $0x800  }
0x1a8: {  	[sflag:s11] =	ssyncset.done $0x0  }
0x1a9: {  	[sflag:s11] =	ssyncadd.s32 $0xFFFFF800  }
0x1aa: {  	_ =	swait.ge [sflag:s11], $0x800  }
0x1ab: {  	[sflag:s11] =	ssyncset.done $0x0  }
0x1ac: {  	[sflag:s11] =	ssyncadd.s32 $0xFFFFF800  }
0x1ad: {  	_ =	swait.ge [sflag:s11], $0x800  }
0x1ae: {  	[sflag:s11] =	ssyncset.done $0x0  }
0x1af: {  	[sflag:s11] =	ssyncadd.s32 $0xFFFFF800  }
0x1b0: {  	_ =	swait.ge [sflag:s11], $0x800  }
0x1b1: {  	[sflag:s11] =	ssyncset.done $0x0  }
0x1b2: {  	[sflag:s11] =	ssyncadd.s32 $0xFFFFF800  }
0x1b3: {  	_ =	swait.ge [sflag:s11], $0x800  }
0x1b4: {  	[sflag:s11] =	ssyncset.done $0x0  }
0x1b5: {  	[sflag:s11] =	ssyncadd.s32 $0xFFFFF800  }
0x1b6: {  	_ =	swait.ge [sflag:s11], $0x800  }
0x1b7: {  	[sflag:s11] =	ssyncset.done $0x0  }
0x1b8: {  	[sflag:s11] =	ssyncadd.s32 $0xFFFFF800  }
0x1b9: {  	_ =	swait.ge [sflag:s11], $0x800  }
0x1ba: {  	[sflag:s11] =	ssyncset.done $0x0  }
0x1bb: {  	[sflag:s11] =	ssyncadd.s32 $0xFFFFF800  }
0x1bc: {  	_ =	swait.ge [sflag:s11], $0x800  }
0x1bd: {  	[sflag:s11] =	ssyncset.done $0x0  }
0x1be: {  	[sflag:s11] =	ssyncadd.s32 $0xFFFFF800  }
0x1bf: {  	_ =	swait.ge [sflag:s11], $0x800  }
0x1c0: {  	[sflag:s11] =	ssyncset.done $0x0  }
0x1c1: {  	[sflag:s11] =	ssyncadd.s32 $0xFFFFF800  }
0x1c2: {  	_ =	swait.ge [sflag:s11], $0x800  }
0x1c3: {  	[sflag:s11] =	ssyncset.done $0x0  }
0x1c4: {  	[sflag:s11] =	ssyncadd.s32 $0xFFFFF800  }
0x1c5: {  	[hbm4b:s16+s9] =	stream.strided.scatter [tilespmem:s19], [sflag:$0x1], $0x800, s10, s9, $0x38;
	[tilespmem:$0xE500] =	vst v63  }
0x1c6: {  	s0 =	sadd.s32 $0x2, s16  }
0x1c7: {  	[hbm4b:s0+s9] =	stream.strided.scatter [tilespmem:s20], [sflag:$0x1], $0x800, s10, s9, $0x38;
	[tilespmem:$0xE500] =	vst v63  }
0x1c8: {  	s8 =	sadd.s32 $0x4, s16  }
0x1c9: {  	[hbm4b:s8+s9] =	stream.strided.scatter [tilespmem:s21], [sflag:$0x1], $0x800, s10, s9, $0x38;
	[tilespmem:$0xE500] =	vst v63  }
0x1ca: {  	s18 =	sadd.s32 $0x6, s16  }
0x1cb: {  	[hbm4b:s18+s9] =	stream.strided.scatter [tilespmem:s22], [sflag:$0x1], $0x800, s10, s9, $0x38;
	[tilespmem:$0xE500] =	vst v63  }
0x1cc: {  	s19 =	sadd.s32 $0x8, s16  }
0x1cd: {  	[hbm4b:s19+s9] =	stream.strided.scatter [tilespmem:s23], [sflag:$0x1], $0x800, s10, s9, $0x38;
	[tilespmem:$0xE500] =	vst v63  }
0x1ce: {  	s20 =	sadd.s32 $0xA, s16  }
0x1cf: {  	[hbm4b:s20+s9] =	stream.strided.scatter [tilespmem:s24], [sflag:$0x1], $0x800, s10, s9, $0x38;
	[tilespmem:$0xE500] =	vst v63  }
0x1d0: {  	s21 =	sadd.s32 $0xC, s16  }
0x1d1: {  	[hbm4b:s21+s9] =	stream.strided.scatter [tilespmem:s25], [sflag:$0x1], $0x800, s10, s9, $0x38;
	[tilespmem:$0xE500] =	vst v63  }
0x1d2: {  	s22 =	sadd.s32 $0xE, s16  }
0x1d3: {  	[hbm4b:s22+s9] =	stream.strided.scatter [tilespmem:s26], [sflag:$0x1], $0x800, s10, s9, $0x38;
	[tilespmem:$0xE500] =	vst v63  }
0x1d4: {  	s23 =	sadd.s32 $0x10, s16  }
0x1d5: {  	[hbm4b:s23+s9] =	stream.strided.scatter [tilespmem:s28], [sflag:$0x1], $0x800, s10, s9, $0x38;
	[tilespmem:$0xE500] =	vst v63  }
0x1d6: {  	s24 =	sadd.s32 $0x12, s16  }
0x1d7: {  	[hbm4b:s24+s9] =	stream.strided.scatter [tilespmem:s29], [sflag:$0x1], $0x800, s10, s9, $0x38;
	[tilespmem:$0xE500] =	vst v63  }
0x1d8: {  	s25 =	sadd.s32 $0x14, s16  }
0x1d9: {  	[hbm4b:s25+s9] =	stream.strided.scatter [tilespmem:s30], [sflag:$0x1], $0x800, s10, s9, $0x38;
	[tilespmem:$0xE500] =	vst v63  }
0x1da: {  	s26 =	sadd.s32 $0x16, s16  }
0x1db: {  	[hbm4b:s26+s9] =	stream.strided.scatter [tilespmem:s31], [sflag:$0x1], $0x800, s10, s9, $0x38;
	[tilespmem:$0xE500] =	vst v63  }
0x1dc: {  	s28 =	sadd.s32 $0x18, s16;
	s29 =	simm.s32 $0x6D00  }
0x1dd: {  	[hbm4b:s28+s9] =	stream.strided.scatter [tilespmem:s29], [sflag:$0x1], $0x800, s10, s9, $0x38;
	[tilespmem:$0xE500] =	vst v63  }
0x1de: {  	s30 =	sadd.s32 $0x1A, s16;
	s31 =	simm.s32 $0x7500  }
0x1df: {  	[hbm4b:s30+s9] =	stream.strided.scatter [tilespmem:s31], [sflag:$0x1], $0x800, s10, s9, $0x38;
	[tilespmem:$0xE500] =	vst v63  }
0x1e0: {  	s0 =	sadd.s32 $0x1C, s16  }
0x1e1: {  	[hbm4b:s0+s9] =	stream.strided.scatter [tilespmem:s4], [sflag:$0x1], $0x800, s10, s9, $0x38;
	[tilespmem:$0xE500] =	vst v63  }
0x1e2: {  	s4 =	sadd.s32 $0x1E, s16  }
0x1e3: {  	[hbm4b:s4+s9] =	stream.strided.scatter [tilespmem:s5], [sflag:$0x1], $0x800, s10, s9, $0x38;
	[tilespmem:$0xE500] =	vst v63  }
0x1e4: {  	s5 =	sadd.s32 $0x20, s16  }
0x1e5: {  	[hbm4b:s5+s9] =	stream.strided.scatter [tilespmem:s6], [sflag:$0x1], $0x800, s10, s9, $0x38;
	[tilespmem:$0xE500] =	vst v63  }
0x1e6: {  	s6 =	sadd.s32 $0x22, s16  }
0x1e7: {  	[hbm4b:s6+s9] =	stream.strided.scatter [tilespmem:s2], [sflag:$0x1], $0x800, s10, s9, $0x38;
	[tilespmem:$0xE500] =	vst v63  }
0x1e8: {  	s8 =	sadd.s32 $0x24, s16;
	s18 =	simm.s32 $0x9D00  }
0x1e9: {  	[hbm4b:s8+s9] =	stream.strided.scatter [tilespmem:s18], [sflag:$0x1], $0x800, s10, s9, $0x38;
	[tilespmem:$0xE500] =	vst v63  }
0x1ea: {  	s19 =	sadd.s32 $0x26, s16;
	s20 =	simm.s32 $0xA500  }
0x1eb: {  	[hbm4b:s19+s9] =	stream.strided.scatter [tilespmem:s20], [sflag:$0x1], $0x800, s10, s9, $0x38;
	[tilespmem:$0xE500] =	vst v63  }
0x1ec: {  	s21 =	sadd.s32 $0x28, s16;
	s22 =	simm.s32 $0xAD00  }
0x1ed: {  	[hbm4b:s21+s9] =	stream.strided.scatter [tilespmem:s22], [sflag:$0x1], $0x800, s10, s9, $0x38;
	[tilespmem:$0xE500] =	vst v63  }
0x1ee: {  	s23 =	sadd.s32 $0x2A, s16;
	s24 =	simm.s32 $0xB500  }
0x1ef: {  	[hbm4b:s23+s9] =	stream.strided.scatter [tilespmem:s24], [sflag:$0x1], $0x800, s10, s9, $0x38;
	[tilespmem:$0xE500] =	vst v63  }
0x1f0: {  	s25 =	sadd.s32 $0x2C, s16;
	s26 =	simm.s32 $0xBD00  }
0x1f1: {  	[hbm4b:s25+s9] =	stream.strided.scatter [tilespmem:s26], [sflag:$0x1], $0x800, s10, s9, $0x38;
	[tilespmem:$0xE500] =	vst v63  }
0x1f2: {  	s28 =	sadd.s32 $0x2E, s16;
	s29 =	simm.s32 $0xC500  }
0x1f3: {  	[hbm4b:s28+s9] =	stream.strided.scatter [tilespmem:s29], [sflag:$0x1], $0x800, s10, s9, $0x38;
	[tilespmem:$0xE500] =	vst v63  }
0x1f4: {  	s30 =	sadd.s32 $0x30, s16;
	s31 =	simm.s32 $0xCD00  }
0x1f5: {  	[hbm4b:s30+s9] =	stream.strided.scatter [tilespmem:s31], [sflag:$0x1], $0x800, s10, s9, $0x38;
	[tilespmem:$0xE500] =	vst v63  }
0x1f6: {  	s1 =	simm.s32 $0xD500;
	s16 =	sadd.s32 $0x32, s16  }
0x1f7: {  	[hbm4b:s16+s9] =	stream.strided.scatter [tilespmem:s1], [sflag:$0x1], $0x800, s10, s9, $0x38;
	[tilespmem:$0xE500] =	vst v63  }
0x1f8: {  	_ =	swait.ge [sflag:s11], $0x800  }
0x1f9: {  	[sflag:s11] =	ssyncset.done $0x0  }
0x1fa: {  	[sflag:s11] =	ssyncadd.s32 $0xFFFFF800  }
0x1fb: {  	_ =	swait.ge [sflag:s11], $0x800  }
0x1fc: {  	[sflag:s11] =	ssyncset.done $0x0  }
0x1fd: {  	[sflag:s11] =	ssyncadd.s32 $0xFFFFF800  }
0x1fe: {  	_ =	swait.ge [sflag:s11], $0x800  }
0x1ff: {  	[sflag:s11] =	ssyncset.done $0x0  }
0x200: {  	[sflag:s11] =	ssyncadd.s32 $0xFFFFF800  }
0x201: {  	_ =	swait.ge [sflag:s11], $0x800  }
0x202: {  	[sflag:s11] =	ssyncset.done $0x0  }
0x203: {  	[sflag:s11] =	ssyncadd.s32 $0xFFFFF800  }
0x204: {  	_ =	swait.ge [sflag:s11], $0x800  }
0x205: {  	[sflag:s11] =	ssyncset.done $0x0  }
0x206: {  	[sflag:s11] =	ssyncadd.s32 $0xFFFFF800  }
0x207: {  	_ =	swait.ge [sflag:s11], $0x800  }
0x208: {  	[sflag:s11] =	ssyncset.done $0x0  }
0x209: {  	[sflag:s11] =	ssyncadd.s32 $0xFFFFF800  }
0x20a: {  	_ =	swait.ge [sflag:s11], $0x800  }
0x20b: {  	[sflag:s11] =	ssyncset.done $0x0  }
0x20c: {  	[sflag:s11] =	ssyncadd.s32 $0xFFFFF800  }
0x20d: {  	_ =	swait.ge [sflag:s11], $0x800  }
0x20e: {  	[sflag:s11] =	ssyncset.done $0x0  }
0x20f: {  	[sflag:s11] =	ssyncadd.s32 $0xFFFFF800  }
0x210: {  	_ =	swait.ge [sflag:s11], $0x800  }
0x211: {  	[sflag:s11] =	ssyncset.done $0x0  }
0x212: {  	[sflag:s11] =	ssyncadd.s32 $0xFFFFF800  }
0x213: {  	_ =	swait.ge [sflag:s11], $0x800  }
0x214: {  	[sflag:s11] =	ssyncset.done $0x0  }
0x215: {  	[sflag:s11] =	ssyncadd.s32 $0xFFFFF800  }
0x216: {  	_ =	swait.ge [sflag:s11], $0x800  }
0x217: {  	[sflag:s11] =	ssyncset.done $0x0  }
0x218: {  	[sflag:s11] =	ssyncadd.s32 $0xFFFFF800  }
0x219: {  	_ =	swait.ge [sflag:s11], $0x800  }
0x21a: {  	[sflag:s11] =	ssyncset.done $0x0  }
0x21b: {  	[sflag:s11] =	ssyncadd.s32 $0xFFFFF800  }
0x21c: {  	_ =	swait.ge [sflag:s11], $0x800  }
0x21d: {  	[sflag:s11] =	ssyncset.done $0x0  }
0x21e: {  	[sflag:s11] =	ssyncadd.s32 $0xFFFFF800  }
0x21f: {  	_ =	swait.ge [sflag:s11], $0x800  }
0x220: {  	[sflag:s11] =	ssyncset.done $0x0  }
0x221: {  	[sflag:s11] =	ssyncadd.s32 $0xFFFFF800  }
0x222: {  	_ =	swait.ge [sflag:s11], $0x800  }
0x223: {  	[sflag:s11] =	ssyncset.done $0x0  }
0x224: {  	[sflag:s11] =	ssyncadd.s32 $0xFFFFF800  }
0x225: {  	_ =	swait.ge [sflag:s11], $0x800  }
0x226: {  	[sflag:s11] =	ssyncset.done $0x0  }
0x227: {  	[sflag:s11] =	ssyncadd.s32 $0xFFFFF800  }
0x228: {  	_ =	swait.ge [sflag:s11], $0x800  }
0x229: {  	[sflag:s11] =	ssyncset.done $0x0  }
0x22a: {  	[sflag:s11] =	ssyncadd.s32 $0xFFFFF800  }
0x22b: {  	_ =	swait.ge [sflag:s11], $0x800  }
0x22c: {  	[sflag:s11] =	ssyncset.done $0x0  }
0x22d: {  	[sflag:s11] =	ssyncadd.s32 $0xFFFFF800  }
0x22e: {  	_ =	swait.ge [sflag:s11], $0x800  }
0x22f: {  	[sflag:s11] =	ssyncset.done $0x0  }
0x230: {  	[sflag:s11] =	ssyncadd.s32 $0xFFFFF800  }
0x231: {  	_ =	swait.ge [sflag:s11], $0x800  }
0x232: {  	[sflag:s11] =	ssyncset.done $0x0  }
0x233: {  	[sflag:s11] =	ssyncadd.s32 $0xFFFFF800  }
0x234: {  	_ =	swait.ge [sflag:s11], $0x800  }
0x235: {  	[sflag:s11] =	ssyncset.done $0x0  }
0x236: {  	[sflag:s11] =	ssyncadd.s32 $0xFFFFF800  }
0x237: {  	_ =	swait.ge [sflag:s11], $0x800  }
0x238: {  	[sflag:s11] =	ssyncset.done $0x0  }
0x239: {  	[sflag:s11] =	ssyncadd.s32 $0xFFFFF800  }
0x23a: {  	_ =	swait.ge [sflag:s11], $0x800  }
0x23b: {  	[sflag:s11] =	ssyncset.done $0x0  }
0x23c: {  	[sflag:s11] =	ssyncadd.s32 $0xFFFFF800  }
0x23d: {  	_ =	swait.ge [sflag:s11], $0x800  }
0x23e: {  	[sflag:s11] =	ssyncset.done $0x0  }
0x23f: {  	p0 =	sne.s32 s14, $0x5100;
	[sflag:s11] =	ssyncadd.s32 $0xFFFFF800  }
.Ltmp0:
0x240: {  	_ =	swait.ge [sflag:s11], $0x800;
	(pc) =	sbr.rel @p0 .LBB2_2-.Ltmp0, $4  }
0x241: {  	[sflag:s11] =	ssyncset.done $0x0  }
0x242: {  	[sflag:s11] =	ssyncadd.s32 $0xFFFFF800  }
0x243: {  	s17 =	smov.u32 s14;
	s14 =	sadd.s32 $0x1B00, s14;
	_ =	swait.ge [sflag:s11], $0x800  }
0x244: {  	s12 =	smov.u32 s17;
	s16 =	rddreg [dreg:$0x4];
	[sflag:s11] =	ssyncset.done $0x0  }
0x245: {  	[sflag:s11] =	ssyncadd.s32 $0xFFFFF800  }
0x246: {  	s14 =	sadd.s32 $0x10, s15;
	s8 =	simm.s32 $0x0;
	s29 =	simm.s32 $0x2  }
0x247: {  	[tilespmem:s8], [sflag:$0x2] =	stream.strided.gather [hbm4b:s14+s7], $0xD00, s16, s7, $0x38;
	[tilespmem:$0xE500] =	vst v63  }
0x248: {  	_ =	swait.ge [sflag:s29], $0xD00  }
0x249: {  	[sflag:s29] =	ssyncset.done $0x0  }
0x24a: {  	s16 =	simm.s32 $0xD00;
	[sflag:s29] =	ssyncadd.s32 $0xFFFFF300  }
0x24b: {  	[tilespmem:s16], [sflag:$0x1] =	stream.indirect.gather [hbm4b:s3+s7], $0x10, s8, s7, $0xb8;
	[tilespmem:$0xE500] =	vst v63  }
0x24c: {  	s17 =	simm.s32 $0x1500  }
0x24d: {  	[tilespmem:s17], [sflag:$0x1] =	stream.indirect.gather [hbm4b:s3+s7], $0x10, s7, s7, $0xb8;
	[tilespmem:$0xE500] =	vst v63  }
0x24e: {  	s18 =	simm.s32 $0x1D00;
	s25 =	rddreg [dreg:$0x5]  }
0x24f: {  	[tilespmem:s18], [sflag:$0x1] =	stream.indirect.gather [hbm4b:s3+s7], $0x10, s25, s7, $0xb8;
	[tilespmem:$0xE500] =	vst v63  }
0x250: {  	s19 =	simm.s32 $0x2500;
	s26 =	rddreg [dreg:$0x6]  }
0x251: {  	[tilespmem:s19], [sflag:$0x1] =	stream.indirect.gather [hbm4b:s3+s7], $0x10, s26, s7, $0xb8;
	[tilespmem:$0xE500] =	vst v63  }
0x252: {  	s20 =	simm.s32 $0x2D00;
	s28 =	rddreg [dreg:$0x7]  }
0x253: {  	[tilespmem:s20], [sflag:$0x1] =	stream.indirect.gather [hbm4b:s3+s7], $0x10, s28, s7, $0xb8;
	[tilespmem:$0xE500] =	vst v63  }
0x254: {  	s21 =	simm.s32 $0x3500;
	s30 =	rddreg [dreg:$0x8]  }
0x255: {  	[tilespmem:s21], [sflag:$0x1] =	stream.indirect.gather [hbm4b:s3+s7], $0x10, s30, s7, $0xb8;
	[tilespmem:$0xE500] =	vst v63  }
0x256: {  	s22 =	simm.s32 $0x3D00;
	s31 =	rddreg [dreg:$0x9]  }
0x257: {  	[tilespmem:s22], [sflag:$0x1] =	stream.indirect.gather [hbm4b:s3+s7], $0x10, s31, s7, $0xb8;
	[tilespmem:$0xE500] =	vst v63  }
0x258: {  	s23 =	simm.s32 $0x4500;
	s0 =	rddreg [dreg:$0xa]  }
0x259: {  	[tilespmem:s23], [sflag:$0x1] =	stream.indirect.gather [hbm4b:s3+s7], $0x10, s0, s7, $0xb8;
	[tilespmem:$0xE500] =	vst v63  }
0x25a: {  	s24 =	simm.s32 $0x4D00;
	s1 =	rddreg [dreg:$0xb]  }
0x25b: {  	[tilespmem:s24], [sflag:$0x1] =	stream.indirect.gather [hbm4b:s3+s7], $0x10, s1, s7, $0xb8;
	[tilespmem:$0xE500] =	vst v63  }
0x25c: {  	s2 =	rddreg [dreg:$0xc];
	s25 =	simm.s32 $0x5500  }
0x25d: {  	[tilespmem:s25], [sflag:$0x1] =	stream.indirect.gather [hbm4b:s3+s7], $0x10, s2, s7, $0xb8;
	[tilespmem:$0xE500] =	vst v63  }
0x25e: {  	s4 =	rddreg [dreg:$0xd];
	s26 =	simm.s32 $0x5D00  }
0x25f: {  	[tilespmem:s26], [sflag:$0x1] =	stream.indirect.gather [hbm4b:s3+s7], $0x10, s4, s7, $0xb8;
	[tilespmem:$0xE500] =	vst v63  }
0x260: {  	s5 =	rddreg [dreg:$0xe];
	s28 =	simm.s32 $0x6500  }
0x261: {  	[tilespmem:s28], [sflag:$0x1] =	stream.indirect.gather [hbm4b:s3+s7], $0x10, s5, s7, $0xb8;
	[tilespmem:$0xE500] =	vst v63  }
0x262: {  	s6 =	rddreg [dreg:$0xf];
	s0 =	simm.s32 $0x6D00  }
0x263: {  	[tilespmem:s0], [sflag:$0x1] =	stream.indirect.gather [hbm4b:s3+s7], $0x10, s6, s7, $0xb8;
	[tilespmem:$0xE500] =	vst v63  }
0x264: {  	s30 =	rddreg [dreg:$0x10];
	s1 =	simm.s32 $0x7500  }
0x265: {  	[tilespmem:s1], [sflag:$0x1] =	stream.indirect.gather [hbm4b:s3+s7], $0x10, s30, s7, $0xb8;
	[tilespmem:$0xE500] =	vst v63  }
0x266: {  	s31 =	rddreg [dreg:$0x11];
	s4 =	simm.s32 $0x7D00  }
0x267: {  	[tilespmem:s4], [sflag:$0x1] =	stream.indirect.gather [hbm4b:s3+s7], $0x10, s31, s7, $0xb8;
	[tilespmem:$0xE500] =	vst v63  }
0x268: {  	s5 =	simm.s32 $0x8500;
	s0 =	rddreg [dreg:$0x12]  }
0x269: {  	[tilespmem:s5], [sflag:$0x1] =	stream.indirect.gather [hbm4b:s3+s7], $0x10, s0, s7, $0xb8;
	[tilespmem:$0xE500] =	vst v63  }
0x26a: {  	s2 =	rddreg [dreg:$0x13];
	s6 =	simm.s32 $0x8D00  }
0x26b: {  	[tilespmem:s6], [sflag:$0x1] =	stream.indirect.gather [hbm4b:s3+s7], $0x10, s2, s7, $0xb8;
	[tilespmem:$0xE500] =	vst v63  }
0x26c: {  	s30 =	rddreg [dreg:$0x14];
	s2 =	simm.s32 $0x9500  }
0x26d: {  	[tilespmem:s2], [sflag:$0x1] =	stream.indirect.gather [hbm4b:s3+s7], $0x10, s30, s7, $0xb8;
	[tilespmem:$0xE500] =	vst v63  }
0x26e: {  	s31 =	rddreg [dreg:$0x15];
	s30 =	simm.s32 $0x9D00  }
0x26f: {  	[tilespmem:s30], [sflag:$0x1] =	stream.indirect.gather [hbm4b:s3+s7], $0x10, s31, s7, $0xb8;
	[tilespmem:$0xE500] =	vst v63  }
0x270: {  	s0 =	rddreg [dreg:$0x16];
	s31 =	simm.s32 $0xA500  }
0x271: {  	[tilespmem:s31], [sflag:$0x1] =	stream.indirect.gather [hbm4b:s3+s7], $0x10, s0, s7, $0xb8;
	[tilespmem:$0xE500] =	vst v63  }
0x272: {  	s14 =	rddreg [dreg:$0x17];
	s0 =	simm.s32 $0xAD00  }
0x273: {  	[tilespmem:s0], [sflag:$0x1] =	stream.indirect.gather [hbm4b:s3+s7], $0x10, s14, s7, $0xb8;
	[tilespmem:$0xE500] =	vst v63  }
0x274: {  	s15 =	rddreg [dreg:$0x18];
	s0 =	simm.s32 $0xB500  }
0x275: {  	[tilespmem:s0], [sflag:$0x1] =	stream.indirect.gather [hbm4b:s3+s7], $0x10, s15, s7, $0xb8;
	[tilespmem:$0xE500] =	vst v63  }
0x276: {  	s14 =	rddreg [dreg:$0x19];
	s0 =	simm.s32 $0xBD00  }
0x277: {  	[tilespmem:s0], [sflag:$0x1] =	stream.indirect.gather [hbm4b:s3+s7], $0x10, s14, s7, $0xb8;
	[tilespmem:$0xE500] =	vst v63  }
0x278: {  	s15 =	rddreg [dreg:$0x1a];
	s0 =	simm.s32 $0xC500  }
0x279: {  	[tilespmem:s0], [sflag:$0x1] =	stream.indirect.gather [hbm4b:s3+s7], $0x10, s15, s7, $0xb8;
	[tilespmem:$0xE500] =	vst v63  }
0x27a: {  	s14 =	rddreg [dreg:$0x1b];
	s0 =	simm.s32 $0xCD00  }
0x27b: {  	[tilespmem:s0], [sflag:$0x1] =	stream.indirect.gather [hbm4b:s3+s7], $0x10, s14, s7, $0xb8;
	[tilespmem:$0xE500] =	vst v63  }
0x27c: {  	s15 =	rddreg [dreg:$0x1c];
	s14 =	simm.s32 $0xD500  }
0x27d: {  	[tilespmem:s14], [sflag:$0x1] =	stream.indirect.gather [hbm4b:s3+s7], $0x10, s15, s7, $0xb8;
	[tilespmem:$0xE500] =	vst v63  }
0x27e: {  	s13 =	sadd.s32 $0x100, s13;
	s15 =	simm.s32 $0xDD00  }
0x27f: {  	[tilespmem:s15], [sflag:$0x2] =	stream.linear.gather [hbm4b:s13+s8], $0x800, $0x38;
	[tilespmem:$0xE500] =	vst v63  }
0x280: {  	_ =	swait.ge [sflag:s29], $0x800  }
0x281: {  	s8 =	rddreg [dreg:$0x3]  }
0x282: {  	[sflag:s29] =	ssyncset.done $0x0;
	s12 =	sadd.s32 s12, s8  }
0x283: {  	[sflag:s29] =	ssyncadd.s32 $0xFFFFF800;
	s13 =	sadd.s32 $0x34, s12  }
0x284: {  	[hbm4b:s13+s9] =	stream.strided.scatter [tilespmem:s15], [sflag:$0x2], $0x800, s10, s9, $0x38;
	[tilespmem:$0xE500] =	vst v63  }
0x285: {  	_ =	swait.ge [sflag:s29], $0x800  }
0x286: {  	[sflag:s29] =	ssyncset.done $0x0  }
0x287: {  	[sflag:s29] =	ssyncadd.s32 $0xFFFFF800  }
0x288: {  	_ =	swait.ge [sflag:s11], $0x800  }
0x289: {  	[sflag:s11] =	ssyncset.done $0x0  }
0x28a: {  	[sflag:s11] =	ssyncadd.s32 $0xFFFFF800  }
0x28b: {  	_ =	swait.ge [sflag:s11], $0x800  }
0x28c: {  	[sflag:s11] =	ssyncset.done $0x0  }
0x28d: {  	[sflag:s11] =	ssyncadd.s32 $0xFFFFF800  }
0x28e: {  	_ =	swait.ge [sflag:s11], $0x800  }
0x28f: {  	[sflag:s11] =	ssyncset.done $0x0  }
0x290: {  	[sflag:s11] =	ssyncadd.s32 $0xFFFFF800  }
0x291: {  	_ =	swait.ge [sflag:s11], $0x800  }
0x292: {  	[sflag:s11] =	ssyncset.done $0x0  }
0x293: {  	[sflag:s11] =	ssyncadd.s32 $0xFFFFF800  }
0x294: {  	_ =	swait.ge [sflag:s11], $0x800  }
0x295: {  	[sflag:s11] =	ssyncset.done $0x0  }
0x296: {  	[sflag:s11] =	ssyncadd.s32 $0xFFFFF800  }
0x297: {  	_ =	swait.ge [sflag:s11], $0x800  }
0x298: {  	[sflag:s11] =	ssyncset.done $0x0  }
0x299: {  	[sflag:s11] =	ssyncadd.s32 $0xFFFFF800  }
0x29a: {  	_ =	swait.ge [sflag:s11], $0x800  }
0x29b: {  	[sflag:s11] =	ssyncset.done $0x0  }
0x29c: {  	[sflag:s11] =	ssyncadd.s32 $0xFFFFF800  }
0x29d: {  	_ =	swait.ge [sflag:s11], $0x800  }
0x29e: {  	[sflag:s11] =	ssyncset.done $0x0  }
0x29f: {  	[sflag:s11] =	ssyncadd.s32 $0xFFFFF800  }
0x2a0: {  	_ =	swait.ge [sflag:s11], $0x800  }
0x2a1: {  	[sflag:s11] =	ssyncset.done $0x0  }
0x2a2: {  	[sflag:s11] =	ssyncadd.s32 $0xFFFFF800  }
0x2a3: {  	_ =	swait.ge [sflag:s11], $0x800  }
0x2a4: {  	[sflag:s11] =	ssyncset.done $0x0  }
0x2a5: {  	[sflag:s11] =	ssyncadd.s32 $0xFFFFF800  }
0x2a6: {  	_ =	swait.ge [sflag:s11], $0x800  }
0x2a7: {  	[sflag:s11] =	ssyncset.done $0x0  }
0x2a8: {  	[sflag:s11] =	ssyncadd.s32 $0xFFFFF800  }
0x2a9: {  	_ =	swait.ge [sflag:s11], $0x800  }
0x2aa: {  	[sflag:s11] =	ssyncset.done $0x0  }
0x2ab: {  	[sflag:s11] =	ssyncadd.s32 $0xFFFFF800  }
0x2ac: {  	_ =	swait.ge [sflag:s11], $0x800  }
0x2ad: {  	[sflag:s11] =	ssyncset.done $0x0  }
0x2ae: {  	[sflag:s11] =	ssyncadd.s32 $0xFFFFF800  }
0x2af: {  	_ =	swait.ge [sflag:s11], $0x800  }
0x2b0: {  	[sflag:s11] =	ssyncset.done $0x0  }
0x2b1: {  	[sflag:s11] =	ssyncadd.s32 $0xFFFFF800  }
0x2b2: {  	_ =	swait.ge [sflag:s11], $0x800  }
0x2b3: {  	[sflag:s11] =	ssyncset.done $0x0  }
0x2b4: {  	[sflag:s11] =	ssyncadd.s32 $0xFFFFF800  }
0x2b5: {  	_ =	swait.ge [sflag:s11], $0x800  }
0x2b6: {  	[sflag:s11] =	ssyncset.done $0x0  }
0x2b7: {  	[sflag:s11] =	ssyncadd.s32 $0xFFFFF800  }
0x2b8: {  	_ =	swait.ge [sflag:s11], $0x800  }
0x2b9: {  	[sflag:s11] =	ssyncset.done $0x0  }
0x2ba: {  	[sflag:s11] =	ssyncadd.s32 $0xFFFFF800  }
0x2bb: {  	_ =	swait.ge [sflag:s11], $0x800  }
0x2bc: {  	[sflag:s11] =	ssyncset.done $0x0  }
0x2bd: {  	[sflag:s11] =	ssyncadd.s32 $0xFFFFF800  }
0x2be: {  	_ =	swait.ge [sflag:s11], $0x800  }
0x2bf: {  	[sflag:s11] =	ssyncset.done $0x0  }
0x2c0: {  	[sflag:s11] =	ssyncadd.s32 $0xFFFFF800  }
0x2c1: {  	_ =	swait.ge [sflag:s11], $0x800  }
0x2c2: {  	[sflag:s11] =	ssyncset.done $0x0  }
0x2c3: {  	[sflag:s11] =	ssyncadd.s32 $0xFFFFF800  }
0x2c4: {  	_ =	swait.ge [sflag:s11], $0x800  }
0x2c5: {  	[sflag:s11] =	ssyncset.done $0x0  }
0x2c6: {  	[sflag:s11] =	ssyncadd.s32 $0xFFFFF800  }
0x2c7: {  	_ =	swait.ge [sflag:s11], $0x800  }
0x2c8: {  	[sflag:s11] =	ssyncset.done $0x0  }
0x2c9: {  	[sflag:s11] =	ssyncadd.s32 $0xFFFFF800  }
0x2ca: {  	_ =	swait.ge [sflag:s11], $0x800  }
0x2cb: {  	[sflag:s11] =	ssyncset.done $0x0  }
0x2cc: {  	[sflag:s11] =	ssyncadd.s32 $0xFFFFF800  }
0x2cd: {  	_ =	swait.ge [sflag:s11], $0x800  }
0x2ce: {  	[sflag:s11] =	ssyncset.done $0x0  }
0x2cf: {  	[sflag:s11] =	ssyncadd.s32 $0xFFFFF800  }
0x2d0: {  	_ =	swait.ge [sflag:s11], $0x800  }
0x2d1: {  	[sflag:s11] =	ssyncset.done $0x0  }
0x2d2: {  	[sflag:s11] =	ssyncadd.s32 $0xFFFFF800  }
0x2d3: {  	_ =	swait.ge [sflag:s11], $0x800  }
0x2d4: {  	[sflag:s11] =	ssyncset.done $0x0  }
0x2d5: {  	[sflag:s11] =	ssyncadd.s32 $0xFFFFF800  }
0x2d6: {  	[hbm4b:s12+s9] =	stream.strided.scatter [tilespmem:s16], [sflag:$0x1], $0x800, s10, s9, $0x38;
	[tilespmem:$0xE500] =	vst v63  }
0x2d7: {  	s15 =	sadd.s32 $0x2, s12  }
0x2d8: {  	[hbm4b:s15+s9] =	stream.strided.scatter [tilespmem:s17], [sflag:$0x1], $0x800, s10, s9, $0x38;
	[tilespmem:$0xE500] =	vst v63  }
0x2d9: {  	s16 =	sadd.s32 $0x4, s12  }
0x2da: {  	[hbm4b:s16+s9] =	stream.strided.scatter [tilespmem:s18], [sflag:$0x1], $0x800, s10, s9, $0x38;
	[tilespmem:$0xE500] =	vst v63  }
0x2db: {  	s17 =	sadd.s32 $0x6, s12  }
0x2dc: {  	[hbm4b:s17+s9] =	stream.strided.scatter [tilespmem:s19], [sflag:$0x1], $0x800, s10, s9, $0x38;
	[tilespmem:$0xE500] =	vst v63  }
0x2dd: {  	s18 =	sadd.s32 $0x8, s12  }
0x2de: {  	[hbm4b:s18+s9] =	stream.strided.scatter [tilespmem:s20], [sflag:$0x1], $0x800, s10, s9, $0x38;
	[tilespmem:$0xE500] =	vst v63  }
0x2df: {  	s19 =	sadd.s32 $0xA, s12  }
0x2e0: {  	[hbm4b:s19+s9] =	stream.strided.scatter [tilespmem:s21], [sflag:$0x1], $0x800, s10, s9, $0x38;
	[tilespmem:$0xE500] =	vst v63  }
0x2e1: {  	s20 =	sadd.s32 $0xC, s12  }
0x2e2: {  	[hbm4b:s20+s9] =	stream.strided.scatter [tilespmem:s22], [sflag:$0x1], $0x800, s10, s9, $0x38;
	[tilespmem:$0xE500] =	vst v63  }
0x2e3: {  	s21 =	sadd.s32 $0xE, s12  }
0x2e4: {  	[hbm4b:s21+s9] =	stream.strided.scatter [tilespmem:s23], [sflag:$0x1], $0x800, s10, s9, $0x38;
	[tilespmem:$0xE500] =	vst v63  }
0x2e5: {  	s22 =	sadd.s32 $0x10, s12  }
0x2e6: {  	[hbm4b:s22+s9] =	stream.strided.scatter [tilespmem:s24], [sflag:$0x1], $0x800, s10, s9, $0x38;
	[tilespmem:$0xE500] =	vst v63  }
0x2e7: {  	s23 =	sadd.s32 $0x12, s12  }
0x2e8: {  	[hbm4b:s23+s9] =	stream.strided.scatter [tilespmem:s25], [sflag:$0x1], $0x800, s10, s9, $0x38;
	[tilespmem:$0xE500] =	vst v63  }
0x2e9: {  	s24 =	sadd.s32 $0x14, s12  }
0x2ea: {  	[hbm4b:s24+s9] =	stream.strided.scatter [tilespmem:s26], [sflag:$0x1], $0x800, s10, s9, $0x38;
	[tilespmem:$0xE500] =	vst v63  }
0x2eb: {  	s25 =	sadd.s32 $0x16, s12  }
0x2ec: {  	[hbm4b:s25+s9] =	stream.strided.scatter [tilespmem:s28], [sflag:$0x1], $0x800, s10, s9, $0x38;
	[tilespmem:$0xE500] =	vst v63  }
0x2ed: {  	s26 =	sadd.s32 $0x18, s12;
	s28 =	simm.s32 $0x6D00  }
0x2ee: {  	[hbm4b:s26+s9] =	stream.strided.scatter [tilespmem:s28], [sflag:$0x1], $0x800, s10, s9, $0x38;
	[tilespmem:$0xE500] =	vst v63  }
0x2ef: {  	s29 =	sadd.s32 $0x1A, s12  }
0x2f0: {  	[hbm4b:s29+s9] =	stream.strided.scatter [tilespmem:s1], [sflag:$0x1], $0x800, s10, s9, $0x38;
	[tilespmem:$0xE500] =	vst v63  }
0x2f1: {  	s8 =	sadd.s32 $0x1C, s12  }
0x2f2: {  	[hbm4b:s8+s9] =	stream.strided.scatter [tilespmem:s4], [sflag:$0x1], $0x800, s10, s9, $0x38;
	[tilespmem:$0xE500] =	vst v63  }
0x2f3: {  	s15 =	sadd.s32 $0x1E, s12  }
0x2f4: {  	[hbm4b:s15+s9] =	stream.strided.scatter [tilespmem:s5], [sflag:$0x1], $0x800, s10, s9, $0x38;
	[tilespmem:$0xE500] =	vst v63  }
0x2f5: {  	s16 =	sadd.s32 $0x20, s12  }
0x2f6: {  	[hbm4b:s16+s9] =	stream.strided.scatter [tilespmem:s6], [sflag:$0x1], $0x800, s10, s9, $0x38;
	[tilespmem:$0xE500] =	vst v63  }
0x2f7: {  	s17 =	sadd.s32 $0x22, s12  }
0x2f8: {  	[hbm4b:s17+s9] =	stream.strided.scatter [tilespmem:s2], [sflag:$0x1], $0x800, s10, s9, $0x38;
	[tilespmem:$0xE500] =	vst v63  }
0x2f9: {  	s18 =	sadd.s32 $0x24, s12  }
0x2fa: {  	[hbm4b:s18+s9] =	stream.strided.scatter [tilespmem:s30], [sflag:$0x1], $0x800, s10, s9, $0x38;
	[tilespmem:$0xE500] =	vst v63  }
0x2fb: {  	s19 =	sadd.s32 $0x26, s12  }
0x2fc: {  	[hbm4b:s19+s9] =	stream.strided.scatter [tilespmem:s31], [sflag:$0x1], $0x800, s10, s9, $0x38;
	[tilespmem:$0xE500] =	vst v63  }
0x2fd: {  	s20 =	sadd.s32 $0x28, s12;
	s21 =	simm.s32 $0xAD00  }
0x2fe: {  	[hbm4b:s20+s9] =	stream.strided.scatter [tilespmem:s21], [sflag:$0x1], $0x800, s10, s9, $0x38;
	[tilespmem:$0xE500] =	vst v63  }
0x2ff: {  	s22 =	sadd.s32 $0x2A, s12;
	s23 =	simm.s32 $0xB500  }
0x300: {  	[hbm4b:s22+s9] =	stream.strided.scatter [tilespmem:s23], [sflag:$0x1], $0x800, s10, s9, $0x38;
	[tilespmem:$0xE500] =	vst v63  }
0x301: {  	s24 =	sadd.s32 $0x2C, s12;
	s25 =	simm.s32 $0xBD00  }
0x302: {  	[hbm4b:s24+s9] =	stream.strided.scatter [tilespmem:s25], [sflag:$0x1], $0x800, s10, s9, $0x38;
	[tilespmem:$0xE500] =	vst v63  }
0x303: {  	s26 =	sadd.s32 $0x2E, s12;
	s28 =	simm.s32 $0xC500  }
0x304: {  	[hbm4b:s26+s9] =	stream.strided.scatter [tilespmem:s28], [sflag:$0x1], $0x800, s10, s9, $0x38;
	[tilespmem:$0xE500] =	vst v63  }
0x305: {  	s0 =	simm.s32 $0xCD00;
	s29 =	sadd.s32 $0x30, s12  }
0x306: {  	[hbm4b:s29+s9] =	stream.strided.scatter [tilespmem:s0], [sflag:$0x1], $0x800, s10, s9, $0x38;
	[tilespmem:$0xE500] =	vst v63  }
0x307: {  	s12 =	sadd.s32 $0x32, s12  }
0x308: {  	[hbm4b:s12+s9] =	stream.strided.scatter [tilespmem:s14], [sflag:$0x1], $0x800, s10, s9, $0x38;
	[tilespmem:$0xE500] =	vst v63  }
0x309: {  	_ =	swait.ge [sflag:s11], $0x800  }
0x30a: {  	[sflag:s11] =	ssyncset.done $0x0  }
0x30b: {  	[sflag:s11] =	ssyncadd.s32 $0xFFFFF800  }
0x30c: {  	_ =	swait.ge [sflag:s11], $0x800  }
0x30d: {  	[sflag:s11] =	ssyncset.done $0x0  }
0x30e: {  	[sflag:s11] =	ssyncadd.s32 $0xFFFFF800  }
0x30f: {  	_ =	swait.ge [sflag:s11], $0x800  }
0x310: {  	[sflag:s11] =	ssyncset.done $0x0  }
0x311: {  	[sflag:s11] =	ssyncadd.s32 $0xFFFFF800  }
0x312: {  	_ =	swait.ge [sflag:s11], $0x800  }
0x313: {  	[sflag:s11] =	ssyncset.done $0x0  }
0x314: {  	[sflag:s11] =	ssyncadd.s32 $0xFFFFF800  }
0x315: {  	_ =	swait.ge [sflag:s11], $0x800  }
0x316: {  	[sflag:s11] =	ssyncset.done $0x0  }
0x317: {  	[sflag:s11] =	ssyncadd.s32 $0xFFFFF800  }
0x318: {  	_ =	swait.ge [sflag:s11], $0x800  }
0x319: {  	[sflag:s11] =	ssyncset.done $0x0  }
0x31a: {  	[sflag:s11] =	ssyncadd.s32 $0xFFFFF800  }
0x31b: {  	_ =	swait.ge [sflag:s11], $0x800  }
0x31c: {  	[sflag:s11] =	ssyncset.done $0x0  }
0x31d: {  	[sflag:s11] =	ssyncadd.s32 $0xFFFFF800  }
0x31e: {  	_ =	swait.ge [sflag:s11], $0x800  }
0x31f: {  	[sflag:s11] =	ssyncset.done $0x0  }
0x320: {  	[sflag:s11] =	ssyncadd.s32 $0xFFFFF800  }
0x321: {  	_ =	swait.ge [sflag:s11], $0x800  }
0x322: {  	[sflag:s11] =	ssyncset.done $0x0  }
0x323: {  	[sflag:s11] =	ssyncadd.s32 $0xFFFFF800  }
0x324: {  	_ =	swait.ge [sflag:s11], $0x800  }
0x325: {  	[sflag:s11] =	ssyncset.done $0x0  }
0x326: {  	[sflag:s11] =	ssyncadd.s32 $0xFFFFF800  }
0x327: {  	_ =	swait.ge [sflag:s11], $0x800  }
0x328: {  	[sflag:s11] =	ssyncset.done $0x0  }
0x329: {  	[sflag:s11] =	ssyncadd.s32 $0xFFFFF800  }
0x32a: {  	_ =	swait.ge [sflag:s11], $0x800  }
0x32b: {  	[sflag:s11] =	ssyncset.done $0x0  }
0x32c: {  	[sflag:s11] =	ssyncadd.s32 $0xFFFFF800  }
0x32d: {  	_ =	swait.ge [sflag:s11], $0x800  }
0x32e: {  	[sflag:s11] =	ssyncset.done $0x0  }
0x32f: {  	[sflag:s11] =	ssyncadd.s32 $0xFFFFF800  }
0x330: {  	_ =	swait.ge [sflag:s11], $0x800  }
0x331: {  	[sflag:s11] =	ssyncset.done $0x0  }
0x332: {  	[sflag:s11] =	ssyncadd.s32 $0xFFFFF800  }
0x333: {  	_ =	swait.ge [sflag:s11], $0x800  }
0x334: {  	[sflag:s11] =	ssyncset.done $0x0  }
0x335: {  	[sflag:s11] =	ssyncadd.s32 $0xFFFFF800  }
0x336: {  	_ =	swait.ge [sflag:s11], $0x800  }
0x337: {  	[sflag:s11] =	ssyncset.done $0x0  }
0x338: {  	[sflag:s11] =	ssyncadd.s32 $0xFFFFF800  }
0x339: {  	_ =	swait.ge [sflag:s11], $0x800  }
0x33a: {  	[sflag:s11] =	ssyncset.done $0x0  }
0x33b: {  	[sflag:s11] =	ssyncadd.s32 $0xFFFFF800  }
0x33c: {  	_ =	swait.ge [sflag:s11], $0x800  }
0x33d: {  	[sflag:s11] =	ssyncset.done $0x0  }
0x33e: {  	[sflag:s11] =	ssyncadd.s32 $0xFFFFF800  }
0x33f: {  	_ =	swait.ge [sflag:s11], $0x800  }
0x340: {  	[sflag:s11] =	ssyncset.done $0x0  }
0x341: {  	[sflag:s11] =	ssyncadd.s32 $0xFFFFF800  }
0x342: {  	_ =	swait.ge [sflag:s11], $0x800  }
0x343: {  	[sflag:s11] =	ssyncset.done $0x0  }
0x344: {  	[sflag:s11] =	ssyncadd.s32 $0xFFFFF800  }
0x345: {  	_ =	swait.ge [sflag:s11], $0x800  }
0x346: {  	[sflag:s11] =	ssyncset.done $0x0  }
0x347: {  	[sflag:s11] =	ssyncadd.s32 $0xFFFFF800  }
0x348: {  	_ =	swait.ge [sflag:s11], $0x800  }
0x349: {  	[sflag:s11] =	ssyncset.done $0x0  }
0x34a: {  	[sflag:s11] =	ssyncadd.s32 $0xFFFFF800  }
0x34b: {  	_ =	swait.ge [sflag:s11], $0x800  }
0x34c: {  	[sflag:s11] =	ssyncset.done $0x0  }
0x34d: {  	[sflag:s11] =	ssyncadd.s32 $0xFFFFF800  }
0x34e: {  	_ =	swait.ge [sflag:s11], $0x800  }
0x34f: {  	[sflag:s11] =	ssyncset.done $0x0  }
0x350: {  	[sflag:s11] =	ssyncadd.s32 $0xFFFFF800  }
0x351: {  	_ =	swait.ge [sflag:s11], $0x800  }
0x352: {  	[sflag:s11] =	ssyncset.done $0x0  }
0x353: {  	[sflag:s11] =	ssyncadd.s32 $0xFFFFF800  }
0x354: {  	_ =	swait.ge [sflag:s11], $0x800  }
0x355: {  	s30 =	sld [smem:$0x7FD];
	_ =	sdelay $0x2  }
0x356: {  	s31 =	rddreg [dreg:$0x1d];
	s0 =	sadd.s32 $0x1, s30  }
0x357: {  	p0 =	sne.s32 s0, s31  }
.Ltmp1:
0x358: {  	_ = 	snop;
	(pc) =	sbr.rel @p0 .LBB2_1-.Ltmp1, $3  }
0x359: {  	_ =	sdelay $0x1  }
0x35a: {  	[sflag:s11] =	ssyncset.done $0x0  }
0x35b: {  	[sflag:s11] =	ssyncadd.s32 $0xFFFFF800  }
0x35c: {  	_ =	sfence.sel $0x180000  }
0x35d: {  	[bflag:$0x0] =	sbarrier.arrive $0xFFFF  }
0x35e: {  	_ =	strace $0x90000047  }
0x35f: {  	s0 =	stileid.u32;
	[bflag:$0x2] =	sbarrier.arrive $0xFFFF  }
0x360: {  	p0 =	sne.s32 s0, $0x0;
	s0 =	rddreg [dreg:$0x2]  }
0x361: {  	s0 =	sadd.s32 @!p0 $0x100000, s0  }
0x362: {  	[sflag:s0] =	ssyncadd.tile.s32 @!p0 $0x1;
	_ =	shalt  }
.Lfunc_end2:
_tile_overlayer_lowered:
.L_overlay_start_2:
0x363: {  	(tag) =	ssettag $0x2  }
0x364: {  	s0 =	rddreg [dreg:$0x0];
	s2 =	stileid.u32  }
0x365: {  	s1 =	rddreg [dreg:$0x1];
	p0 =	sne.s32 s2, $0x0  }
0x366: {  	s3 =	rddreg [dreg:$0x2];
	[bflag:$0x3] =	sbarrier.arrive $0xFFFF;
	s2 =	simm.s32 @!p0 $0x1C02  }
0x367: {  	[timem:s3], [sflag:s2] =	dma.local @!p0 [hbm:s0], s1  }
0x368: {  	s0 =	simm.s32 @!p0 $0x2  }
0x369: {  	_ =	swait.ge @!p0 [sflag:s0], s1  }
0x36a: {  	s1 =	ssub.s32 @!p0 $0x0, s1;
	[sflag:s0] =	ssyncset.done @!p0 $0x0  }
0x36b: {  	[sflag:s0] =	ssyncadd.s32 @!p0 s1  }
0x36c: {  	[bflag:$0x3] =	sbarrier.arrive $0xFFFF  }
0x36d: {  	_ =	shalt  }

</sc_bundles>
